<compile_context>
chip_gen: v7x
topology: tpu7x:2x2x1
jax: 0.10.2.dev20260603
libtpu: 0.0.44.dev20260713+nightly
codegen_flags: <defaults>
</compile_context>

<pallas_src>
import functools

import jax
import jax.numpy as jnp
from jax import lax
from jax.experimental import pallas as pl
from jax.experimental.pallas import tpu as pltpu
from jax.experimental.pallas import tpu_sc as plsc

_NUM_SUITS = 5
_NUM_RANKS = 14
_NUM_CARDS = _NUM_SUITS * _NUM_RANKS
_EMB = 64
_TW = 128

_NC = 2
_NS = 16
_NW = _NC * _NS

_C = 128
_IDXW = 128
_NJ = _C // _IDXW

_ROWS = _NUM_SUITS * _NUM_RANKS * _NUM_CARDS
_ROWS_PAD = ((_ROWS + _NS - 1) // _NS + 7) // 8 * 8 * _NS


def _make_sc_lookup(n_tokens: int):
    cpw = n_tokens // _NW
    chunks = cpw // _C
    stage = _ROWS_PAD // _NS
    hop = stage // 3

    mesh = plsc.VectorSubcoreMesh(core_axis_name="c", subcore_axis_name="s")

    @functools.partial(
        pl.kernel,
        out_type=jax.ShapeDtypeStruct((n_tokens // 2, 2 * _EMB), jnp.float32),
        mesh=mesh,
        scratch_types=[
            pltpu.VMEM((2 * _C,), jnp.int32),
            pltpu.VMEM((2 * _C,), jnp.int32),
            pltpu.VMEM((2 * _C,), jnp.int32),
            pltpu.VMEM((2 * _NJ, _IDXW), jnp.int32),
            pltpu.VMEM((2, _C, _TW), jnp.float32),
            pltpu.VMEM((_C // 2, 2 * _EMB), jnp.float32),
            pltpu.VMEM_SHARED((_ROWS_PAD, _TW), jnp.float32),
            pltpu.SemaphoreType.DMA,
            pltpu.SemaphoreType.DMA,
            pltpu.SemaphoreType.DMA,
            pltpu.SemaphoreType.DMA,
            pltpu.SemaphoreType.DMA,
        ],
        compiler_params=pltpu.CompilerParams(use_tc_tiling_on_sc=True),
    )
    def sc_lookup(idx_hbm, comb_hbm, out_hbm,
                  si_v, ri_v, ci_v, cidx_v, rows_v, pack_v, table_sh,
                  sem_in0, sem_in1, sem_g0, sem_g1, sem_out):
        cid = lax.axis_index("c")
        sid = lax.axis_index("s")
        wid = sid * _NC + cid
        sem_in = (sem_in0, sem_in1)
        sem_g = (sem_g0, sem_g1)

        for h in range(3):
            pltpu.sync_copy(comb_hbm.at[pl.ds(sid * stage + h * hop, hop)],
                            rows_v.at[0, pl.ds(0, hop)])
            pltpu.sync_copy(rows_v.at[0, pl.ds(0, hop)],
                            table_sh.at[pl.ds(sid * stage + h * hop, hop)])
        plsc.subcore_barrier()

        def start_in(g, b):
            base = wid * cpw + g * _C
            pltpu.async_copy(idx_hbm.at[pl.ds(base, _C)], si_v.at[pl.ds(b * _C, _C)], sem_in[b])
            pltpu.async_copy(idx_hbm.at[pl.ds(n_tokens + base, _C)], ri_v.at[pl.ds(b * _C, _C)], sem_in[b])
            pltpu.async_copy(idx_hbm.at[pl.ds(2 * n_tokens + base, _C)], ci_v.at[pl.ds(b * _C, _C)], sem_in[b])

        def wait_in(b):
            pltpu.make_async_copy(idx_hbm.at[pl.ds(0, _C)], si_v.at[pl.ds(b * _C, _C)], sem_in[b]).wait()
            pltpu.make_async_copy(idx_hbm.at[pl.ds(0, _C)], ri_v.at[pl.ds(b * _C, _C)], sem_in[b]).wait()
            pltpu.make_async_copy(idx_hbm.at[pl.ds(0, _C)], ci_v.at[pl.ds(b * _C, _C)], sem_in[b]).wait()

        def fire_gathers(g, b):
            wait_in(b)
            for i in range(_C // 16):
                off = b * _C + i * 16
                s = si_v[pl.ds(off, 16)]
                r = ri_v[pl.ds(off, 16)]
                c = ci_v[pl.ds(off, 16)]
                cidx_v[b * _NJ + i // 8, pl.ds((i % 8) * 16, 16)] = (
                    (s * _NUM_RANKS + r) * _NUM_CARDS + c)
            for j in range(_NJ):
                pltpu.async_copy(table_sh.at[cidx_v.at[b * _NJ + j]],
                                 rows_v.at[b, pl.ds(j * _IDXW, _IDXW)], sem_g[b])

        def wait_gathers(b):
            for j in range(_NJ):
                pltpu.make_async_copy(table_sh.at[cidx_v.at[b * _NJ + j]],
                                      rows_v.at[b, pl.ds(j * _IDXW, _IDXW)], sem_g[b]).wait()

        def wait_out():
            pltpu.make_async_copy(pack_v, out_hbm.at[pl.ds(0, _C // 2)], sem_out).wait()

        start_in(0, 0)
        start_in(1, 1)
        fire_gathers(0, 0)
        start_in(2, 0)
        fire_gathers(1, 1)
        start_in(3, 1)

        def half(t, b):
            g = 2 * t + b
            wait_gathers(b)

            @pl.when(g >= 1)
            def _():
                wait_out()

            def compact(i8, carry):
                for u in range(8):
                    for q in range(4):
                        pack_v[i8 * 4 + u // 2, pl.ds((u % 2) * _EMB + q * 16, 16)] = (
                            rows_v[b, i8 * 8 + u, pl.ds(q * 16, 16)])
                return carry
            lax.fori_loop(0, _C // 8, compact, 0)

            pltpu.async_copy(pack_v,
                             out_hbm.at[pl.ds(wid * (cpw // 2) + g * (_C // 2), _C // 2)],
                             sem_out)

            @pl.when(g + 2 < chunks)
            def _():
                fire_gathers(g + 2, b)

            @pl.when(g + 4 < chunks)
            def _():
                start_in(g + 4, b)

        def outer(t, carry):
            half(t, 0)
            half(t, 1)
            return carry

        lax.fori_loop(0, chunks // 2, outer, 0)
        wait_out()

    return sc_lookup


def kernel(suit_indices, rank_indices, card_indices, suit_table, rank_table, card_table):
    b, l = suit_indices.shape
    n = b * l

    comb = (suit_table[:, None, None, :]
            + rank_table[None, :, None, :]
            + card_table[None, None, :, :]).reshape(_ROWS, _EMB)
    comb = jnp.pad(comb, ((0, _ROWS_PAD - _ROWS), (0, _TW - _EMB)))

    si = suit_indices.reshape(-1).astype(jnp.int32)
    ri = rank_indices.reshape(-1).astype(jnp.int32)
    ci = card_indices.reshape(-1).astype(jnp.int32)

    grain = _NW * _C
    n_pad = (n + grain - 1) // grain * grain
    if n_pad != n:
        pad = n_pad - n
        si = jnp.pad(si, (0, pad))
        ri = jnp.pad(ri, (0, pad))
        ci = jnp.pad(ci, (0, pad))

    idx = jnp.concatenate([si, ri, ci])

    out = _make_sc_lookup(n_pad)(idx, comb)
    if n_pad != n:
        out = out.reshape(n_pad, _EMB)[:n]
    return out.reshape(b, l, _EMB)

# --- scband reference (transcript-rebuilt; emitter-appended) ---
"""Pipeline reference for scband-card-embedding-31284541784677 (READ-ONLY COPY).

The authoritative reference and input builder live on the scoring server;
editing this copy changes nothing except your own understanding.
"""

import jax, jax.numpy as jnp
import numpy as np

NUM_SUITS = 5
NUM_RANKS = 14
NUM_CARDS = NUM_SUITS * NUM_RANKS
EMB = 64
B, L = 16384, 200

def setup_inputs(seed: int = 0) -> dict:
    key = jax.random.key(seed)
    k1, k2, k3, k4, k5, k6 = jax.random.split(key, 6)
    suit_indices = jax.random.randint(k1, (B, L), 0, NUM_SUITS, dtype=jnp.int64 if jax.config.jax_enable_x64 else jnp.int32)
    rank_indices = jax.random.randint(k2, (B, L), 0, NUM_RANKS, dtype=jnp.int64 if jax.config.jax_enable_x64 else jnp.int32)
    card_indices = jax.random.randint(k3, (B, L), 0, NUM_CARDS, dtype=jnp.int64 if jax.config.jax_enable_x64 else jnp.int32)
    suit_table = jax.random.normal(k4, (NUM_SUITS, EMB), dtype=jnp.float32)
    rank_table = jax.random.normal(k5, (NUM_RANKS, EMB), dtype=jnp.float32)
    card_table = jax.random.normal(k6, (NUM_CARDS, EMB), dtype=jnp.float32)
    return {
        "suit_indices": suit_indices,
        "rank_indices": rank_indices,
        "card_indices": card_indices,
        "suit_table": suit_table,
        "rank_table": rank_table,
        "card_table": card_table,
    }

def reference(suit_indices, rank_indices, card_indices, suit_table, rank_table, card_table):
    suit_embedding = jnp.take(suit_table, suit_indices, axis=0)
    rank_embedding = jnp.take(rank_table, rank_indices, axis=0)
    card_embedding = jnp.take(card_table, card_indices, axis=0)
    final_embedding = suit_embedding + rank_embedding + card_embedding
    return final_embedding

if __name__ == "__main__":
    import jax
    _d = setup_inputs()
    print(jax.jit(kernel)(*tuple(_d.values())))

</pallas_src>

<mosaic_0001>
#map = affine_map<(d0, d1) -> (0)>
#map1 = affine_map<(d0, d1) -> (0, 0)>
module attributes {stable_mosaic.version = 14 : i64} {
  func.func @sc_lookup(%arg0: i32, %arg1: i32, %arg2: memref<9830400xi32, #tpu.memory_space<hbm>>, %arg3: memref<4992x128xf32, #tpu.memory_space<hbm>>, %arg4: memref<1638400x128xf32, #tpu.memory_space<hbm>>, %arg5: memref<256xi32, #tpu.memory_space<vmem>>, %arg6: memref<256xi32, #tpu.memory_space<vmem>>, %arg7: memref<256xi32, #tpu.memory_space<vmem>>, %arg8: memref<2x128xi32, #tpu.memory_space<vmem>>, %arg9: memref<2x128x128xf32, #tpu.memory_space<vmem>>, %arg10: memref<64x128xf32, #tpu.memory_space<vmem>>, %arg11: memref<4992x128xf32, #tpu.memory_space<vmem_shared>>, %arg12: memref<!tpu.dma_semaphore, #tpu.memory_space<semaphore_mem>>, %arg13: memref<!tpu.dma_semaphore, #tpu.memory_space<semaphore_mem>>, %arg14: memref<!tpu.dma_semaphore, #tpu.memory_space<semaphore_mem>>, %arg15: memref<!tpu.dma_semaphore, #tpu.memory_space<semaphore_mem>>, %arg16: memref<!tpu.dma_semaphore, #tpu.memory_space<semaphore_mem>>) attributes {dimension_semantics = [#tpu.dimension_semantics<core_parallel>, #tpu.dimension_semantics<subcore_parallel>], iteration_bounds = array<i64: 2, 16>, scalar_prefetch = 0 : i64, scratch_operands = 12 : i64, tpu.core_type = #tpu.core_type<sc_vector_subcore>, window_params = [{transform_indices = #map}, {transform_indices = #map1}, {transform_indices = #map1}]} {
    %mul3A = arith.constant 2 : i32
    %mul3A_0 = arith.muli %arg1, %mul3A : i32
    %add3A = arith.addi %mul3A_0, %arg0 : i32
    %mul3A_1 = arith.constant 312 : i32
    %mul3A_2 = arith.muli %arg1, %mul3A_1 : i32
    %add3A_3 = arith.constant 0 : i32
    %add3A_4 = arith.addi %mul3A_2, %add3A_3 : i32
    %run_scoped3A = arith.constant 0 : i32
    "tpu.region"() ({
      %run_scoped3A_581 = tpu.sem_alloc : memref<!tpu.dma_semaphore, #tpu.memory_space<semaphore_mem>>
      %dma_start3A_582 = arith.constant 0 : i32
      %dma_start3A_583 = arith.constant 0 : i32
      %dma_start3A_584 = tpu.memref_slice %arg9[%run_scoped3A, %dma_start3A_582, %dma_start3A_583] : memref<2x128x128xf32, #tpu.memory_space<vmem>> -> memref<1x104x128xf32, #tpu.memory_space<vmem>>
      %dma_start3A_585 = tpu.memref_squeeze %dma_start3A_584 : memref<1x104x128xf32, #tpu.memory_space<vmem>> -> memref<104x128xf32, #tpu.memory_space<vmem>>
      %dma_start3A_586 = arith.constant 0 : i32
      %dma_start3A_587 = tpu.memref_slice %arg3[%add3A_4, %dma_start3A_586] : memref<4992x128xf32, #tpu.memory_space<hbm>> -> memref<104x128xf32, #tpu.memory_space<hbm>>
      %dma_start3A_588 = arith.constant 0 : i32
      %dma_start3A_589 = arith.constant 0 : i32
      %dma_start3A_590 = tpu.memref_slice %arg9[%run_scoped3A, %dma_start3A_588, %dma_start3A_589] : memref<2x128x128xf32, #tpu.memory_space<vmem>> -> memref<1x104x128xf32, #tpu.memory_space<vmem>>
      %dma_start3A_591 = tpu.memref_squeeze %dma_start3A_590 : memref<1x104x128xf32, #tpu.memory_space<vmem>> -> memref<104x128xf32, #tpu.memory_space<vmem>>
      %dma_start3A_592 = arith.constant 0 : i32
      %dma_start3A_593 = tpu.memref_slice %arg3[%add3A_4, %dma_start3A_592] : memref<4992x128xf32, #tpu.memory_space<hbm>> -> memref<104x128xf32, #tpu.memory_space<hbm>>
      tpu.enqueue_dma source(%dma_start3A_593 : memref<104x128xf32, #tpu.memory_space<hbm>>) target(%dma_start3A_591 : memref<104x128xf32, #tpu.memory_space<vmem>>) target_semaphore(%run_scoped3A_581 : memref<!tpu.dma_semaphore, #tpu.memory_space<semaphore_mem>>)
      %dma_wait3A_594 = arith.constant 0 : i32
      %dma_wait3A_595 = arith.constant 0 : i32
      %dma_wait3A_596 = tpu.memref_slice %arg9[%run_scoped3A, %dma_wait3A_594, %dma_wait3A_595] : memref<2x128x128xf32, #tpu.memory_space<vmem>> -> memref<1x104x128xf32, #tpu.memory_space<vmem>>
      %dma_wait3A_597 = tpu.memref_squeeze %dma_wait3A_596 : memref<1x104x128xf32, #tpu.memory_space<vmem>> -> memref<104x128xf32, #tpu.memory_space<vmem>>
      %dma_wait3A_598 = arith.constant 0 : i32
      %dma_wait3A_599 = tpu.memref_slice %arg3[%add3A_4, %dma_wait3A_598] : memref<4992x128xf32, #tpu.memory_space<hbm>> -> memref<104x128xf32, #tpu.memory_space<hbm>>
      %dma_wait3A_600 = arith.constant 0 : i32
      %dma_wait3A_601 = arith.constant 0 : i32
      %dma_wait3A_602 = tpu.memref_slice %arg9[%run_scoped3A, %dma_wait3A_600, %dma_wait3A_601] : memref<2x128x128xf32, #tpu.memory_space<vmem>> -> memref<1x104x128xf32, #tpu.memory_space<vmem>>
      %dma_wait3A_603 = tpu.memref_squeeze %dma_wait3A_602 : memref<1x104x128xf32, #tpu.memory_space<vmem>> -> memref<104x128xf32, #tpu.memory_space<vmem>>
      %dma_wait3A_604 = arith.constant 0 : i32
      %dma_wait3A_605 = tpu.memref_slice %arg3[%add3A_4, %dma_wait3A_604] : memref<4992x128xf32, #tpu.memory_space<hbm>> -> memref<104x128xf32, #tpu.memory_space<hbm>>
      tpu.wait_dma2 semaphore(%run_scoped3A_581 : memref<!tpu.dma_semaphore, #tpu.memory_space<semaphore_mem>>) src(%dma_wait3A_605 : memref<104x128xf32, #tpu.memory_space<hbm>>) dst(%dma_wait3A_603 : memref<104x128xf32, #tpu.memory_space<vmem>>)
      tpu.yield
    }) : () -> ()
    %mul3A_5 = arith.constant 312 : i32
    %mul3A_6 = arith.muli %arg1, %mul3A_5 : i32
    %add3A_7 = arith.constant 0 : i32
    %add3A_8 = arith.addi %mul3A_6, %add3A_7 : i32
    %run_scoped3A_9 = arith.constant 0 : i32
    "tpu.region"() ({
      %run_scoped3A_581 = tpu.sem_alloc : memref<!tpu.dma_semaphore, #tpu.memory_space<semaphore_mem>>
      %dma_start3A_582 = arith.constant 0 : i32
      %dma_start3A_583 = arith.constant 0 : i32
      %dma_start3A_584 = tpu.memref_slice %arg9[%run_scoped3A_9, %dma_start3A_582, %dma_start3A_583] : memref<2x128x128xf32, #tpu.memory_space<vmem>> -> memref<1x104x128xf32, #tpu.memory_space<vmem>>
      %dma_start3A_585 = tpu.memref_squeeze %dma_start3A_584 : memref<1x104x128xf32, #tpu.memory_space<vmem>> -> memref<104x128xf32, #tpu.memory_space<vmem>>
      %dma_start3A_586 = arith.constant 0 : i32
      %dma_start3A_587 = tpu.memref_slice %arg11[%add3A_8, %dma_start3A_586] : memref<4992x128xf32, #tpu.memory_space<vmem_shared>> -> memref<104x128xf32, #tpu.memory_space<vmem_shared>>
      %dma_start3A_588 = arith.constant 0 : i32
      %dma_start3A_589 = tpu.memref_slice %arg11[%add3A_8, %dma_start3A_588] : memref<4992x128xf32, #tpu.memory_space<vmem_shared>> -> memref<104x128xf32, #tpu.memory_space<vmem_shared>>
      %dma_start3A_590 = arith.constant 0 : i32
      %dma_start3A_591 = arith.constant 0 : i32
      %dma_start3A_592 = tpu.memref_slice %arg9[%run_scoped3A_9, %dma_start3A_590, %dma_start3A_591] : memref<2x128x128xf32, #tpu.memory_space<vmem>> -> memref<1x104x128xf32, #tpu.memory_space<vmem>>
      %dma_start3A_593 = tpu.memref_squeeze %dma_start3A_592 : memref<1x104x128xf32, #tpu.memory_space<vmem>> -> memref<104x128xf32, #tpu.memory_space<vmem>>
      tpu.enqueue_dma source(%dma_start3A_593 : memref<104x128xf32, #tpu.memory_space<vmem>>) target(%dma_start3A_589 : memref<104x128xf32, #tpu.memory_space<vmem_shared>>) target_semaphore(%run_scoped3A_581 : memref<!tpu.dma_semaphore, #tpu.memory_space<semaphore_mem>>)
      %dma_wait3A_594 = arith.constant 0 : i32
      %dma_wait3A_595 = arith.constant 0 : i32
      %dma_wait3A_596 = tpu.memref_slice %arg9[%run_scoped3A_9, %dma_wait3A_594, %dma_wait3A_595] : memref<2x128x128xf32, #tpu.memory_space<vmem>> -> memref<1x104x128xf32, #tpu.memory_space<vmem>>
      %dma_wait3A_597 = tpu.memref_squeeze %dma_wait3A_596 : memref<1x104x128xf32, #tpu.memory_space<vmem>> -> memref<104x128xf32, #tpu.memory_space<vmem>>
      %dma_wait3A_598 = arith.constant 0 : i32
      %dma_wait3A_599 = tpu.memref_slice %arg11[%add3A_8, %dma_wait3A_598] : memref<4992x128xf32, #tpu.memory_space<vmem_shared>> -> memref<104x128xf32, #tpu.memory_space<vmem_shared>>
      %dma_wait3A_600 = arith.constant 0 : i32
      %dma_wait3A_601 = tpu.memref_slice %arg11[%add3A_8, %dma_wait3A_600] : memref<4992x128xf32, #tpu.memory_space<vmem_shared>> -> memref<104x128xf32, #tpu.memory_space<vmem_shared>>
      %dma_wait3A_602 = arith.constant 0 : i32
      %dma_wait3A_603 = arith.constant 0 : i32
      %dma_wait3A_604 = tpu.memref_slice %arg9[%run_scoped3A_9, %dma_wait3A_602, %dma_wait3A_603] : memref<2x128x128xf32, #tpu.memory_space<vmem>> -> memref<1x104x128xf32, #tpu.memory_space<vmem>>
      %dma_wait3A_605 = tpu.memref_squeeze %dma_wait3A_604 : memref<1x104x128xf32, #tpu.memory_space<vmem>> -> memref<104x128xf32, #tpu.memory_space<vmem>>
      tpu.wait_dma2 semaphore(%run_scoped3A_581 : memref<!tpu.dma_semaphore, #tpu.memory_space<semaphore_mem>>) src(%dma_wait3A_605 : memref<104x128xf32, #tpu.memory_space<vmem>>) dst(%dma_wait3A_601 : memref<104x128xf32, #tpu.memory_space<vmem_shared>>)
      tpu.yield
    }) : () -> ()
    %mul3A_10 = arith.constant 312 : i32
    %mul3A_11 = arith.muli %arg1, %mul3A_10 : i32
    %add3A_12 = arith.constant 104 : i32
    %add3A_13 = arith.addi %mul3A_11, %add3A_12 : i32
    %run_scoped3A_14 = arith.constant 0 : i32
    "tpu.region"() ({
      %run_scoped3A_581 = tpu.sem_alloc : memref<!tpu.dma_semaphore, #tpu.memory_space<semaphore_mem>>
      %dma_start3A_582 = arith.constant 0 : i32
      %dma_start3A_583 = arith.constant 0 : i32
      %dma_start3A_584 = tpu.memref_slice %arg9[%run_scoped3A_14, %dma_start3A_582, %dma_start3A_583] : memref<2x128x128xf32, #tpu.memory_space<vmem>> -> memref<1x104x128xf32, #tpu.memory_space<vmem>>
      %dma_start3A_585 = tpu.memref_squeeze %dma_start3A_584 : memref<1x104x128xf32, #tpu.memory_space<vmem>> -> memref<104x128xf32, #tpu.memory_space<vmem>>
      %dma_start3A_586 = arith.constant 0 : i32
      %dma_start3A_587 = tpu.memref_slice %arg3[%add3A_13, %dma_start3A_586] : memref<4992x128xf32, #tpu.memory_space<hbm>> -> memref<104x128xf32, #tpu.memory_space<hbm>>
      %dma_start3A_588 = arith.constant 0 : i32
      %dma_start3A_589 = arith.constant 0 : i32
      %dma_start3A_590 = tpu.memref_slice %arg9[%run_scoped3A_14, %dma_start3A_588, %dma_start3A_589] : memref<2x128x128xf32, #tpu.memory_space<vmem>> -> memref<1x104x128xf32, #tpu.memory_space<vmem>>
      %dma_start3A_591 = tpu.memref_squeeze %dma_start3A_590 : memref<1x104x128xf32, #tpu.memory_space<vmem>> -> memref<104x128xf32, #tpu.memory_space<vmem>>
      %dma_start3A_592 = arith.constant 0 : i32
      %dma_start3A_593 = tpu.memref_slice %arg3[%add3A_13, %dma_start3A_592] : memref<4992x128xf32, #tpu.memory_space<hbm>> -> memref<104x128xf32, #tpu.memory_space<hbm>>
      tpu.enqueue_dma source(%dma_start3A_593 : memref<104x128xf32, #tpu.memory_space<hbm>>) target(%dma_start3A_591 : memref<104x128xf32, #tpu.memory_space<vmem>>) target_semaphore(%run_scoped3A_581 : memref<!tpu.dma_semaphore, #tpu.memory_space<semaphore_mem>>)
      %dma_wait3A_594 = arith.constant 0 : i32
      %dma_wait3A_595 = arith.constant 0 : i32
      %dma_wait3A_596 = tpu.memref_slice %arg9[%run_scoped3A_14, %dma_wait3A_594, %dma_wait3A_595] : memref<2x128x128xf32, #tpu.memory_space<vmem>> -> memref<1x104x128xf32, #tpu.memory_space<vmem>>
      %dma_wait3A_597 = tpu.memref_squeeze %dma_wait3A_596 : memref<1x104x128xf32, #tpu.memory_space<vmem>> -> memref<104x128xf32, #tpu.memory_space<vmem>>
      %dma_wait3A_598 = arith.constant 0 : i32
      %dma_wait3A_599 = tpu.memref_slice %arg3[%add3A_13, %dma_wait3A_598] : memref<4992x128xf32, #tpu.memory_space<hbm>> -> memref<104x128xf32, #tpu.memory_space<hbm>>
      %dma_wait3A_600 = arith.constant 0 : i32
      %dma_wait3A_601 = arith.constant 0 : i32
      %dma_wait3A_602 = tpu.memref_slice %arg9[%run_scoped3A_14, %dma_wait3A_600, %dma_wait3A_601] : memref<2x128x128xf32, #tpu.memory_space<vmem>> -> memref<1x104x128xf32, #tpu.memory_space<vmem>>
      %dma_wait3A_603 = tpu.memref_squeeze %dma_wait3A_602 : memref<1x104x128xf32, #tpu.memory_space<vmem>> -> memref<104x128xf32, #tpu.memory_space<vmem>>
      %dma_wait3A_604 = arith.constant 0 : i32
      %dma_wait3A_605 = tpu.memref_slice %arg3[%add3A_13, %dma_wait3A_604] : memref<4992x128xf32, #tpu.memory_space<hbm>> -> memref<104x128xf32, #tpu.memory_space<hbm>>
      tpu.wait_dma2 semaphore(%run_scoped3A_581 : memref<!tpu.dma_semaphore, #tpu.memory_space<semaphore_mem>>) src(%dma_wait3A_605 : memref<104x128xf32, #tpu.memory_space<hbm>>) dst(%dma_wait3A_603 : memref<104x128xf32, #tpu.memory_space<vmem>>)
      tpu.yield
    }) : () -> ()
    %mul3A_15 = arith.constant 312 : i32
    %mul3A_16 = arith.muli %arg1, %mul3A_15 : i32
    %add3A_17 = arith.constant 104 : i32
    %add3A_18 = arith.addi %mul3A_16, %add3A_17 : i32
    %run_scoped3A_19 = arith.constant 0 : i32
    "tpu.region"() ({
      %run_scoped3A_581 = tpu.sem_alloc : memref<!tpu.dma_semaphore, #tpu.memory_space<semaphore_mem>>
      %dma_start3A_582 = arith.constant 0 : i32
      %dma_start3A_583 = arith.constant 0 : i32
      %dma_start3A_584 = tpu.memref_slice %arg9[%run_scoped3A_19, %dma_start3A_582, %dma_start3A_583] : memref<2x128x128xf32, #tpu.memory_space<vmem>> -> memref<1x104x128xf32, #tpu.memory_space<vmem>>
      %dma_start3A_585 = tpu.memref_squeeze %dma_start3A_584 : memref<1x104x128xf32, #tpu.memory_space<vmem>> -> memref<104x128xf32, #tpu.memory_space<vmem>>
      %dma_start3A_586 = arith.constant 0 : i32
      %dma_start3A_587 = tpu.memref_slice %arg11[%add3A_18, %dma_start3A_586] : memref<4992x128xf32, #tpu.memory_space<vmem_shared>> -> memref<104x128xf32, #tpu.memory_space<vmem_shared>>
      %dma_start3A_588 = arith.constant 0 : i32
      %dma_start3A_589 = tpu.memref_slice %arg11[%add3A_18, %dma_start3A_588] : memref<4992x128xf32, #tpu.memory_space<vmem_shared>> -> memref<104x128xf32, #tpu.memory_space<vmem_shared>>
      %dma_start3A_590 = arith.constant 0 : i32
      %dma_start3A_591 = arith.constant 0 : i32
      %dma_start3A_592 = tpu.memref_slice %arg9[%run_scoped3A_19, %dma_start3A_590, %dma_start3A_591] : memref<2x128x128xf32, #tpu.memory_space<vmem>> -> memref<1x104x128xf32, #tpu.memory_space<vmem>>
      %dma_start3A_593 = tpu.memref_squeeze %dma_start3A_592 : memref<1x104x128xf32, #tpu.memory_space<vmem>> -> memref<104x128xf32, #tpu.memory_space<vmem>>
      tpu.enqueue_dma source(%dma_start3A_593 : memref<104x128xf32, #tpu.memory_space<vmem>>) target(%dma_start3A_589 : memref<104x128xf32, #tpu.memory_space<vmem_shared>>) target_semaphore(%run_scoped3A_581 : memref<!tpu.dma_semaphore, #tpu.memory_space<semaphore_mem>>)
      %dma_wait3A_594 = arith.constant 0 : i32
      %dma_wait3A_595 = arith.constant 0 : i32
      %dma_wait3A_596 = tpu.memref_slice %arg9[%run_scoped3A_19, %dma_wait3A_594, %dma_wait3A_595] : memref<2x128x128xf32, #tpu.memory_space<vmem>> -> memref<1x104x128xf32, #tpu.memory_space<vmem>>
      %dma_wait3A_597 = tpu.memref_squeeze %dma_wait3A_596 : memref<1x104x128xf32, #tpu.memory_space<vmem>> -> memref<104x128xf32, #tpu.memory_space<vmem>>
      %dma_wait3A_598 = arith.constant 0 : i32
      %dma_wait3A_599 = tpu.memref_slice %arg11[%add3A_18, %dma_wait3A_598] : memref<4992x128xf32, #tpu.memory_space<vmem_shared>> -> memref<104x128xf32, #tpu.memory_space<vmem_shared>>
      %dma_wait3A_600 = arith.constant 0 : i32
      %dma_wait3A_601 = tpu.memref_slice %arg11[%add3A_18, %dma_wait3A_600] : memref<4992x128xf32, #tpu.memory_space<vmem_shared>> -> memref<104x128xf32, #tpu.memory_space<vmem_shared>>
      %dma_wait3A_602 = arith.constant 0 : i32
      %dma_wait3A_603 = arith.constant 0 : i32
      %dma_wait3A_604 = tpu.memref_slice %arg9[%run_scoped3A_19, %dma_wait3A_602, %dma_wait3A_603] : memref<2x128x128xf32, #tpu.memory_space<vmem>> -> memref<1x104x128xf32, #tpu.memory_space<vmem>>
      %dma_wait3A_605 = tpu.memref_squeeze %dma_wait3A_604 : memref<1x104x128xf32, #tpu.memory_space<vmem>> -> memref<104x128xf32, #tpu.memory_space<vmem>>
      tpu.wait_dma2 semaphore(%run_scoped3A_581 : memref<!tpu.dma_semaphore, #tpu.memory_space<semaphore_mem>>) src(%dma_wait3A_605 : memref<104x128xf32, #tpu.memory_space<vmem>>) dst(%dma_wait3A_601 : memref<104x128xf32, #tpu.memory_space<vmem_shared>>)
      tpu.yield
    }) : () -> ()
    %mul3A_20 = arith.constant 312 : i32
    %mul3A_21 = arith.muli %arg1, %mul3A_20 : i32
    %add3A_22 = arith.constant 208 : i32
    %add3A_23 = arith.addi %mul3A_21, %add3A_22 : i32
    %run_scoped3A_24 = arith.constant 0 : i32
    "tpu.region"() ({
      %run_scoped3A_581 = tpu.sem_alloc : memref<!tpu.dma_semaphore, #tpu.memory_space<semaphore_mem>>
      %dma_start3A_582 = arith.constant 0 : i32
      %dma_start3A_583 = arith.constant 0 : i32
      %dma_start3A_584 = tpu.memref_slice %arg9[%run_scoped3A_24, %dma_start3A_582, %dma_start3A_583] : memref<2x128x128xf32, #tpu.memory_space<vmem>> -> memref<1x104x128xf32, #tpu.memory_space<vmem>>
      %dma_start3A_585 = tpu.memref_squeeze %dma_start3A_584 : memref<1x104x128xf32, #tpu.memory_space<vmem>> -> memref<104x128xf32, #tpu.memory_space<vmem>>
      %dma_start3A_586 = arith.constant 0 : i32
      %dma_start3A_587 = tpu.memref_slice %arg3[%add3A_23, %dma_start3A_586] : memref<4992x128xf32, #tpu.memory_space<hbm>> -> memref<104x128xf32, #tpu.memory_space<hbm>>
      %dma_start3A_588 = arith.constant 0 : i32
      %dma_start3A_589 = arith.constant 0 : i32
      %dma_start3A_590 = tpu.memref_slice %arg9[%run_scoped3A_24, %dma_start3A_588, %dma_start3A_589] : memref<2x128x128xf32, #tpu.memory_space<vmem>> -> memref<1x104x128xf32, #tpu.memory_space<vmem>>
      %dma_start3A_591 = tpu.memref_squeeze %dma_start3A_590 : memref<1x104x128xf32, #tpu.memory_space<vmem>> -> memref<104x128xf32, #tpu.memory_space<vmem>>
      %dma_start3A_592 = arith.constant 0 : i32
      %dma_start3A_593 = tpu.memref_slice %arg3[%add3A_23, %dma_start3A_592] : memref<4992x128xf32, #tpu.memory_space<hbm>> -> memref<104x128xf32, #tpu.memory_space<hbm>>
      tpu.enqueue_dma source(%dma_start3A_593 : memref<104x128xf32, #tpu.memory_space<hbm>>) target(%dma_start3A_591 : memref<104x128xf32, #tpu.memory_space<vmem>>) target_semaphore(%run_scoped3A_581 : memref<!tpu.dma_semaphore, #tpu.memory_space<semaphore_mem>>)
      %dma_wait3A_594 = arith.constant 0 : i32
      %dma_wait3A_595 = arith.constant 0 : i32
      %dma_wait3A_596 = tpu.memref_slice %arg9[%run_scoped3A_24, %dma_wait3A_594, %dma_wait3A_595] : memref<2x128x128xf32, #tpu.memory_space<vmem>> -> memref<1x104x128xf32, #tpu.memory_space<vmem>>
      %dma_wait3A_597 = tpu.memref_squeeze %dma_wait3A_596 : memref<1x104x128xf32, #tpu.memory_space<vmem>> -> memref<104x128xf32, #tpu.memory_space<vmem>>
      %dma_wait3A_598 = arith.constant 0 : i32
      %dma_wait3A_599 = tpu.memref_slice %arg3[%add3A_23, %dma_wait3A_598] : memref<4992x128xf32, #tpu.memory_space<hbm>> -> memref<104x128xf32, #tpu.memory_space<hbm>>
      %dma_wait3A_600 = arith.constant 0 : i32
      %dma_wait3A_601 = arith.constant 0 : i32
      %dma_wait3A_602 = tpu.memref_slice %arg9[%run_scoped3A_24, %dma_wait3A_600, %dma_wait3A_601] : memref<2x128x128xf32, #tpu.memory_space<vmem>> -> memref<1x104x128xf32, #tpu.memory_space<vmem>>
      %dma_wait3A_603 = tpu.memref_squeeze %dma_wait3A_602 : memref<1x104x128xf32, #tpu.memory_space<vmem>> -> memref<104x128xf32, #tpu.memory_space<vmem>>
      %dma_wait3A_604 = arith.constant 0 : i32
      %dma_wait3A_605 = tpu.memref_slice %arg3[%add3A_23, %dma_wait3A_604] : memref<4992x128xf32, #tpu.memory_space<hbm>> -> memref<104x128xf32, #tpu.memory_space<hbm>>
      tpu.wait_dma2 semaphore(%run_scoped3A_581 : memref<!tpu.dma_semaphore, #tpu.memory_space<semaphore_mem>>) src(%dma_wait3A_605 : memref<104x128xf32, #tpu.memory_space<hbm>>) dst(%dma_wait3A_603 : memref<104x128xf32, #tpu.memory_space<vmem>>)
      tpu.yield
    }) : () -> ()
    %mul3A_25 = arith.constant 312 : i32
    %mul3A_26 = arith.muli %arg1, %mul3A_25 : i32
    %add3A_27 = arith.constant 208 : i32
    %add3A_28 = arith.addi %mul3A_26, %add3A_27 : i32
    %run_scoped3A_29 = arith.constant 0 : i32
    "tpu.region"() ({
      %run_scoped3A_581 = tpu.sem_alloc : memref<!tpu.dma_semaphore, #tpu.memory_space<semaphore_mem>>
      %dma_start3A_582 = arith.constant 0 : i32
      %dma_start3A_583 = arith.constant 0 : i32
      %dma_start3A_584 = tpu.memref_slice %arg9[%run_scoped3A_29, %dma_start3A_582, %dma_start3A_583] : memref<2x128x128xf32, #tpu.memory_space<vmem>> -> memref<1x104x128xf32, #tpu.memory_space<vmem>>
      %dma_start3A_585 = tpu.memref_squeeze %dma_start3A_584 : memref<1x104x128xf32, #tpu.memory_space<vmem>> -> memref<104x128xf32, #tpu.memory_space<vmem>>
      %dma_start3A_586 = arith.constant 0 : i32
      %dma_start3A_587 = tpu.memref_slice %arg11[%add3A_28, %dma_start3A_586] : memref<4992x128xf32, #tpu.memory_space<vmem_shared>> -> memref<104x128xf32, #tpu.memory_space<vmem_shared>>
      %dma_start3A_588 = arith.constant 0 : i32
      %dma_start3A_589 = tpu.memref_slice %arg11[%add3A_28, %dma_start3A_588] : memref<4992x128xf32, #tpu.memory_space<vmem_shared>> -> memref<104x128xf32, #tpu.memory_space<vmem_shared>>
      %dma_start3A_590 = arith.constant 0 : i32
      %dma_start3A_591 = arith.constant 0 : i32
      %dma_start3A_592 = tpu.memref_slice %arg9[%run_scoped3A_29, %dma_start3A_590, %dma_start3A_591] : memref<2x128x128xf32, #tpu.memory_space<vmem>> -> memref<1x104x128xf32, #tpu.memory_space<vmem>>
      %dma_start3A_593 = tpu.memref_squeeze %dma_start3A_592 : memref<1x104x128xf32, #tpu.memory_space<vmem>> -> memref<104x128xf32, #tpu.memory_space<vmem>>
      tpu.enqueue_dma source(%dma_start3A_593 : memref<104x128xf32, #tpu.memory_space<vmem>>) target(%dma_start3A_589 : memref<104x128xf32, #tpu.memory_space<vmem_shared>>) target_semaphore(%run_scoped3A_581 : memref<!tpu.dma_semaphore, #tpu.memory_space<semaphore_mem>>)
      %dma_wait3A_594 = arith.constant 0 : i32
      %dma_wait3A_595 = arith.constant 0 : i32
      %dma_wait3A_596 = tpu.memref_slice %arg9[%run_scoped3A_29, %dma_wait3A_594, %dma_wait3A_595] : memref<2x128x128xf32, #tpu.memory_space<vmem>> -> memref<1x104x128xf32, #tpu.memory_space<vmem>>
      %dma_wait3A_597 = tpu.memref_squeeze %dma_wait3A_596 : memref<1x104x128xf32, #tpu.memory_space<vmem>> -> memref<104x128xf32, #tpu.memory_space<vmem>>
      %dma_wait3A_598 = arith.constant 0 : i32
      %dma_wait3A_599 = tpu.memref_slice %arg11[%add3A_28, %dma_wait3A_598] : memref<4992x128xf32, #tpu.memory_space<vmem_shared>> -> memref<104x128xf32, #tpu.memory_space<vmem_shared>>
      %dma_wait3A_600 = arith.constant 0 : i32
      %dma_wait3A_601 = tpu.memref_slice %arg11[%add3A_28, %dma_wait3A_600] : memref<4992x128xf32, #tpu.memory_space<vmem_shared>> -> memref<104x128xf32, #tpu.memory_space<vmem_shared>>
      %dma_wait3A_602 = arith.constant 0 : i32
      %dma_wait3A_603 = arith.constant 0 : i32
      %dma_wait3A_604 = tpu.memref_slice %arg9[%run_scoped3A_29, %dma_wait3A_602, %dma_wait3A_603] : memref<2x128x128xf32, #tpu.memory_space<vmem>> -> memref<1x104x128xf32, #tpu.memory_space<vmem>>
      %dma_wait3A_605 = tpu.memref_squeeze %dma_wait3A_604 : memref<1x104x128xf32, #tpu.memory_space<vmem>> -> memref<104x128xf32, #tpu.memory_space<vmem>>
      tpu.wait_dma2 semaphore(%run_scoped3A_581 : memref<!tpu.dma_semaphore, #tpu.memory_space<semaphore_mem>>) src(%dma_wait3A_605 : memref<104x128xf32, #tpu.memory_space<vmem>>) dst(%dma_wait3A_601 : memref<104x128xf32, #tpu.memory_space<vmem_shared>>)
      tpu.yield
    }) : () -> ()
    %barrier3A = arith.constant 0 : index
    tpu.barrier barrier_id(%barrier3A)
    %mul3A_30 = arith.constant 102400 : i32
    %mul3A_31 = arith.muli %add3A, %mul3A_30 : i32
    %add3A_32 = arith.constant 0 : i32
    %add3A_33 = arith.addi %mul3A_31, %add3A_32 : i32
    %dma_start3A = arith.constant 0 : i32
    %dma_start3A_34 = tpu.memref_slice %arg5[%dma_start3A] : memref<256xi32, #tpu.memory_space<vmem>> -> memref<128xi32, #tpu.memory_space<vmem>>
    %dma_start3A_35 = tpu.memref_slice %arg2[%add3A_33] : memref<9830400xi32, #tpu.memory_space<hbm>> -> memref<128xi32, #tpu.memory_space<hbm>>
    %dma_start3A_36 = arith.constant 0 : i32
    %dma_start3A_37 = tpu.memref_slice %arg5[%dma_start3A_36] : memref<256xi32, #tpu.memory_space<vmem>> -> memref<128xi32, #tpu.memory_space<vmem>>
    %dma_start3A_38 = tpu.memref_slice %arg2[%add3A_33] : memref<9830400xi32, #tpu.memory_space<hbm>> -> memref<128xi32, #tpu.memory_space<hbm>>
    tpu.enqueue_dma source(%dma_start3A_38 : memref<128xi32, #tpu.memory_space<hbm>>) target(%dma_start3A_37 : memref<128xi32, #tpu.memory_space<vmem>>) target_semaphore(%arg12 : memref<!tpu.dma_semaphore, #tpu.memory_space<semaphore_mem>>)
    %add3A_39 = arith.constant 3276800 : i32
    %add3A_40 = arith.addi %add3A_39, %add3A_33 : i32
    %dma_start3A_41 = arith.constant 0 : i32
    %dma_start3A_42 = tpu.memref_slice %arg6[%dma_start3A_41] : memref<256xi32, #tpu.memory_space<vmem>> -> memref<128xi32, #tpu.memory_space<vmem>>
    %dma_start3A_43 = tpu.memref_slice %arg2[%add3A_40] : memref<9830400xi32, #tpu.memory_space<hbm>> -> memref<128xi32, #tpu.memory_space<hbm>>
    %dma_start3A_44 = arith.constant 0 : i32
    %dma_start3A_45 = tpu.memref_slice %arg6[%dma_start3A_44] : memref<256xi32, #tpu.memory_space<vmem>> -> memref<128xi32, #tpu.memory_space<vmem>>
    %dma_start3A_46 = tpu.memref_slice %arg2[%add3A_40] : memref<9830400xi32, #tpu.memory_space<hbm>> -> memref<128xi32, #tpu.memory_space<hbm>>
    tpu.enqueue_dma source(%dma_start3A_46 : memref<128xi32, #tpu.memory_space<hbm>>) target(%dma_start3A_45 : memref<128xi32, #tpu.memory_space<vmem>>) target_semaphore(%arg12 : memref<!tpu.dma_semaphore, #tpu.memory_space<semaphore_mem>>)
    %add3A_47 = arith.constant 6553600 : i32
    %add3A_48 = arith.addi %add3A_47, %add3A_33 : i32
    %dma_start3A_49 = arith.constant 0 : i32
    %dma_start3A_50 = tpu.memref_slice %arg7[%dma_start3A_49] : memref<256xi32, #tpu.memory_space<vmem>> -> memref<128xi32, #tpu.memory_space<vmem>>
    %dma_start3A_51 = tpu.memref_slice %arg2[%add3A_48] : memref<9830400xi32, #tpu.memory_space<hbm>> -> memref<128xi32, #tpu.memory_space<hbm>>
    %dma_start3A_52 = arith.constant 0 : i32
    %dma_start3A_53 = tpu.memref_slice %arg7[%dma_start3A_52] : memref<256xi32, #tpu.memory_space<vmem>> -> memref<128xi32, #tpu.memory_space<vmem>>
    %dma_start3A_54 = tpu.memref_slice %arg2[%add3A_48] : memref<9830400xi32, #tpu.memory_space<hbm>> -> memref<128xi32, #tpu.memory_space<hbm>>
    tpu.enqueue_dma source(%dma_start3A_54 : memref<128xi32, #tpu.memory_space<hbm>>) target(%dma_start3A_53 : memref<128xi32, #tpu.memory_space<vmem>>) target_semaphore(%arg12 : memref<!tpu.dma_semaphore, #tpu.memory_space<semaphore_mem>>)
    %mul3A_55 = arith.constant 102400 : i32
    %mul3A_56 = arith.muli %add3A, %mul3A_55 : i32
    %add3A_57 = arith.constant 128 : i32
    %add3A_58 = arith.addi %mul3A_56, %add3A_57 : i32
    %dma_start3A_59 = arith.constant 128 : i32
    %dma_start3A_60 = tpu.memref_slice %arg5[%dma_start3A_59] : memref<256xi32, #tpu.memory_space<vmem>> -> memref<128xi32, #tpu.memory_space<vmem>>
    %dma_start3A_61 = tpu.memref_slice %arg2[%add3A_58] : memref<9830400xi32, #tpu.memory_space<hbm>> -> memref<128xi32, #tpu.memory_space<hbm>>
    %dma_start3A_62 = arith.constant 128 : i32
    %dma_start3A_63 = tpu.memref_slice %arg5[%dma_start3A_62] : memref<256xi32, #tpu.memory_space<vmem>> -> memref<128xi32, #tpu.memory_space<vmem>>
    %dma_start3A_64 = tpu.memref_slice %arg2[%add3A_58] : memref<9830400xi32, #tpu.memory_space<hbm>> -> memref<128xi32, #tpu.memory_space<hbm>>
    tpu.enqueue_dma source(%dma_start3A_64 : memref<128xi32, #tpu.memory_space<hbm>>) target(%dma_start3A_63 : memref<128xi32, #tpu.memory_space<vmem>>) target_semaphore(%arg13 : memref<!tpu.dma_semaphore, #tpu.memory_space<semaphore_mem>>)
    %add3A_65 = arith.constant 3276800 : i32
    %add3A_66 = arith.addi %add3A_65, %add3A_58 : i32
    %dma_start3A_67 = arith.constant 128 : i32
    %dma_start3A_68 = tpu.memref_slice %arg6[%dma_start3A_67] : memref<256xi32, #tpu.memory_space<vmem>> -> memref<128xi32, #tpu.memory_space<vmem>>
    %dma_start3A_69 = tpu.memref_slice %arg2[%add3A_66] : memref<9830400xi32, #tpu.memory_space<hbm>> -> memref<128xi32, #tpu.memory_space<hbm>>
    %dma_start3A_70 = arith.constant 128 : i32
    %dma_start3A_71 = tpu.memref_slice %arg6[%dma_start3A_70] : memref<256xi32, #tpu.memory_space<vmem>> -> memref<128xi32, #tpu.memory_space<vmem>>
    %dma_start3A_72 = tpu.memref_slice %arg2[%add3A_66] : memref<9830400xi32, #tpu.memory_space<hbm>> -> memref<128xi32, #tpu.memory_space<hbm>>
    tpu.enqueue_dma source(%dma_start3A_72 : memref<128xi32, #tpu.memory_space<hbm>>) target(%dma_start3A_71 : memref<128xi32, #tpu.memory_space<vmem>>) target_semaphore(%arg13 : memref<!tpu.dma_semaphore, #tpu.memory_space<semaphore_mem>>)
    %add3A_73 = arith.constant 6553600 : i32
    %add3A_74 = arith.addi %add3A_73, %add3A_58 : i32
    %dma_start3A_75 = arith.constant 128 : i32
    %dma_start3A_76 = tpu.memref_slice %arg7[%dma_start3A_75] : memref<256xi32, #tpu.memory_space<vmem>> -> memref<128xi32, #tpu.memory_space<vmem>>
    %dma_start3A_77 = tpu.memref_slice %arg2[%add3A_74] : memref<9830400xi32, #tpu.memory_space<hbm>> -> memref<128xi32, #tpu.memory_space<hbm>>
    %dma_start3A_78 = arith.constant 128 : i32
    %dma_start3A_79 = tpu.memref_slice %arg7[%dma_start3A_78] : memref<256xi32, #tpu.memory_space<vmem>> -> memref<128xi32, #tpu.memory_space<vmem>>
    %dma_start3A_80 = tpu.memref_slice %arg2[%add3A_74] : memref<9830400xi32, #tpu.memory_space<hbm>> -> memref<128xi32, #tpu.memory_space<hbm>>
    tpu.enqueue_dma source(%dma_start3A_80 : memref<128xi32, #tpu.memory_space<hbm>>) target(%dma_start3A_79 : memref<128xi32, #tpu.memory_space<vmem>>) target_semaphore(%arg13 : memref<!tpu.dma_semaphore, #tpu.memory_space<semaphore_mem>>)
    %dma_wait3A = arith.constant 0 : i32
    %dma_wait3A_81 = tpu.memref_slice %arg5[%dma_wait3A] : memref<256xi32, #tpu.memory_space<vmem>> -> memref<128xi32, #tpu.memory_space<vmem>>
    %dma_wait3A_82 = arith.constant 0 : i32
    %dma_wait3A_83 = tpu.memref_slice %arg2[%dma_wait3A_82] : memref<9830400xi32, #tpu.memory_space<hbm>> -> memref<128xi32, #tpu.memory_space<hbm>>
    %dma_wait3A_84 = arith.constant 0 : i32
    %dma_wait3A_85 = tpu.memref_slice %arg5[%dma_wait3A_84] : memref<256xi32, #tpu.memory_space<vmem>> -> memref<128xi32, #tpu.memory_space<vmem>>
    %dma_wait3A_86 = arith.constant 0 : i32
    %dma_wait3A_87 = tpu.memref_slice %arg2[%dma_wait3A_86] : memref<9830400xi32, #tpu.memory_space<hbm>> -> memref<128xi32, #tpu.memory_space<hbm>>
    tpu.wait_dma2 semaphore(%arg12 : memref<!tpu.dma_semaphore, #tpu.memory_space<semaphore_mem>>) src(%dma_wait3A_87 : memref<128xi32, #tpu.memory_space<hbm>>) dst(%dma_wait3A_85 : memref<128xi32, #tpu.memory_space<vmem>>)
    %dma_wait3A_88 = arith.constant 0 : i32
    %dma_wait3A_89 = tpu.memref_slice %arg6[%dma_wait3A_88] : memref<256xi32, #tpu.memory_space<vmem>> -> memref<128xi32, #tpu.memory_space<vmem>>
    %dma_wait3A_90 = arith.constant 0 : i32
    %dma_wait3A_91 = tpu.memref_slice %arg2[%dma_wait3A_90] : memref<9830400xi32, #tpu.memory_space<hbm>> -> memref<128xi32, #tpu.memory_space<hbm>>
    %dma_wait3A_92 = arith.constant 0 : i32
    %dma_wait3A_93 = tpu.memref_slice %arg6[%dma_wait3A_92] : memref<256xi32, #tpu.memory_space<vmem>> -> memref<128xi32, #tpu.memory_space<vmem>>
    %dma_wait3A_94 = arith.constant 0 : i32
    %dma_wait3A_95 = tpu.memref_slice %arg2[%dma_wait3A_94] : memref<9830400xi32, #tpu.memory_space<hbm>> -> memref<128xi32, #tpu.memory_space<hbm>>
    tpu.wait_dma2 semaphore(%arg12 : memref<!tpu.dma_semaphore, #tpu.memory_space<semaphore_mem>>) src(%dma_wait3A_95 : memref<128xi32, #tpu.memory_space<hbm>>) dst(%dma_wait3A_93 : memref<128xi32, #tpu.memory_space<vmem>>)
    %dma_wait3A_96 = arith.constant 0 : i32
    %dma_wait3A_97 = tpu.memref_slice %arg7[%dma_wait3A_96] : memref<256xi32, #tpu.memory_space<vmem>> -> memref<128xi32, #tpu.memory_space<vmem>>
    %dma_wait3A_98 = arith.constant 0 : i32
    %dma_wait3A_99 = tpu.memref_slice %arg2[%dma_wait3A_98] : memref<9830400xi32, #tpu.memory_space<hbm>> -> memref<128xi32, #tpu.memory_space<hbm>>
    %dma_wait3A_100 = arith.constant 0 : i32
    %dma_wait3A_101 = tpu.memref_slice %arg7[%dma_wait3A_100] : memref<256xi32, #tpu.memory_space<vmem>> -> memref<128xi32, #tpu.memory_space<vmem>>
    %dma_wait3A_102 = arith.constant 0 : i32
    %dma_wait3A_103 = tpu.memref_slice %arg2[%dma_wait3A_102] : memref<9830400xi32, #tpu.memory_space<hbm>> -> memref<128xi32, #tpu.memory_space<hbm>>
    tpu.wait_dma2 semaphore(%arg12 : memref<!tpu.dma_semaphore, #tpu.memory_space<semaphore_mem>>) src(%dma_wait3A_103 : memref<128xi32, #tpu.memory_space<hbm>>) dst(%dma_wait3A_101 : memref<128xi32, #tpu.memory_space<vmem>>)
    %get3A = arith.constant 0 : index
    %get3A_104 = tpu.vector_load %arg5[%get3A] {strides = array<i32>} : memref<256xi32, #tpu.memory_space<vmem>>, vector<16xi32>,
    %get3A_105 = vector.shape_cast %get3A_104 : vector<16xi32> to vector<16xi32>
    %get3A_106 = arith.constant 0 : index
    %get3A_107 = tpu.vector_load %arg6[%get3A_106] {strides = array<i32>} : memref<256xi32, #tpu.memory_space<vmem>>, vector<16xi32>,
    %get3A_108 = vector.shape_cast %get3A_107 : vector<16xi32> to vector<16xi32>
    %get3A_109 = arith.constant 0 : index
    %get3A_110 = tpu.vector_load %arg7[%get3A_109] {strides = array<i32>} : memref<256xi32, #tpu.memory_space<vmem>>, vector<16xi32>,
    %get3A_111 = vector.shape_cast %get3A_110 : vector<16xi32> to vector<16xi32>
    %mul3A_112 = arith.constant 14 : i32
    %mul3A_113 = vector.broadcast %mul3A_112 : i32 to vector<16xi32>
    %mul3A_114 = arith.muli %get3A_105, %mul3A_113 : vector<16xi32>
    %add3A_115 = arith.addi %mul3A_114, %get3A_108 : vector<16xi32>
    %mul3A_116 = arith.constant 70 : i32
    %mul3A_117 = vector.broadcast %mul3A_116 : i32 to vector<16xi32>
    %mul3A_118 = arith.muli %add3A_115, %mul3A_117 : vector<16xi32>
    %add3A_119 = arith.addi %mul3A_118, %get3A_111 : vector<16xi32>
    %swap3A = arith.constant 0 : i32
    %swap3A_120 = arith.index_cast %swap3A : i32 to index
    %swap3A_121 = arith.constant 0 : index
    %swap3A_122 = tpu.vector_load %arg8[%swap3A_120, %swap3A_121] {strides = array<i32>} : memref<2x128xi32, #tpu.memory_space<vmem>>, vector<1x16xi32>,
    %swap3A_123 = vector.shape_cast %swap3A_122 : vector<1x16xi32> to vector<16xi32>
    %swap3A_124 = vector.shape_cast %add3A_119 : vector<16xi32> to vector<1x16xi32>
    tpu.vector_store %arg8[%swap3A_120, %swap3A_121], %swap3A_124 {strides = array<i32>} : memref<2x128xi32, #tpu.memory_space<vmem>>, vector<1x16xi32>,
    %get3A_125 = arith.constant 16 : index
    %get3A_126 = tpu.vector_load %arg5[%get3A_125] {strides = array<i32>} : memref<256xi32, #tpu.memory_space<vmem>>, vector<16xi32>,
    %get3A_127 = vector.shape_cast %get3A_126 : vector<16xi32> to vector<16xi32>
    %get3A_128 = arith.constant 16 : index
    %get3A_129 = tpu.vector_load %arg6[%get3A_128] {strides = array<i32>} : memref<256xi32, #tpu.memory_space<vmem>>, vector<16xi32>,
    %get3A_130 = vector.shape_cast %get3A_129 : vector<16xi32> to vector<16xi32>
    %get3A_131 = arith.constant 16 : index
    %get3A_132 = tpu.vector_load %arg7[%get3A_131] {strides = array<i32>} : memref<256xi32, #tpu.memory_space<vmem>>, vector<16xi32>,
    %get3A_133 = vector.shape_cast %get3A_132 : vector<16xi32> to vector<16xi32>
    %mul3A_134 = arith.constant 14 : i32
    %mul3A_135 = vector.broadcast %mul3A_134 : i32 to vector<16xi32>
    %mul3A_136 = arith.muli %get3A_127, %mul3A_135 : vector<16xi32>
    %add3A_137 = arith.addi %mul3A_136, %get3A_130 : vector<16xi32>
    %mul3A_138 = arith.constant 70 : i32
    %mul3A_139 = vector.broadcast %mul3A_138 : i32 to vector<16xi32>
    %mul3A_140 = arith.muli %add3A_137, %mul3A_139 : vector<16xi32>
    %add3A_141 = arith.addi %mul3A_140, %get3A_133 : vector<16xi32>
    %swap3A_142 = arith.constant 0 : i32
    %swap3A_143 = arith.index_cast %swap3A_142 : i32 to index
    %swap3A_144 = arith.constant 16 : index
    %swap3A_145 = tpu.vector_load %arg8[%swap3A_143, %swap3A_144] {strides = array<i32>} : memref<2x128xi32, #tpu.memory_space<vmem>>, vector<1x16xi32>,
    %swap3A_146 = vector.shape_cast %swap3A_145 : vector<1x16xi32> to vector<16xi32>
    %swap3A_147 = vector.shape_cast %add3A_141 : vector<16xi32> to vector<1x16xi32>
    tpu.vector_store %arg8[%swap3A_143, %swap3A_144], %swap3A_147 {strides = array<i32>} : memref<2x128xi32, #tpu.memory_space<vmem>>, vector<1x16xi32>,
    %get3A_148 = arith.constant 32 : index
    %get3A_149 = tpu.vector_load %arg5[%get3A_148] {strides = array<i32>} : memref<256xi32, #tpu.memory_space<vmem>>, vector<16xi32>,
    %get3A_150 = vector.shape_cast %get3A_149 : vector<16xi32> to vector<16xi32>
    %get3A_151 = arith.constant 32 : index
    %get3A_152 = tpu.vector_load %arg6[%get3A_151] {strides = array<i32>} : memref<256xi32, #tpu.memory_space<vmem>>, vector<16xi32>,
    %get3A_153 = vector.shape_cast %get3A_152 : vector<16xi32> to vector<16xi32>
    %get3A_154 = arith.constant 32 : index
    %get3A_155 = tpu.vector_load %arg7[%get3A_154] {strides = array<i32>} : memref<256xi32, #tpu.memory_space<vmem>>, vector<16xi32>,
    %get3A_156 = vector.shape_cast %get3A_155 : vector<16xi32> to vector<16xi32>
    %mul3A_157 = arith.constant 14 : i32
    %mul3A_158 = vector.broadcast %mul3A_157 : i32 to vector<16xi32>
    %mul3A_159 = arith.muli %get3A_150, %mul3A_158 : vector<16xi32>
    %add3A_160 = arith.addi %mul3A_159, %get3A_153 : vector<16xi32>
    %mul3A_161 = arith.constant 70 : i32
    %mul3A_162 = vector.broadcast %mul3A_161 : i32 to vector<16xi32>
    %mul3A_163 = arith.muli %add3A_160, %mul3A_162 : vector<16xi32>
    %add3A_164 = arith.addi %mul3A_163, %get3A_156 : vector<16xi32>
    %swap3A_165 = arith.constant 0 : i32
    %swap3A_166 = arith.index_cast %swap3A_165 : i32 to index
    %swap3A_167 = arith.constant 32 : index
    %swap3A_168 = tpu.vector_load %arg8[%swap3A_166, %swap3A_167] {strides = array<i32>} : memref<2x128xi32, #tpu.memory_space<vmem>>, vector<1x16xi32>,
    %swap3A_169 = vector.shape_cast %swap3A_168 : vector<1x16xi32> to vector<16xi32>
    %swap3A_170 = vector.shape_cast %add3A_164 : vector<16xi32> to vector<1x16xi32>
    tpu.vector_store %arg8[%swap3A_166, %swap3A_167], %swap3A_170 {strides = array<i32>} : memref<2x128xi32, #tpu.memory_space<vmem>>, vector<1x16xi32>,
    %get3A_171 = arith.constant 48 : index
    %get3A_172 = tpu.vector_load %arg5[%get3A_171] {strides = array<i32>} : memref<256xi32, #tpu.memory_space<vmem>>, vector<16xi32>,
    %get3A_173 = vector.shape_cast %get3A_172 : vector<16xi32> to vector<16xi32>
    %get3A_174 = arith.constant 48 : index
    %get3A_175 = tpu.vector_load %arg6[%get3A_174] {strides = array<i32>} : memref<256xi32, #tpu.memory_space<vmem>>, vector<16xi32>,
    %get3A_176 = vector.shape_cast %get3A_175 : vector<16xi32> to vector<16xi32>
    %get3A_177 = arith.constant 48 : index
    %get3A_178 = tpu.vector_load %arg7[%get3A_177] {strides = array<i32>} : memref<256xi32, #tpu.memory_space<vmem>>, vector<16xi32>,
    %get3A_179 = vector.shape_cast %get3A_178 : vector<16xi32> to vector<16xi32>
    %mul3A_180 = arith.constant 14 : i32
    %mul3A_181 = vector.broadcast %mul3A_180 : i32 to vector<16xi32>
    %mul3A_182 = arith.muli %get3A_173, %mul3A_181 : vector<16xi32>
    %add3A_183 = arith.addi %mul3A_182, %get3A_176 : vector<16xi32>
    %mul3A_184 = arith.constant 70 : i32
    %mul3A_185 = vector.broadcast %mul3A_184 : i32 to vector<16xi32>
    %mul3A_186 = arith.muli %add3A_183, %mul3A_185 : vector<16xi32>
    %add3A_187 = arith.addi %mul3A_186, %get3A_179 : vector<16xi32>
    %swap3A_188 = arith.constant 0 : i32
    %swap3A_189 = arith.index_cast %swap3A_188 : i32 to index
    %swap3A_190 = arith.constant 48 : index
    %swap3A_191 = tpu.vector_load %arg8[%swap3A_189, %swap3A_190] {strides = array<i32>} : memref<2x128xi32, #tpu.memory_space<vmem>>, vector<1x16xi32>,
    %swap3A_192 = vector.shape_cast %swap3A_191 : vector<1x16xi32> to vector<16xi32>
    %swap3A_193 = vector.shape_cast %add3A_187 : vector<16xi32> to vector<1x16xi32>
    tpu.vector_store %arg8[%swap3A_189, %swap3A_190], %swap3A_193 {strides = array<i32>} : memref<2x128xi32, #tpu.memory_space<vmem>>, vector<1x16xi32>,
    %get3A_194 = arith.constant 64 : index
    %get3A_195 = tpu.vector_load %arg5[%get3A_194] {strides = array<i32>} : memref<256xi32, #tpu.memory_space<vmem>>, vector<16xi32>,
    %get3A_196 = vector.shape_cast %get3A_195 : vector<16xi32> to vector<16xi32>
    %get3A_197 = arith.constant 64 : index
    %get3A_198 = tpu.vector_load %arg6[%get3A_197] {strides = array<i32>} : memref<256xi32, #tpu.memory_space<vmem>>, vector<16xi32>,
    %get3A_199 = vector.shape_cast %get3A_198 : vector<16xi32> to vector<16xi32>
    %get3A_200 = arith.constant 64 : index
    %get3A_201 = tpu.vector_load %arg7[%get3A_200] {strides = array<i32>} : memref<256xi32, #tpu.memory_space<vmem>>, vector<16xi32>,
    %get3A_202 = vector.shape_cast %get3A_201 : vector<16xi32> to vector<16xi32>
    %mul3A_203 = arith.constant 14 : i32
    %mul3A_204 = vector.broadcast %mul3A_203 : i32 to vector<16xi32>
    %mul3A_205 = arith.muli %get3A_196, %mul3A_204 : vector<16xi32>
    %add3A_206 = arith.addi %mul3A_205, %get3A_199 : vector<16xi32>
    %mul3A_207 = arith.constant 70 : i32
    %mul3A_208 = vector.broadcast %mul3A_207 : i32 to vector<16xi32>
    %mul3A_209 = arith.muli %add3A_206, %mul3A_208 : vector<16xi32>
    %add3A_210 = arith.addi %mul3A_209, %get3A_202 : vector<16xi32>
    %swap3A_211 = arith.constant 0 : i32
    %swap3A_212 = arith.index_cast %swap3A_211 : i32 to index
    %swap3A_213 = arith.constant 64 : index
    %swap3A_214 = tpu.vector_load %arg8[%swap3A_212, %swap3A_213] {strides = array<i32>} : memref<2x128xi32, #tpu.memory_space<vmem>>, vector<1x16xi32>,
    %swap3A_215 = vector.shape_cast %swap3A_214 : vector<1x16xi32> to vector<16xi32>
    %swap3A_216 = vector.shape_cast %add3A_210 : vector<16xi32> to vector<1x16xi32>
    tpu.vector_store %arg8[%swap3A_212, %swap3A_213], %swap3A_216 {strides = array<i32>} : memref<2x128xi32, #tpu.memory_space<vmem>>, vector<1x16xi32>,
    %get3A_217 = arith.constant 80 : index
    %get3A_218 = tpu.vector_load %arg5[%get3A_217] {strides = array<i32>} : memref<256xi32, #tpu.memory_space<vmem>>, vector<16xi32>,
    %get3A_219 = vector.shape_cast %get3A_218 : vector<16xi32> to vector<16xi32>
    %get3A_220 = arith.constant 80 : index
    %get3A_221 = tpu.vector_load %arg6[%get3A_220] {strides = array<i32>} : memref<256xi32, #tpu.memory_space<vmem>>, vector<16xi32>,
    %get3A_222 = vector.shape_cast %get3A_221 : vector<16xi32> to vector<16xi32>
    %get3A_223 = arith.constant 80 : index
    %get3A_224 = tpu.vector_load %arg7[%get3A_223] {strides = array<i32>} : memref<256xi32, #tpu.memory_space<vmem>>, vector<16xi32>,
    %get3A_225 = vector.shape_cast %get3A_224 : vector<16xi32> to vector<16xi32>
    %mul3A_226 = arith.constant 14 : i32
    %mul3A_227 = vector.broadcast %mul3A_226 : i32 to vector<16xi32>
    %mul3A_228 = arith.muli %get3A_219, %mul3A_227 : vector<16xi32>
    %add3A_229 = arith.addi %mul3A_228, %get3A_222 : vector<16xi32>
    %mul3A_230 = arith.constant 70 : i32
    %mul3A_231 = vector.broadcast %mul3A_230 : i32 to vector<16xi32>
    %mul3A_232 = arith.muli %add3A_229, %mul3A_231 : vector<16xi32>
    %add3A_233 = arith.addi %mul3A_232, %get3A_225 : vector<16xi32>
    %swap3A_234 = arith.constant 0 : i32
    %swap3A_235 = arith.index_cast %swap3A_234 : i32 to index
    %swap3A_236 = arith.constant 80 : index
    %swap3A_237 = tpu.vector_load %arg8[%swap3A_235, %swap3A_236] {strides = array<i32>} : memref<2x128xi32, #tpu.memory_space<vmem>>, vector<1x16xi32>,
    %swap3A_238 = vector.shape_cast %swap3A_237 : vector<1x16xi32> to vector<16xi32>
    %swap3A_239 = vector.shape_cast %add3A_233 : vector<16xi32> to vector<1x16xi32>
    tpu.vector_store %arg8[%swap3A_235, %swap3A_236], %swap3A_239 {strides = array<i32>} : memref<2x128xi32, #tpu.memory_space<vmem>>, vector<1x16xi32>,
    %get3A_240 = arith.constant 96 : index
    %get3A_241 = tpu.vector_load %arg5[%get3A_240] {strides = array<i32>} : memref<256xi32, #tpu.memory_space<vmem>>, vector<16xi32>,
    %get3A_242 = vector.shape_cast %get3A_241 : vector<16xi32> to vector<16xi32>
    %get3A_243 = arith.constant 96 : index
    %get3A_244 = tpu.vector_load %arg6[%get3A_243] {strides = array<i32>} : memref<256xi32, #tpu.memory_space<vmem>>, vector<16xi32>,
    %get3A_245 = vector.shape_cast %get3A_244 : vector<16xi32> to vector<16xi32>
    %get3A_246 = arith.constant 96 : index
    %get3A_247 = tpu.vector_load %arg7[%get3A_246] {strides = array<i32>} : memref<256xi32, #tpu.memory_space<vmem>>, vector<16xi32>,
    %get3A_248 = vector.shape_cast %get3A_247 : vector<16xi32> to vector<16xi32>
    %mul3A_249 = arith.constant 14 : i32
    %mul3A_250 = vector.broadcast %mul3A_249 : i32 to vector<16xi32>
    %mul3A_251 = arith.muli %get3A_242, %mul3A_250 : vector<16xi32>
    %add3A_252 = arith.addi %mul3A_251, %get3A_245 : vector<16xi32>
    %mul3A_253 = arith.constant 70 : i32
    %mul3A_254 = vector.broadcast %mul3A_253 : i32 to vector<16xi32>
    %mul3A_255 = arith.muli %add3A_252, %mul3A_254 : vector<16xi32>
    %add3A_256 = arith.addi %mul3A_255, %get3A_248 : vector<16xi32>
    %swap3A_257 = arith.constant 0 : i32
    %swap3A_258 = arith.index_cast %swap3A_257 : i32 to index
    %swap3A_259 = arith.constant 96 : index
    %swap3A_260 = tpu.vector_load %arg8[%swap3A_258, %swap3A_259] {strides = array<i32>} : memref<2x128xi32, #tpu.memory_space<vmem>>, vector<1x16xi32>,
    %swap3A_261 = vector.shape_cast %swap3A_260 : vector<1x16xi32> to vector<16xi32>
    %swap3A_262 = vector.shape_cast %add3A_256 : vector<16xi32> to vector<1x16xi32>
    tpu.vector_store %arg8[%swap3A_258, %swap3A_259], %swap3A_262 {strides = array<i32>} : memref<2x128xi32, #tpu.memory_space<vmem>>, vector<1x16xi32>,
    %get3A_263 = arith.constant 112 : index
    %get3A_264 = tpu.vector_load %arg5[%get3A_263] {strides = array<i32>} : memref<256xi32, #tpu.memory_space<vmem>>, vector<16xi32>,
    %get3A_265 = vector.shape_cast %get3A_264 : vector<16xi32> to vector<16xi32>
    %get3A_266 = arith.constant 112 : index
    %get3A_267 = tpu.vector_load %arg6[%get3A_266] {strides = array<i32>} : memref<256xi32, #tpu.memory_space<vmem>>, vector<16xi32>,
    %get3A_268 = vector.shape_cast %get3A_267 : vector<16xi32> to vector<16xi32>
    %get3A_269 = arith.constant 112 : index
    %get3A_270 = tpu.vector_load %arg7[%get3A_269] {strides = array<i32>} : memref<256xi32, #tpu.memory_space<vmem>>, vector<16xi32>,
    %get3A_271 = vector.shape_cast %get3A_270 : vector<16xi32> to vector<16xi32>
    %mul3A_272 = arith.constant 14 : i32
    %mul3A_273 = vector.broadcast %mul3A_272 : i32 to vector<16xi32>
    %mul3A_274 = arith.muli %get3A_265, %mul3A_273 : vector<16xi32>
    %add3A_275 = arith.addi %mul3A_274, %get3A_268 : vector<16xi32>
    %mul3A_276 = arith.constant 70 : i32
    %mul3A_277 = vector.broadcast %mul3A_276 : i32 to vector<16xi32>
    %mul3A_278 = arith.muli %add3A_275, %mul3A_277 : vector<16xi32>
    %add3A_279 = arith.addi %mul3A_278, %get3A_271 : vector<16xi32>
    %swap3A_280 = arith.constant 0 : i32
    %swap3A_281 = arith.index_cast %swap3A_280 : i32 to index
    %swap3A_282 = arith.constant 112 : index
    %swap3A_283 = tpu.vector_load %arg8[%swap3A_281, %swap3A_282] {strides = array<i32>} : memref<2x128xi32, #tpu.memory_space<vmem>>, vector<1x16xi32>,
    %swap3A_284 = vector.shape_cast %swap3A_283 : vector<1x16xi32> to vector<16xi32>
    %swap3A_285 = vector.shape_cast %add3A_279 : vector<16xi32> to vector<1x16xi32>
    tpu.vector_store %arg8[%swap3A_281, %swap3A_282], %swap3A_285 {strides = array<i32>} : memref<2x128xi32, #tpu.memory_space<vmem>>, vector<1x16xi32>,
    %dma_start3A_286 = arith.constant 0 : i32
    %dma_start3A_287 = arith.constant 0 : i32
    %dma_start3A_288 = arith.constant 0 : i32
    %dma_start3A_289 = arith.constant 0 : i32
    %dma_start3A_290 = tpu.memref_slice %arg9[%dma_start3A_287, %dma_start3A_288, %dma_start3A_289] : memref<2x128x128xf32, #tpu.memory_space<vmem>> -> memref<1x128x128xf32, #tpu.memory_space<vmem>>
    %dma_start3A_291 = tpu.memref_squeeze %dma_start3A_290 : memref<1x128x128xf32, #tpu.memory_space<vmem>> -> memref<128x128xf32, #tpu.memory_space<vmem>>
    %dma_start3A_292 = arith.constant 0 : i32
    %dma_start3A_293 = tpu.memref_slice %arg8[%dma_start3A_286, %dma_start3A_292] : memref<2x128xi32, #tpu.memory_space<vmem>> -> memref<1x128xi32, #tpu.memory_space<vmem>>
    %dma_start3A_294 = tpu.memref_squeeze %dma_start3A_293 : memref<1x128xi32, #tpu.memory_space<vmem>> -> memref<128xi32, #tpu.memory_space<vmem>>
    %dma_start3A_295 = arith.constant 0 : i32
    %dma_start3A_296 = arith.constant 0 : i32
    %dma_start3A_297 = tpu.memref_slice %arg11[%dma_start3A_295, %dma_start3A_296] : memref<4992x128xf32, #tpu.memory_space<vmem_shared>> -> memref<4992x128xf32, #tpu.memory_space<vmem_shared>>
    tpu.enqueue_indirect_dma source(%dma_start3A_297 : memref<4992x128xf32, #tpu.memory_space<vmem_shared>>) target(%dma_start3A_291 : memref<128x128xf32, #tpu.memory_space<vmem>>) offsets(%dma_start3A_294 : memref<128xi32, #tpu.memory_space<vmem>>) semaphore(%arg14 : memref<!tpu.dma_semaphore, #tpu.memory_space<semaphore_mem>>)
    %mul3A_298 = arith.constant 102400 : i32
    %mul3A_299 = arith.muli %add3A, %mul3A_298 : i32
    %add3A_300 = arith.constant 256 : i32
    %add3A_301 = arith.addi %mul3A_299, %add3A_300 : i32
    %dma_start3A_302 = arith.constant 0 : i32
    %dma_start3A_303 = tpu.memref_slice %arg5[%dma_start3A_302] : memref<256xi32, #tpu.memory_space<vmem>> -> memref<128xi32, #tpu.memory_space<vmem>>
    %dma_start3A_304 = tpu.memref_slice %arg2[%add3A_301] : memref<9830400xi32, #tpu.memory_space<hbm>> -> memref<128xi32, #tpu.memory_space<hbm>>
    %dma_start3A_305 = arith.constant 0 : i32
    %dma_start3A_306 = tpu.memref_slice %arg5[%dma_start3A_305] : memref<256xi32, #tpu.memory_space<vmem>> -> memref<128xi32, #tpu.memory_space<vmem>>
    %dma_start3A_307 = tpu.memref_slice %arg2[%add3A_301] : memref<9830400xi32, #tpu.memory_space<hbm>> -> memref<128xi32, #tpu.memory_space<hbm>>
    tpu.enqueue_dma source(%dma_start3A_307 : memref<128xi32, #tpu.memory_space<hbm>>) target(%dma_start3A_306 : memref<128xi32, #tpu.memory_space<vmem>>) target_semaphore(%arg12 : memref<!tpu.dma_semaphore, #tpu.memory_space<semaphore_mem>>)
    %add3A_308 = arith.constant 3276800 : i32
    %add3A_309 = arith.addi %add3A_308, %add3A_301 : i32
    %dma_start3A_310 = arith.constant 0 : i32
    %dma_start3A_311 = tpu.memref_slice %arg6[%dma_start3A_310] : memref<256xi32, #tpu.memory_space<vmem>> -> memref<128xi32, #tpu.memory_space<vmem>>
    %dma_start3A_312 = tpu.memref_slice %arg2[%add3A_309] : memref<9830400xi32, #tpu.memory_space<hbm>> -> memref<128xi32, #tpu.memory_space<hbm>>
    %dma_start3A_313 = arith.constant 0 : i32
    %dma_start3A_314 = tpu.memref_slice %arg6[%dma_start3A_313] : memref<256xi32, #tpu.memory_space<vmem>> -> memref<128xi32, #tpu.memory_space<vmem>>
    %dma_start3A_315 = tpu.memref_slice %arg2[%add3A_309] : memref<9830400xi32, #tpu.memory_space<hbm>> -> memref<128xi32, #tpu.memory_space<hbm>>
    tpu.enqueue_dma source(%dma_start3A_315 : memref<128xi32, #tpu.memory_space<hbm>>) target(%dma_start3A_314 : memref<128xi32, #tpu.memory_space<vmem>>) target_semaphore(%arg12 : memref<!tpu.dma_semaphore, #tpu.memory_space<semaphore_mem>>)
    %add3A_316 = arith.constant 6553600 : i32
    %add3A_317 = arith.addi %add3A_316, %add3A_301 : i32
    %dma_start3A_318 = arith.constant 0 : i32
    %dma_start3A_319 = tpu.memref_slice %arg7[%dma_start3A_318] : memref<256xi32, #tpu.memory_space<vmem>> -> memref<128xi32, #tpu.memory_space<vmem>>
    %dma_start3A_320 = tpu.memref_slice %arg2[%add3A_317] : memref<9830400xi32, #tpu.memory_space<hbm>> -> memref<128xi32, #tpu.memory_space<hbm>>
    %dma_start3A_321 = arith.constant 0 : i32
    %dma_start3A_322 = tpu.memref_slice %arg7[%dma_start3A_321] : memref<256xi32, #tpu.memory_space<vmem>> -> memref<128xi32, #tpu.memory_space<vmem>>
    %dma_start3A_323 = tpu.memref_slice %arg2[%add3A_317] : memref<9830400xi32, #tpu.memory_space<hbm>> -> memref<128xi32, #tpu.memory_space<hbm>>
    tpu.enqueue_dma source(%dma_start3A_323 : memref<128xi32, #tpu.memory_space<hbm>>) target(%dma_start3A_322 : memref<128xi32, #tpu.memory_space<vmem>>) target_semaphore(%arg12 : memref<!tpu.dma_semaphore, #tpu.memory_space<semaphore_mem>>)
    %dma_wait3A_324 = arith.constant 128 : i32
    %dma_wait3A_325 = tpu.memref_slice %arg5[%dma_wait3A_324] : memref<256xi32, #tpu.memory_space<vmem>> -> memref<128xi32, #tpu.memory_space<vmem>>
    %dma_wait3A_326 = arith.constant 0 : i32
    %dma_wait3A_327 = tpu.memref_slice %arg2[%dma_wait3A_326] : memref<9830400xi32, #tpu.memory_space<hbm>> -> memref<128xi32, #tpu.memory_space<hbm>>
    %dma_wait3A_328 = arith.constant 128 : i32
    %dma_wait3A_329 = tpu.memref_slice %arg5[%dma_wait3A_328] : memref<256xi32, #tpu.memory_space<vmem>> -> memref<128xi32, #tpu.memory_space<vmem>>
    %dma_wait3A_330 = arith.constant 0 : i32
    %dma_wait3A_331 = tpu.memref_slice %arg2[%dma_wait3A_330] : memref<9830400xi32, #tpu.memory_space<hbm>> -> memref<128xi32, #tpu.memory_space<hbm>>
    tpu.wait_dma2 semaphore(%arg13 : memref<!tpu.dma_semaphore, #tpu.memory_space<semaphore_mem>>) src(%dma_wait3A_331 : memref<128xi32, #tpu.memory_space<hbm>>) dst(%dma_wait3A_329 : memref<128xi32, #tpu.memory_space<vmem>>)
    %dma_wait3A_332 = arith.constant 128 : i32
    %dma_wait3A_333 = tpu.memref_slice %arg6[%dma_wait3A_332] : memref<256xi32, #tpu.memory_space<vmem>> -> memref<128xi32, #tpu.memory_space<vmem>>
    %dma_wait3A_334 = arith.constant 0 : i32
    %dma_wait3A_335 = tpu.memref_slice %arg2[%dma_wait3A_334] : memref<9830400xi32, #tpu.memory_space<hbm>> -> memref<128xi32, #tpu.memory_space<hbm>>
    %dma_wait3A_336 = arith.constant 128 : i32
    %dma_wait3A_337 = tpu.memref_slice %arg6[%dma_wait3A_336] : memref<256xi32, #tpu.memory_space<vmem>> -> memref<128xi32, #tpu.memory_space<vmem>>
    %dma_wait3A_338 = arith.constant 0 : i32
    %dma_wait3A_339 = tpu.memref_slice %arg2[%dma_wait3A_338] : memref<9830400xi32, #tpu.memory_space<hbm>> -> memref<128xi32, #tpu.memory_space<hbm>>
    tpu.wait_dma2 semaphore(%arg13 : memref<!tpu.dma_semaphore, #tpu.memory_space<semaphore_mem>>) src(%dma_wait3A_339 : memref<128xi32, #tpu.memory_space<hbm>>) dst(%dma_wait3A_337 : memref<128xi32, #tpu.memory_space<vmem>>)
    %dma_wait3A_340 = arith.constant 128 : i32
    %dma_wait3A_341 = tpu.memref_slice %arg7[%dma_wait3A_340] : memref<256xi32, #tpu.memory_space<vmem>> -> memref<128xi32, #tpu.memory_space<vmem>>
    %dma_wait3A_342 = arith.constant 0 : i32
    %dma_wait3A_343 = tpu.memref_slice %arg2[%dma_wait3A_342] : memref<9830400xi32, #tpu.memory_space<hbm>> -> memref<128xi32, #tpu.memory_space<hbm>>
    %dma_wait3A_344 = arith.constant 128 : i32
    %dma_wait3A_345 = tpu.memref_slice %arg7[%dma_wait3A_344] : memref<256xi32, #tpu.memory_space<vmem>> -> memref<128xi32, #tpu.memory_space<vmem>>
    %dma_wait3A_346 = arith.constant 0 : i32
    %dma_wait3A_347 = tpu.memref_slice %arg2[%dma_wait3A_346] : memref<9830400xi32, #tpu.memory_space<hbm>> -> memref<128xi32, #tpu.memory_space<hbm>>
    tpu.wait_dma2 semaphore(%arg13 : memref<!tpu.dma_semaphore, #tpu.memory_space<semaphore_mem>>) src(%dma_wait3A_347 : memref<128xi32, #tpu.memory_space<hbm>>) dst(%dma_wait3A_345 : memref<128xi32, #tpu.memory_space<vmem>>)
    %get3A_348 = arith.constant 128 : index
    %get3A_349 = tpu.vector_load %arg5[%get3A_348] {strides = array<i32>} : memref<256xi32, #tpu.memory_space<vmem>>, vector<16xi32>,
    %get3A_350 = vector.shape_cast %get3A_349 : vector<16xi32> to vector<16xi32>
    %get3A_351 = arith.constant 128 : index
    %get3A_352 = tpu.vector_load %arg6[%get3A_351] {strides = array<i32>} : memref<256xi32, #tpu.memory_space<vmem>>, vector<16xi32>,
    %get3A_353 = vector.shape_cast %get3A_352 : vector<16xi32> to vector<16xi32>
    %get3A_354 = arith.constant 128 : index
    %get3A_355 = tpu.vector_load %arg7[%get3A_354] {strides = array<i32>} : memref<256xi32, #tpu.memory_space<vmem>>, vector<16xi32>,
    %get3A_356 = vector.shape_cast %get3A_355 : vector<16xi32> to vector<16xi32>
    %mul3A_357 = arith.constant 14 : i32
    %mul3A_358 = vector.broadcast %mul3A_357 : i32 to vector<16xi32>
    %mul3A_359 = arith.muli %get3A_350, %mul3A_358 : vector<16xi32>
    %add3A_360 = arith.addi %mul3A_359, %get3A_353 : vector<16xi32>
    %mul3A_361 = arith.constant 70 : i32
    %mul3A_362 = vector.broadcast %mul3A_361 : i32 to vector<16xi32>
    %mul3A_363 = arith.muli %add3A_360, %mul3A_362 : vector<16xi32>
    %add3A_364 = arith.addi %mul3A_363, %get3A_356 : vector<16xi32>
    %swap3A_365 = arith.constant 1 : i32
    %swap3A_366 = arith.index_cast %swap3A_365 : i32 to index
    %swap3A_367 = arith.constant 0 : index
    %swap3A_368 = tpu.vector_load %arg8[%swap3A_366, %swap3A_367] {strides = array<i32>} : memref<2x128xi32, #tpu.memory_space<vmem>>, vector<1x16xi32>,
    %swap3A_369 = vector.shape_cast %swap3A_368 : vector<1x16xi32> to vector<16xi32>
    %swap3A_370 = vector.shape_cast %add3A_364 : vector<16xi32> to vector<1x16xi32>
    tpu.vector_store %arg8[%swap3A_366, %swap3A_367], %swap3A_370 {strides = array<i32>} : memref<2x128xi32, #tpu.memory_space<vmem>>, vector<1x16xi32>,
    %get3A_371 = arith.constant 144 : index
    %get3A_372 = tpu.vector_load %arg5[%get3A_371] {strides = array<i32>} : memref<256xi32, #tpu.memory_space<vmem>>, vector<16xi32>,
    %get3A_373 = vector.shape_cast %get3A_372 : vector<16xi32> to vector<16xi32>
    %get3A_374 = arith.constant 144 : index
    %get3A_375 = tpu.vector_load %arg6[%get3A_374] {strides = array<i32>} : memref<256xi32, #tpu.memory_space<vmem>>, vector<16xi32>,
    %get3A_376 = vector.shape_cast %get3A_375 : vector<16xi32> to vector<16xi32>
    %get3A_377 = arith.constant 144 : index
    %get3A_378 = tpu.vector_load %arg7[%get3A_377] {strides = array<i32>} : memref<256xi32, #tpu.memory_space<vmem>>, vector<16xi32>,
    %get3A_379 = vector.shape_cast %get3A_378 : vector<16xi32> to vector<16xi32>
    %mul3A_380 = arith.constant 14 : i32
    %mul3A_381 = vector.broadcast %mul3A_380 : i32 to vector<16xi32>
    %mul3A_382 = arith.muli %get3A_373, %mul3A_381 : vector<16xi32>
    %add3A_383 = arith.addi %mul3A_382, %get3A_376 : vector<16xi32>
    %mul3A_384 = arith.constant 70 : i32
    %mul3A_385 = vector.broadcast %mul3A_384 : i32 to vector<16xi32>
    %mul3A_386 = arith.muli %add3A_383, %mul3A_385 : vector<16xi32>
    %add3A_387 = arith.addi %mul3A_386, %get3A_379 : vector<16xi32>
    %swap3A_388 = arith.constant 1 : i32
    %swap3A_389 = arith.index_cast %swap3A_388 : i32 to index
    %swap3A_390 = arith.constant 16 : index
    %swap3A_391 = tpu.vector_load %arg8[%swap3A_389, %swap3A_390] {strides = array<i32>} : memref<2x128xi32, #tpu.memory_space<vmem>>, vector<1x16xi32>,
    %swap3A_392 = vector.shape_cast %swap3A_391 : vector<1x16xi32> to vector<16xi32>
    %swap3A_393 = vector.shape_cast %add3A_387 : vector<16xi32> to vector<1x16xi32>
    tpu.vector_store %arg8[%swap3A_389, %swap3A_390], %swap3A_393 {strides = array<i32>} : memref<2x128xi32, #tpu.memory_space<vmem>>, vector<1x16xi32>,
    %get3A_394 = arith.constant 160 : index
    %get3A_395 = tpu.vector_load %arg5[%get3A_394] {strides = array<i32>} : memref<256xi32, #tpu.memory_space<vmem>>, vector<16xi32>,
    %get3A_396 = vector.shape_cast %get3A_395 : vector<16xi32> to vector<16xi32>
    %get3A_397 = arith.constant 160 : index
    %get3A_398 = tpu.vector_load %arg6[%get3A_397] {strides = array<i32>} : memref<256xi32, #tpu.memory_space<vmem>>, vector<16xi32>,
    %get3A_399 = vector.shape_cast %get3A_398 : vector<16xi32> to vector<16xi32>
    %get3A_400 = arith.constant 160 : index
    %get3A_401 = tpu.vector_load %arg7[%get3A_400] {strides = array<i32>} : memref<256xi32, #tpu.memory_space<vmem>>, vector<16xi32>,
    %get3A_402 = vector.shape_cast %get3A_401 : vector<16xi32> to vector<16xi32>
    %mul3A_403 = arith.constant 14 : i32
    %mul3A_404 = vector.broadcast %mul3A_403 : i32 to vector<16xi32>
    %mul3A_405 = arith.muli %get3A_396, %mul3A_404 : vector<16xi32>
    %add3A_406 = arith.addi %mul3A_405, %get3A_399 : vector<16xi32>
    %mul3A_407 = arith.constant 70 : i32
    %mul3A_408 = vector.broadcast %mul3A_407 : i32 to vector<16xi32>
    %mul3A_409 = arith.muli %add3A_406, %mul3A_408 : vector<16xi32>
    %add3A_410 = arith.addi %mul3A_409, %get3A_402 : vector<16xi32>
    %swap3A_411 = arith.constant 1 : i32
    %swap3A_412 = arith.index_cast %swap3A_411 : i32 to index
    %swap3A_413 = arith.constant 32 : index
    %swap3A_414 = tpu.vector_load %arg8[%swap3A_412, %swap3A_413] {strides = array<i32>} : memref<2x128xi32, #tpu.memory_space<vmem>>, vector<1x16xi32>,
    %swap3A_415 = vector.shape_cast %swap3A_414 : vector<1x16xi32> to vector<16xi32>
    %swap3A_416 = vector.shape_cast %add3A_410 : vector<16xi32> to vector<1x16xi32>
    tpu.vector_store %arg8[%swap3A_412, %swap3A_413], %swap3A_416 {strides = array<i32>} : memref<2x128xi32, #tpu.memory_space<vmem>>, vector<1x16xi32>,
    %get3A_417 = arith.constant 176 : index
    %get3A_418 = tpu.vector_load %arg5[%get3A_417] {strides = array<i32>} : memref<256xi32, #tpu.memory_space<vmem>>, vector<16xi32>,
    %get3A_419 = vector.shape_cast %get3A_418 : vector<16xi32> to vector<16xi32>
    %get3A_420 = arith.constant 176 : index
    %get3A_421 = tpu.vector_load %arg6[%get3A_420] {strides = array<i32>} : memref<256xi32, #tpu.memory_space<vmem>>, vector<16xi32>,
    %get3A_422 = vector.shape_cast %get3A_421 : vector<16xi32> to vector<16xi32>
    %get3A_423 = arith.constant 176 : index
    %get3A_424 = tpu.vector_load %arg7[%get3A_423] {strides = array<i32>} : memref<256xi32, #tpu.memory_space<vmem>>, vector<16xi32>,
    %get3A_425 = vector.shape_cast %get3A_424 : vector<16xi32> to vector<16xi32>
    %mul3A_426 = arith.constant 14 : i32
    %mul3A_427 = vector.broadcast %mul3A_426 : i32 to vector<16xi32>
    %mul3A_428 = arith.muli %get3A_419, %mul3A_427 : vector<16xi32>
    %add3A_429 = arith.addi %mul3A_428, %get3A_422 : vector<16xi32>
    %mul3A_430 = arith.constant 70 : i32
    %mul3A_431 = vector.broadcast %mul3A_430 : i32 to vector<16xi32>
    %mul3A_432 = arith.muli %add3A_429, %mul3A_431 : vector<16xi32>
    %add3A_433 = arith.addi %mul3A_432, %get3A_425 : vector<16xi32>
    %swap3A_434 = arith.constant 1 : i32
    %swap3A_435 = arith.index_cast %swap3A_434 : i32 to index
    %swap3A_436 = arith.constant 48 : index
    %swap3A_437 = tpu.vector_load %arg8[%swap3A_435, %swap3A_436] {strides = array<i32>} : memref<2x128xi32, #tpu.memory_space<vmem>>, vector<1x16xi32>,
    %swap3A_438 = vector.shape_cast %swap3A_437 : vector<1x16xi32> to vector<16xi32>
    %swap3A_439 = vector.shape_cast %add3A_433 : vector<16xi32> to vector<1x16xi32>
    tpu.vector_store %arg8[%swap3A_435, %swap3A_436], %swap3A_439 {strides = array<i32>} : memref<2x128xi32, #tpu.memory_space<vmem>>, vector<1x16xi32>,
    %get3A_440 = arith.constant 192 : index
    %get3A_441 = tpu.vector_load %arg5[%get3A_440] {strides = array<i32>} : memref<256xi32, #tpu.memory_space<vmem>>, vector<16xi32>,
    %get3A_442 = vector.shape_cast %get3A_441 : vector<16xi32> to vector<16xi32>
    %get3A_443 = arith.constant 192 : index
    %get3A_444 = tpu.vector_load %arg6[%get3A_443] {strides = array<i32>} : memref<256xi32, #tpu.memory_space<vmem>>, vector<16xi32>,
    %get3A_445 = vector.shape_cast %get3A_444 : vector<16xi32> to vector<16xi32>
    %get3A_446 = arith.constant 192 : index
    %get3A_447 = tpu.vector_load %arg7[%get3A_446] {strides = array<i32>} : memref<256xi32, #tpu.memory_space<vmem>>, vector<16xi32>,
    %get3A_448 = vector.shape_cast %get3A_447 : vector<16xi32> to vector<16xi32>
    %mul3A_449 = arith.constant 14 : i32
    %mul3A_450 = vector.broadcast %mul3A_449 : i32 to vector<16xi32>
    %mul3A_451 = arith.muli %get3A_442, %mul3A_450 : vector<16xi32>
    %add3A_452 = arith.addi %mul3A_451, %get3A_445 : vector<16xi32>
    %mul3A_453 = arith.constant 70 : i32
    %mul3A_454 = vector.broadcast %mul3A_453 : i32 to vector<16xi32>
    %mul3A_455 = arith.muli %add3A_452, %mul3A_454 : vector<16xi32>
    %add3A_456 = arith.addi %mul3A_455, %get3A_448 : vector<16xi32>
    %swap3A_457 = arith.constant 1 : i32
    %swap3A_458 = arith.index_cast %swap3A_457 : i32 to index
    %swap3A_459 = arith.constant 64 : index
    %swap3A_460 = tpu.vector_load %arg8[%swap3A_458, %swap3A_459] {strides = array<i32>} : memref<2x128xi32, #tpu.memory_space<vmem>>, vector<1x16xi32>,
    %swap3A_461 = vector.shape_cast %swap3A_460 : vector<1x16xi32> to vector<16xi32>
    %swap3A_462 = vector.shape_cast %add3A_456 : vector<16xi32> to vector<1x16xi32>
    tpu.vector_store %arg8[%swap3A_458, %swap3A_459], %swap3A_462 {strides = array<i32>} : memref<2x128xi32, #tpu.memory_space<vmem>>, vector<1x16xi32>,
    %get3A_463 = arith.constant 208 : index
    %get3A_464 = tpu.vector_load %arg5[%get3A_463] {strides = array<i32>} : memref<256xi32, #tpu.memory_space<vmem>>, vector<16xi32>,
    %get3A_465 = vector.shape_cast %get3A_464 : vector<16xi32> to vector<16xi32>
    %get3A_466 = arith.constant 208 : index
    %get3A_467 = tpu.vector_load %arg6[%get3A_466] {strides = array<i32>} : memref<256xi32, #tpu.memory_space<vmem>>, vector<16xi32>,
    %get3A_468 = vector.shape_cast %get3A_467 : vector<16xi32> to vector<16xi32>
    %get3A_469 = arith.constant 208 : index
    %get3A_470 = tpu.vector_load %arg7[%get3A_469] {strides = array<i32>} : memref<256xi32, #tpu.memory_space<vmem>>, vector<16xi32>,
    %get3A_471 = vector.shape_cast %get3A_470 : vector<16xi32> to vector<16xi32>
    %mul3A_472 = arith.constant 14 : i32
    %mul3A_473 = vector.broadcast %mul3A_472 : i32 to vector<16xi32>
    %mul3A_474 = arith.muli %get3A_465, %mul3A_473 : vector<16xi32>
    %add3A_475 = arith.addi %mul3A_474, %get3A_468 : vector<16xi32>
    %mul3A_476 = arith.constant 70 : i32
    %mul3A_477 = vector.broadcast %mul3A_476 : i32 to vector<16xi32>
    %mul3A_478 = arith.muli %add3A_475, %mul3A_477 : vector<16xi32>
    %add3A_479 = arith.addi %mul3A_478, %get3A_471 : vector<16xi32>
    %swap3A_480 = arith.constant 1 : i32
    %swap3A_481 = arith.index_cast %swap3A_480 : i32 to index
    %swap3A_482 = arith.constant 80 : index
    %swap3A_483 = tpu.vector_load %arg8[%swap3A_481, %swap3A_482] {strides = array<i32>} : memref<2x128xi32, #tpu.memory_space<vmem>>, vector<1x16xi32>,
    %swap3A_484 = vector.shape_cast %swap3A_483 : vector<1x16xi32> to vector<16xi32>
    %swap3A_485 = vector.shape_cast %add3A_479 : vector<16xi32> to vector<1x16xi32>
    tpu.vector_store %arg8[%swap3A_481, %swap3A_482], %swap3A_485 {strides = array<i32>} : memref<2x128xi32, #tpu.memory_space<vmem>>, vector<1x16xi32>,
    %get3A_486 = arith.constant 224 : index
    %get3A_487 = tpu.vector_load %arg5[%get3A_486] {strides = array<i32>} : memref<256xi32, #tpu.memory_space<vmem>>, vector<16xi32>,
    %get3A_488 = vector.shape_cast %get3A_487 : vector<16xi32> to vector<16xi32>
    %get3A_489 = arith.constant 224 : index
    %get3A_490 = tpu.vector_load %arg6[%get3A_489] {strides = array<i32>} : memref<256xi32, #tpu.memory_space<vmem>>, vector<16xi32>,
    %get3A_491 = vector.shape_cast %get3A_490 : vector<16xi32> to vector<16xi32>
    %get3A_492 = arith.constant 224 : index
    %get3A_493 = tpu.vector_load %arg7[%get3A_492] {strides = array<i32>} : memref<256xi32, #tpu.memory_space<vmem>>, vector<16xi32>,
    %get3A_494 = vector.shape_cast %get3A_493 : vector<16xi32> to vector<16xi32>
    %mul3A_495 = arith.constant 14 : i32
    %mul3A_496 = vector.broadcast %mul3A_495 : i32 to vector<16xi32>
    %mul3A_497 = arith.muli %get3A_488, %mul3A_496 : vector<16xi32>
    %add3A_498 = arith.addi %mul3A_497, %get3A_491 : vector<16xi32>
    %mul3A_499 = arith.constant 70 : i32
    %mul3A_500 = vector.broadcast %mul3A_499 : i32 to vector<16xi32>
    %mul3A_501 = arith.muli %add3A_498, %mul3A_500 : vector<16xi32>
    %add3A_502 = arith.addi %mul3A_501, %get3A_494 : vector<16xi32>
    %swap3A_503 = arith.constant 1 : i32
    %swap3A_504 = arith.index_cast %swap3A_503 : i32 to index
    %swap3A_505 = arith.constant 96 : index
    %swap3A_506 = tpu.vector_load %arg8[%swap3A_504, %swap3A_505] {strides = array<i32>} : memref<2x128xi32, #tpu.memory_space<vmem>>, vector<1x16xi32>,
    %swap3A_507 = vector.shape_cast %swap3A_506 : vector<1x16xi32> to vector<16xi32>
    %swap3A_508 = vector.shape_cast %add3A_502 : vector<16xi32> to vector<1x16xi32>
    tpu.vector_store %arg8[%swap3A_504, %swap3A_505], %swap3A_508 {strides = array<i32>} : memref<2x128xi32, #tpu.memory_space<vmem>>, vector<1x16xi32>,
    %get3A_509 = arith.constant 240 : index
    %get3A_510 = tpu.vector_load %arg5[%get3A_509] {strides = array<i32>} : memref<256xi32, #tpu.memory_space<vmem>>, vector<16xi32>,
    %get3A_511 = vector.shape_cast %get3A_510 : vector<16xi32> to vector<16xi32>
    %get3A_512 = arith.constant 240 : index
    %get3A_513 = tpu.vector_load %arg6[%get3A_512] {strides = array<i32>} : memref<256xi32, #tpu.memory_space<vmem>>, vector<16xi32>,
    %get3A_514 = vector.shape_cast %get3A_513 : vector<16xi32> to vector<16xi32>
    %get3A_515 = arith.constant 240 : index
    %get3A_516 = tpu.vector_load %arg7[%get3A_515] {strides = array<i32>} : memref<256xi32, #tpu.memory_space<vmem>>, vector<16xi32>,
    %get3A_517 = vector.shape_cast %get3A_516 : vector<16xi32> to vector<16xi32>
    %mul3A_518 = arith.constant 14 : i32
    %mul3A_519 = vector.broadcast %mul3A_518 : i32 to vector<16xi32>
    %mul3A_520 = arith.muli %get3A_511, %mul3A_519 : vector<16xi32>
    %add3A_521 = arith.addi %mul3A_520, %get3A_514 : vector<16xi32>
    %mul3A_522 = arith.constant 70 : i32
    %mul3A_523 = vector.broadcast %mul3A_522 : i32 to vector<16xi32>
    %mul3A_524 = arith.muli %add3A_521, %mul3A_523 : vector<16xi32>
    %add3A_525 = arith.addi %mul3A_524, %get3A_517 : vector<16xi32>
    %swap3A_526 = arith.constant 1 : i32
    %swap3A_527 = arith.index_cast %swap3A_526 : i32 to index
    %swap3A_528 = arith.constant 112 : index
    %swap3A_529 = tpu.vector_load %arg8[%swap3A_527, %swap3A_528] {strides = array<i32>} : memref<2x128xi32, #tpu.memory_space<vmem>>, vector<1x16xi32>,
    %swap3A_530 = vector.shape_cast %swap3A_529 : vector<1x16xi32> to vector<16xi32>
    %swap3A_531 = vector.shape_cast %add3A_525 : vector<16xi32> to vector<1x16xi32>
    tpu.vector_store %arg8[%swap3A_527, %swap3A_528], %swap3A_531 {strides = array<i32>} : memref<2x128xi32, #tpu.memory_space<vmem>>, vector<1x16xi32>,
    %dma_start3A_532 = arith.constant 1 : i32
    %dma_start3A_533 = arith.constant 1 : i32
    %dma_start3A_534 = arith.constant 0 : i32
    %dma_start3A_535 = arith.constant 0 : i32
    %dma_start3A_536 = tpu.memref_slice %arg9[%dma_start3A_533, %dma_start3A_534, %dma_start3A_535] : memref<2x128x128xf32, #tpu.memory_space<vmem>> -> memref<1x128x128xf32, #tpu.memory_space<vmem>>
    %dma_start3A_537 = tpu.memref_squeeze %dma_start3A_536 : memref<1x128x128xf32, #tpu.memory_space<vmem>> -> memref<128x128xf32, #tpu.memory_space<vmem>>
    %dma_start3A_538 = arith.constant 0 : i32
    %dma_start3A_539 = tpu.memref_slice %arg8[%dma_start3A_532, %dma_start3A_538] : memref<2x128xi32, #tpu.memory_space<vmem>> -> memref<1x128xi32, #tpu.memory_space<vmem>>
    %dma_start3A_540 = tpu.memref_squeeze %dma_start3A_539 : memref<1x128xi32, #tpu.memory_space<vmem>> -> memref<128xi32, #tpu.memory_space<vmem>>
    %dma_start3A_541 = arith.constant 0 : i32
    %dma_start3A_542 = arith.constant 0 : i32
    %dma_start3A_543 = tpu.memref_slice %arg11[%dma_start3A_541, %dma_start3A_542] : memref<4992x128xf32, #tpu.memory_space<vmem_shared>> -> memref<4992x128xf32, #tpu.memory_space<vmem_shared>>
    tpu.enqueue_indirect_dma source(%dma_start3A_543 : memref<4992x128xf32, #tpu.memory_space<vmem_shared>>) target(%dma_start3A_537 : memref<128x128xf32, #tpu.memory_space<vmem>>) offsets(%dma_start3A_540 : memref<128xi32, #tpu.memory_space<vmem>>) semaphore(%arg15 : memref<!tpu.dma_semaphore, #tpu.memory_space<semaphore_mem>>)
    %mul3A_544 = arith.constant 102400 : i32
    %mul3A_545 = arith.muli %add3A, %mul3A_544 : i32
    %add3A_546 = arith.constant 384 : i32
    %add3A_547 = arith.addi %mul3A_545, %add3A_546 : i32
    %dma_start3A_548 = arith.constant 128 : i32
    %dma_start3A_549 = tpu.memref_slice %arg5[%dma_start3A_548] : memref<256xi32, #tpu.memory_space<vmem>> -> memref<128xi32, #tpu.memory_space<vmem>>
    %dma_start3A_550 = tpu.memref_slice %arg2[%add3A_547] : memref<9830400xi32, #tpu.memory_space<hbm>> -> memref<128xi32, #tpu.memory_space<hbm>>
    %dma_start3A_551 = arith.constant 128 : i32
    %dma_start3A_552 = tpu.memref_slice %arg5[%dma_start3A_551] : memref<256xi32, #tpu.memory_space<vmem>> -> memref<128xi32, #tpu.memory_space<vmem>>
    %dma_start3A_553 = tpu.memref_slice %arg2[%add3A_547] : memref<9830400xi32, #tpu.memory_space<hbm>> -> memref<128xi32, #tpu.memory_space<hbm>>
    tpu.enqueue_dma source(%dma_start3A_553 : memref<128xi32, #tpu.memory_space<hbm>>) target(%dma_start3A_552 : memref<128xi32, #tpu.memory_space<vmem>>) target_semaphore(%arg13 : memref<!tpu.dma_semaphore, #tpu.memory_space<semaphore_mem>>)
    %add3A_554 = arith.constant 3276800 : i32
    %add3A_555 = arith.addi %add3A_554, %add3A_547 : i32
    %dma_start3A_556 = arith.constant 128 : i32
    %dma_start3A_557 = tpu.memref_slice %arg6[%dma_start3A_556] : memref<256xi32, #tpu.memory_space<vmem>> -> memref<128xi32, #tpu.memory_space<vmem>>
    %dma_start3A_558 = tpu.memref_slice %arg2[%add3A_555] : memref<9830400xi32, #tpu.memory_space<hbm>> -> memref<128xi32, #tpu.memory_space<hbm>>
    %dma_start3A_559 = arith.constant 128 : i32
    %dma_start3A_560 = tpu.memref_slice %arg6[%dma_start3A_559] : memref<256xi32, #tpu.memory_space<vmem>> -> memref<128xi32, #tpu.memory_space<vmem>>
    %dma_start3A_561 = tpu.memref_slice %arg2[%add3A_555] : memref<9830400xi32, #tpu.memory_space<hbm>> -> memref<128xi32, #tpu.memory_space<hbm>>
    tpu.enqueue_dma source(%dma_start3A_561 : memref<128xi32, #tpu.memory_space<hbm>>) target(%dma_start3A_560 : memref<128xi32, #tpu.memory_space<vmem>>) target_semaphore(%arg13 : memref<!tpu.dma_semaphore, #tpu.memory_space<semaphore_mem>>)
    %add3A_562 = arith.constant 6553600 : i32
    %add3A_563 = arith.addi %add3A_562, %add3A_547 : i32
    %dma_start3A_564 = arith.constant 128 : i32
    %dma_start3A_565 = tpu.memref_slice %arg7[%dma_start3A_564] : memref<256xi32, #tpu.memory_space<vmem>> -> memref<128xi32, #tpu.memory_space<vmem>>
    %dma_start3A_566 = tpu.memref_slice %arg2[%add3A_563] : memref<9830400xi32, #tpu.memory_space<hbm>> -> memref<128xi32, #tpu.memory_space<hbm>>
    %dma_start3A_567 = arith.constant 128 : i32
    %dma_start3A_568 = tpu.memref_slice %arg7[%dma_start3A_567] : memref<256xi32, #tpu.memory_space<vmem>> -> memref<128xi32, #tpu.memory_space<vmem>>
    %dma_start3A_569 = tpu.memref_slice %arg2[%add3A_563] : memref<9830400xi32, #tpu.memory_space<hbm>> -> memref<128xi32, #tpu.memory_space<hbm>>
    tpu.enqueue_dma source(%dma_start3A_569 : memref<128xi32, #tpu.memory_space<hbm>>) target(%dma_start3A_568 : memref<128xi32, #tpu.memory_space<vmem>>) target_semaphore(%arg13 : memref<!tpu.dma_semaphore, #tpu.memory_space<semaphore_mem>>)
    %scan3A = arith.constant 0 : i32
    %scan3A_570 = arith.constant 0 : i32
    %scan3A_571 = arith.constant 400 : i32
    %scan3A_572 = arith.addi %scan3A_570, %scan3A_571 : i32
    %scan3A_573 = arith.constant 1 : i32
    scf.for %scan3A_581 = %scan3A_570 to %scan3A_572 step %scan3A_573  : i32 {
      %mul3A_582 = arith.constant 2 : i32
      %mul3A_583 = arith.muli %mul3A_582, %scan3A_581 : i32
      %add3A_584 = arith.constant 0 : i32
      %add3A_585 = arith.addi %mul3A_583, %add3A_584 : i32
      %dma_wait3A_586 = arith.constant 0 : i32
      %dma_wait3A_587 = arith.constant 0 : i32
      %dma_wait3A_588 = arith.constant 0 : i32
      %dma_wait3A_589 = arith.constant 0 : i32
      %dma_wait3A_590 = tpu.memref_slice %arg9[%dma_wait3A_587, %dma_wait3A_588, %dma_wait3A_589] : memref<2x128x128xf32, #tpu.memory_space<vmem>> -> memref<1x128x128xf32, #tpu.memory_space<vmem>>
      %dma_wait3A_591 = tpu.memref_squeeze %dma_wait3A_590 : memref<1x128x128xf32, #tpu.memory_space<vmem>> -> memref<128x128xf32, #tpu.memory_space<vmem>>
      %dma_wait3A_592 = arith.constant 0 : i32
      %dma_wait3A_593 = tpu.memref_slice %arg8[%dma_wait3A_586, %dma_wait3A_592] : memref<2x128xi32, #tpu.memory_space<vmem>> -> memref<1x128xi32, #tpu.memory_space<vmem>>
      %dma_wait3A_594 = tpu.memref_squeeze %dma_wait3A_593 : memref<1x128xi32, #tpu.memory_space<vmem>> -> memref<128xi32, #tpu.memory_space<vmem>>
      %dma_wait3A_595 = arith.constant 0 : i32
      %dma_wait3A_596 = arith.constant 0 : i32
      %dma_wait3A_597 = tpu.memref_slice %arg11[%dma_wait3A_595, %dma_wait3A_596] : memref<4992x128xf32, #tpu.memory_space<vmem_shared>> -> memref<4992x128xf32, #tpu.memory_space<vmem_shared>>
      tpu.wait_indirect_dma semaphore(%arg14 : memref<!tpu.dma_semaphore, #tpu.memory_space<semaphore_mem>>) src(%dma_wait3A_597 : memref<4992x128xf32, #tpu.memory_space<vmem_shared>>) dst(%dma_wait3A_591 : memref<128x128xf32, #tpu.memory_space<vmem>>)
      %ge3A = arith.constant 1 : i32
      %ge3A_598 = arith.cmpi sge, %add3A_585, %ge3A : i32
      %convert_element_type3A = arith.extui %ge3A_598 : i1 to i32
      %cond3A = arith.constant 0 : i32
      %cond3A_599 = arith.cmpi ne, %convert_element_type3A, %cond3A : i32
      scf.if %cond3A_599 {
        %dma_wait3A_678 = arith.constant 0 : i32
        %dma_wait3A_679 = arith.constant 0 : i32
        %dma_wait3A_680 = tpu.memref_slice %arg4[%dma_wait3A_678, %dma_wait3A_679] : memref<1638400x128xf32, #tpu.memory_space<hbm>> -> memref<64x128xf32, #tpu.memory_space<hbm>>
        %dma_wait3A_681 = arith.constant 0 : i32
        %dma_wait3A_682 = arith.constant 0 : i32
        %dma_wait3A_683 = tpu.memref_slice %arg4[%dma_wait3A_681, %dma_wait3A_682] : memref<1638400x128xf32, #tpu.memory_space<hbm>> -> memref<64x128xf32, #tpu.memory_space<hbm>>
        tpu.wait_dma2 semaphore(%arg16 : memref<!tpu.dma_semaphore, #tpu.memory_space<semaphore_mem>>) src(%arg10 : memref<64x128xf32, #tpu.memory_space<vmem>>) dst(%dma_wait3A_683 : memref<64x128xf32, #tpu.memory_space<hbm>>)
      } else {
      }
      %scan3A_600 = arith.constant 0 : i32
      %scan3A_601 = arith.constant 0 : i32
      %scan3A_602 = arith.constant 16 : i32
      %scan3A_603 = arith.addi %scan3A_601, %scan3A_602 : i32
      %scan3A_604 = arith.constant 1 : i32
      scf.for %scan3A_678 = %scan3A_601 to %scan3A_603 step %scan3A_604  : i32 {
        %mul3A_679 = arith.constant 8 : i32
        %mul3A_680 = arith.muli %scan3A_678, %mul3A_679 : i32
        %add3A_681 = arith.constant 0 : i32
        %add3A_682 = arith.addi %mul3A_680, %add3A_681 : i32
        %get3A_683 = arith.constant 0 : i32
        %get3A_684 = arith.index_cast %get3A_683 : i32 to index
        %get3A_685 = arith.index_cast %add3A_682 : i32 to index
        %get3A_686 = arith.constant 0 : index
        %get3A_687 = tpu.vector_load %arg9[%get3A_684, %get3A_685, %get3A_686] {strides = array<i32>} : memref<2x128x128xf32, #tpu.memory_space<vmem>>, vector<1x1x16xf32>,
        %get3A_688 = vector.shape_cast %get3A_687 : vector<1x1x16xf32> to vector<16xf32>
        %mul3A_689 = arith.constant 4 : i32
        %mul3A_690 = arith.muli %scan3A_678, %mul3A_689 : i32
        %add3A_691 = arith.constant 0 : i32
        %add3A_692 = arith.addi %mul3A_690, %add3A_691 : i32
        %swap3A_693 = arith.index_cast %add3A_692 : i32 to index
        %swap3A_694 = arith.constant 0 : index
        %swap3A_695 = tpu.vector_load %arg10[%swap3A_693, %swap3A_694] {strides = array<i32>} : memref<64x128xf32, #tpu.memory_space<vmem>>, vector<1x16xf32>,
        %swap3A_696 = vector.shape_cast %swap3A_695 : vector<1x16xf32> to vector<16xf32>
        %swap3A_697 = vector.shape_cast %get3A_688 : vector<16xf32> to vector<1x16xf32>
        tpu.vector_store %arg10[%swap3A_693, %swap3A_694], %swap3A_697 {strides = array<i32>} : memref<64x128xf32, #tpu.memory_space<vmem>>, vector<1x16xf32>,
        %mul3A_698 = arith.constant 8 : i32
        %mul3A_699 = arith.muli %scan3A_678, %mul3A_698 : i32
        %add3A_700 = arith.constant 0 : i32
        %add3A_701 = arith.addi %mul3A_699, %add3A_700 : i32
        %get3A_702 = arith.constant 0 : i32
        %get3A_703 = arith.index_cast %get3A_702 : i32 to index
        %get3A_704 = arith.index_cast %add3A_701 : i32 to index
        %get3A_705 = arith.constant 16 : index
        %get3A_706 = tpu.vector_load %arg9[%get3A_703, %get3A_704, %get3A_705] {strides = array<i32>} : memref<2x128x128xf32, #tpu.memory_space<vmem>>, vector<1x1x16xf32>,
        %get3A_707 = vector.shape_cast %get3A_706 : vector<1x1x16xf32> to vector<16xf32>
        %mul3A_708 = arith.constant 4 : i32
        %mul3A_709 = arith.muli %scan3A_678, %mul3A_708 : i32
        %add3A_710 = arith.constant 0 : i32
        %add3A_711 = arith.addi %mul3A_709, %add3A_710 : i32
        %swap3A_712 = arith.index_cast %add3A_711 : i32 to index
        %swap3A_713 = arith.constant 16 : index
        %swap3A_714 = tpu.vector_load %arg10[%swap3A_712, %swap3A_713] {strides = array<i32>} : memref<64x128xf32, #tpu.memory_space<vmem>>, vector<1x16xf32>,
        %swap3A_715 = vector.shape_cast %swap3A_714 : vector<1x16xf32> to vector<16xf32>
        %swap3A_716 = vector.shape_cast %get3A_707 : vector<16xf32> to vector<1x16xf32>
        tpu.vector_store %arg10[%swap3A_712, %swap3A_713], %swap3A_716 {strides = array<i32>} : memref<64x128xf32, #tpu.memory_space<vmem>>, vector<1x16xf32>,
        %mul3A_717 = arith.constant 8 : i32
        %mul3A_718 = arith.muli %scan3A_678, %mul3A_717 : i32
        %add3A_719 = arith.constant 0 : i32
        %add3A_720 = arith.addi %mul3A_718, %add3A_719 : i32
        %get3A_721 = arith.constant 0 : i32
        %get3A_722 = arith.index_cast %get3A_721 : i32 to index
        %get3A_723 = arith.index_cast %add3A_720 : i32 to index
        %get3A_724 = arith.constant 32 : index
        %get3A_725 = tpu.vector_load %arg9[%get3A_722, %get3A_723, %get3A_724] {strides = array<i32>} : memref<2x128x128xf32, #tpu.memory_space<vmem>>, vector<1x1x16xf32>,
        %get3A_726 = vector.shape_cast %get3A_725 : vector<1x1x16xf32> to vector<16xf32>
        %mul3A_727 = arith.constant 4 : i32
        %mul3A_728 = arith.muli %scan3A_678, %mul3A_727 : i32
        %add3A_729 = arith.constant 0 : i32
        %add3A_730 = arith.addi %mul3A_728, %add3A_729 : i32
        %swap3A_731 = arith.index_cast %add3A_730 : i32 to index
        %swap3A_732 = arith.constant 32 : index
        %swap3A_733 = tpu.vector_load %arg10[%swap3A_731, %swap3A_732] {strides = array<i32>} : memref<64x128xf32, #tpu.memory_space<vmem>>, vector<1x16xf32>,
        %swap3A_734 = vector.shape_cast %swap3A_733 : vector<1x16xf32> to vector<16xf32>
        %swap3A_735 = vector.shape_cast %get3A_726 : vector<16xf32> to vector<1x16xf32>
        tpu.vector_store %arg10[%swap3A_731, %swap3A_732], %swap3A_735 {strides = array<i32>} : memref<64x128xf32, #tpu.memory_space<vmem>>, vector<1x16xf32>,
        %mul3A_736 = arith.constant 8 : i32
        %mul3A_737 = arith.muli %scan3A_678, %mul3A_736 : i32
        %add3A_738 = arith.constant 0 : i32
        %add3A_739 = arith.addi %mul3A_737, %add3A_738 : i32
        %get3A_740 = arith.constant 0 : i32
        %get3A_741 = arith.index_cast %get3A_740 : i32 to index
        %get3A_742 = arith.index_cast %add3A_739 : i32 to index
        %get3A_743 = arith.constant 48 : index
        %get3A_744 = tpu.vector_load %arg9[%get3A_741, %get3A_742, %get3A_743] {strides = array<i32>} : memref<2x128x128xf32, #tpu.memory_space<vmem>>, vector<1x1x16xf32>,
        %get3A_745 = vector.shape_cast %get3A_744 : vector<1x1x16xf32> to vector<16xf32>
        %mul3A_746 = arith.constant 4 : i32
        %mul3A_747 = arith.muli %scan3A_678, %mul3A_746 : i32
        %add3A_748 = arith.constant 0 : i32
        %add3A_749 = arith.addi %mul3A_747, %add3A_748 : i32
        %swap3A_750 = arith.index_cast %add3A_749 : i32 to index
        %swap3A_751 = arith.constant 48 : index
        %swap3A_752 = tpu.vector_load %arg10[%swap3A_750, %swap3A_751] {strides = array<i32>} : memref<64x128xf32, #tpu.memory_space<vmem>>, vector<1x16xf32>,
        %swap3A_753 = vector.shape_cast %swap3A_752 : vector<1x16xf32> to vector<16xf32>
        %swap3A_754 = vector.shape_cast %get3A_745 : vector<16xf32> to vector<1x16xf32>
        tpu.vector_store %arg10[%swap3A_750, %swap3A_751], %swap3A_754 {strides = array<i32>} : memref<64x128xf32, #tpu.memory_space<vmem>>, vector<1x16xf32>,
        %mul3A_755 = arith.constant 8 : i32
        %mul3A_756 = arith.muli %scan3A_678, %mul3A_755 : i32
        %add3A_757 = arith.constant 1 : i32
        %add3A_758 = arith.addi %mul3A_756, %add3A_757 : i32
        %get3A_759 = arith.constant 0 : i32
        %get3A_760 = arith.index_cast %get3A_759 : i32 to index
        %get3A_761 = arith.index_cast %add3A_758 : i32 to index
        %get3A_762 = arith.constant 0 : index
        %get3A_763 = tpu.vector_load %arg9[%get3A_760, %get3A_761, %get3A_762] {strides = array<i32>} : memref<2x128x128xf32, #tpu.memory_space<vmem>>, vector<1x1x16xf32>,
        %get3A_764 = vector.shape_cast %get3A_763 : vector<1x1x16xf32> to vector<16xf32>
        %mul3A_765 = arith.constant 4 : i32
        %mul3A_766 = arith.muli %scan3A_678, %mul3A_765 : i32
        %add3A_767 = arith.constant 0 : i32
        %add3A_768 = arith.addi %mul3A_766, %add3A_767 : i32
        %swap3A_769 = arith.index_cast %add3A_768 : i32 to index
        %swap3A_770 = arith.constant 64 : index
        %swap3A_771 = tpu.vector_load %arg10[%swap3A_769, %swap3A_770] {strides = array<i32>} : memref<64x128xf32, #tpu.memory_space<vmem>>, vector<1x16xf32>,
        %swap3A_772 = vector.shape_cast %swap3A_771 : vector<1x16xf32> to vector<16xf32>
        %swap3A_773 = vector.shape_cast %get3A_764 : vector<16xf32> to vector<1x16xf32>
        tpu.vector_store %arg10[%swap3A_769, %swap3A_770], %swap3A_773 {strides = array<i32>} : memref<64x128xf32, #tpu.memory_space<vmem>>, vector<1x16xf32>,
        %mul3A_774 = arith.constant 8 : i32
        %mul3A_775 = arith.muli %scan3A_678, %mul3A_774 : i32
        %add3A_776 = arith.constant 1 : i32
        %add3A_777 = arith.addi %mul3A_775, %add3A_776 : i32
        %get3A_778 = arith.constant 0 : i32
        %get3A_779 = arith.index_cast %get3A_778 : i32 to index
        %get3A_780 = arith.index_cast %add3A_777 : i32 to index
        %get3A_781 = arith.constant 16 : index
        %get3A_782 = tpu.vector_load %arg9[%get3A_779, %get3A_780, %get3A_781] {strides = array<i32>} : memref<2x128x128xf32, #tpu.memory_space<vmem>>, vector<1x1x16xf32>,
        %get3A_783 = vector.shape_cast %get3A_782 : vector<1x1x16xf32> to vector<16xf32>
        %mul3A_784 = arith.constant 4 : i32
        %mul3A_785 = arith.muli %scan3A_678, %mul3A_784 : i32
        %add3A_786 = arith.constant 0 : i32
        %add3A_787 = arith.addi %mul3A_785, %add3A_786 : i32
        %swap3A_788 = arith.index_cast %add3A_787 : i32 to index
        %swap3A_789 = arith.constant 80 : index
        %swap3A_790 = tpu.vector_load %arg10[%swap3A_788, %swap3A_789] {strides = array<i32>} : memref<64x128xf32, #tpu.memory_space<vmem>>, vector<1x16xf32>,
        %swap3A_791 = vector.shape_cast %swap3A_790 : vector<1x16xf32> to vector<16xf32>
        %swap3A_792 = vector.shape_cast %get3A_783 : vector<16xf32> to vector<1x16xf32>
        tpu.vector_store %arg10[%swap3A_788, %swap3A_789], %swap3A_792 {strides = array<i32>} : memref<64x128xf32, #tpu.memory_space<vmem>>, vector<1x16xf32>,
        %mul3A_793 = arith.constant 8 : i32
        %mul3A_794 = arith.muli %scan3A_678, %mul3A_793 : i32
        %add3A_795 = arith.constant 1 : i32
        %add3A_796 = arith.addi %mul3A_794, %add3A_795 : i32
        %get3A_797 = arith.constant 0 : i32
        %get3A_798 = arith.index_cast %get3A_797 : i32 to index
        %get3A_799 = arith.index_cast %add3A_796 : i32 to index
        %get3A_800 = arith.constant 32 : index
        %get3A_801 = tpu.vector_load %arg9[%get3A_798, %get3A_799, %get3A_800] {strides = array<i32>} : memref<2x128x128xf32, #tpu.memory_space<vmem>>, vector<1x1x16xf32>,
        %get3A_802 = vector.shape_cast %get3A_801 : vector<1x1x16xf32> to vector<16xf32>
        %mul3A_803 = arith.constant 4 : i32
        %mul3A_804 = arith.muli %scan3A_678, %mul3A_803 : i32
        %add3A_805 = arith.constant 0 : i32
        %add3A_806 = arith.addi %mul3A_804, %add3A_805 : i32
        %swap3A_807 = arith.index_cast %add3A_806 : i32 to index
        %swap3A_808 = arith.constant 96 : index
        %swap3A_809 = tpu.vector_load %arg10[%swap3A_807, %swap3A_808] {strides = array<i32>} : memref<64x128xf32, #tpu.memory_space<vmem>>, vector<1x16xf32>,
        %swap3A_810 = vector.shape_cast %swap3A_809 : vector<1x16xf32> to vector<16xf32>
        %swap3A_811 = vector.shape_cast %get3A_802 : vector<16xf32> to vector<1x16xf32>
        tpu.vector_store %arg10[%swap3A_807, %swap3A_808], %swap3A_811 {strides = array<i32>} : memref<64x128xf32, #tpu.memory_space<vmem>>, vector<1x16xf32>,
        %mul3A_812 = arith.constant 8 : i32
        %mul3A_813 = arith.muli %scan3A_678, %mul3A_812 : i32
        %add3A_814 = arith.constant 1 : i32
        %add3A_815 = arith.addi %mul3A_813, %add3A_814 : i32
        %get3A_816 = arith.constant 0 : i32
        %get3A_817 = arith.index_cast %get3A_816 : i32 to index
        %get3A_818 = arith.index_cast %add3A_815 : i32 to index
        %get3A_819 = arith.constant 48 : index
        %get3A_820 = tpu.vector_load %arg9[%get3A_817, %get3A_818, %get3A_819] {strides = array<i32>} : memref<2x128x128xf32, #tpu.memory_space<vmem>>, vector<1x1x16xf32>,
        %get3A_821 = vector.shape_cast %get3A_820 : vector<1x1x16xf32> to vector<16xf32>
        %mul3A_822 = arith.constant 4 : i32
        %mul3A_823 = arith.muli %scan3A_678, %mul3A_822 : i32
        %add3A_824 = arith.constant 0 : i32
        %add3A_825 = arith.addi %mul3A_823, %add3A_824 : i32
        %swap3A_826 = arith.index_cast %add3A_825 : i32 to index
        %swap3A_827 = arith.constant 112 : index
        %swap3A_828 = tpu.vector_load %arg10[%swap3A_826, %swap3A_827] {strides = array<i32>} : memref<64x128xf32, #tpu.memory_space<vmem>>, vector<1x16xf32>,
        %swap3A_829 = vector.shape_cast %swap3A_828 : vector<1x16xf32> to vector<16xf32>
        %swap3A_830 = vector.shape_cast %get3A_821 : vector<16xf32> to vector<1x16xf32>
        tpu.vector_store %arg10[%swap3A_826, %swap3A_827], %swap3A_830 {strides = array<i32>} : memref<64x128xf32, #tpu.memory_space<vmem>>, vector<1x16xf32>,
        %mul3A_831 = arith.constant 8 : i32
        %mul3A_832 = arith.muli %scan3A_678, %mul3A_831 : i32
        %add3A_833 = arith.constant 2 : i32
        %add3A_834 = arith.addi %mul3A_832, %add3A_833 : i32
        %get3A_835 = arith.constant 0 : i32
        %get3A_836 = arith.index_cast %get3A_835 : i32 to index
        %get3A_837 = arith.index_cast %add3A_834 : i32 to index
        %get3A_838 = arith.constant 0 : index
        %get3A_839 = tpu.vector_load %arg9[%get3A_836, %get3A_837, %get3A_838] {strides = array<i32>} : memref<2x128x128xf32, #tpu.memory_space<vmem>>, vector<1x1x16xf32>,
        %get3A_840 = vector.shape_cast %get3A_839 : vector<1x1x16xf32> to vector<16xf32>
        %mul3A_841 = arith.constant 4 : i32
        %mul3A_842 = arith.muli %scan3A_678, %mul3A_841 : i32
        %add3A_843 = arith.constant 1 : i32
        %add3A_844 = arith.addi %mul3A_842, %add3A_843 : i32
        %swap3A_845 = arith.index_cast %add3A_844 : i32 to index
        %swap3A_846 = arith.constant 0 : index
        %swap3A_847 = tpu.vector_load %arg10[%swap3A_845, %swap3A_846] {strides = array<i32>} : memref<64x128xf32, #tpu.memory_space<vmem>>, vector<1x16xf32>,
        %swap3A_848 = vector.shape_cast %swap3A_847 : vector<1x16xf32> to vector<16xf32>
        %swap3A_849 = vector.shape_cast %get3A_840 : vector<16xf32> to vector<1x16xf32>
        tpu.vector_store %arg10[%swap3A_845, %swap3A_846], %swap3A_849 {strides = array<i32>} : memref<64x128xf32, #tpu.memory_space<vmem>>, vector<1x16xf32>,
        %mul3A_850 = arith.constant 8 : i32
        %mul3A_851 = arith.muli %scan3A_678, %mul3A_850 : i32
        %add3A_852 = arith.constant 2 : i32
        %add3A_853 = arith.addi %mul3A_851, %add3A_852 : i32
        %get3A_854 = arith.constant 0 : i32
        %get3A_855 = arith.index_cast %get3A_854 : i32 to index
        %get3A_856 = arith.index_cast %add3A_853 : i32 to index
        %get3A_857 = arith.constant 16 : index
        %get3A_858 = tpu.vector_load %arg9[%get3A_855, %get3A_856, %get3A_857] {strides = array<i32>} : memref<2x128x128xf32, #tpu.memory_space<vmem>>, vector<1x1x16xf32>,
        %get3A_859 = vector.shape_cast %get3A_858 : vector<1x1x16xf32> to vector<16xf32>
        %mul3A_860 = arith.constant 4 : i32
        %mul3A_861 = arith.muli %scan3A_678, %mul3A_860 : i32
        %add3A_862 = arith.constant 1 : i32
        %add3A_863 = arith.addi %mul3A_861, %add3A_862 : i32
        %swap3A_864 = arith.index_cast %add3A_863 : i32 to index
        %swap3A_865 = arith.constant 16 : index
        %swap3A_866 = tpu.vector_load %arg10[%swap3A_864, %swap3A_865] {strides = array<i32>} : memref<64x128xf32, #tpu.memory_space<vmem>>, vector<1x16xf32>,
        %swap3A_867 = vector.shape_cast %swap3A_866 : vector<1x16xf32> to vector<16xf32>
        %swap3A_868 = vector.shape_cast %get3A_859 : vector<16xf32> to vector<1x16xf32>
        tpu.vector_store %arg10[%swap3A_864, %swap3A_865], %swap3A_868 {strides = array<i32>} : memref<64x128xf32, #tpu.memory_space<vmem>>, vector<1x16xf32>,
        %mul3A_869 = arith.constant 8 : i32
        %mul3A_870 = arith.muli %scan3A_678, %mul3A_869 : i32
        %add3A_871 = arith.constant 2 : i32
        %add3A_872 = arith.addi %mul3A_870, %add3A_871 : i32
        %get3A_873 = arith.constant 0 : i32
        %get3A_874 = arith.index_cast %get3A_873 : i32 to index
        %get3A_875 = arith.index_cast %add3A_872 : i32 to index
        %get3A_876 = arith.constant 32 : index
        %get3A_877 = tpu.vector_load %arg9[%get3A_874, %get3A_875, %get3A_876] {strides = array<i32>} : memref<2x128x128xf32, #tpu.memory_space<vmem>>, vector<1x1x16xf32>,
        %get3A_878 = vector.shape_cast %get3A_877 : vector<1x1x16xf32> to vector<16xf32>
        %mul3A_879 = arith.constant 4 : i32
        %mul3A_880 = arith.muli %scan3A_678, %mul3A_879 : i32
        %add3A_881 = arith.constant 1 : i32
        %add3A_882 = arith.addi %mul3A_880, %add3A_881 : i32
        %swap3A_883 = arith.index_cast %add3A_882 : i32 to index
        %swap3A_884 = arith.constant 32 : index
        %swap3A_885 = tpu.vector_load %arg10[%swap3A_883, %swap3A_884] {strides = array<i32>} : memref<64x128xf32, #tpu.memory_space<vmem>>, vector<1x16xf32>,
        %swap3A_886 = vector.shape_cast %swap3A_885 : vector<1x16xf32> to vector<16xf32>
        %swap3A_887 = vector.shape_cast %get3A_878 : vector<16xf32> to vector<1x16xf32>
        tpu.vector_store %arg10[%swap3A_883, %swap3A_884], %swap3A_887 {strides = array<i32>} : memref<64x128xf32, #tpu.memory_space<vmem>>, vector<1x16xf32>,
        %mul3A_888 = arith.constant 8 : i32
        %mul3A_889 = arith.muli %scan3A_678, %mul3A_888 : i32
        %add3A_890 = arith.constant 2 : i32
        %add3A_891 = arith.addi %mul3A_889, %add3A_890 : i32
        %get3A_892 = arith.constant 0 : i32
        %get3A_893 = arith.index_cast %get3A_892 : i32 to index
        %get3A_894 = arith.index_cast %add3A_891 : i32 to index
        %get3A_895 = arith.constant 48 : index
        %get3A_896 = tpu.vector_load %arg9[%get3A_893, %get3A_894, %get3A_895] {strides = array<i32>} : memref<2x128x128xf32, #tpu.memory_space<vmem>>, vector<1x1x16xf32>,
        %get3A_897 = vector.shape_cast %get3A_896 : vector<1x1x16xf32> to vector<16xf32>
        %mul3A_898 = arith.constant 4 : i32
        %mul3A_899 = arith.muli %scan3A_678, %mul3A_898 : i32
        %add3A_900 = arith.constant 1 : i32
        %add3A_901 = arith.addi %mul3A_899, %add3A_900 : i32
        %swap3A_902 = arith.index_cast %add3A_901 : i32 to index
        %swap3A_903 = arith.constant 48 : index
        %swap3A_904 = tpu.vector_load %arg10[%swap3A_902, %swap3A_903] {strides = array<i32>} : memref<64x128xf32, #tpu.memory_space<vmem>>, vector<1x16xf32>,
        %swap3A_905 = vector.shape_cast %swap3A_904 : vector<1x16xf32> to vector<16xf32>
        %swap3A_906 = vector.shape_cast %get3A_897 : vector<16xf32> to vector<1x16xf32>
        tpu.vector_store %arg10[%swap3A_902, %swap3A_903], %swap3A_906 {strides = array<i32>} : memref<64x128xf32, #tpu.memory_space<vmem>>, vector<1x16xf32>,
        %mul3A_907 = arith.constant 8 : i32
        %mul3A_908 = arith.muli %scan3A_678, %mul3A_907 : i32
        %add3A_909 = arith.constant 3 : i32
        %add3A_910 = arith.addi %mul3A_908, %add3A_909 : i32
        %get3A_911 = arith.constant 0 : i32
        %get3A_912 = arith.index_cast %get3A_911 : i32 to index
        %get3A_913 = arith.index_cast %add3A_910 : i32 to index
        %get3A_914 = arith.constant 0 : index
        %get3A_915 = tpu.vector_load %arg9[%get3A_912, %get3A_913, %get3A_914] {strides = array<i32>} : memref<2x128x128xf32, #tpu.memory_space<vmem>>, vector<1x1x16xf32>,
        %get3A_916 = vector.shape_cast %get3A_915 : vector<1x1x16xf32> to vector<16xf32>
        %mul3A_917 = arith.constant 4 : i32
        %mul3A_918 = arith.muli %scan3A_678, %mul3A_917 : i32
        %add3A_919 = arith.constant 1 : i32
        %add3A_920 = arith.addi %mul3A_918, %add3A_919 : i32
        %swap3A_921 = arith.index_cast %add3A_920 : i32 to index
        %swap3A_922 = arith.constant 64 : index
        %swap3A_923 = tpu.vector_load %arg10[%swap3A_921, %swap3A_922] {strides = array<i32>} : memref<64x128xf32, #tpu.memory_space<vmem>>, vector<1x16xf32>,
        %swap3A_924 = vector.shape_cast %swap3A_923 : vector<1x16xf32> to vector<16xf32>
        %swap3A_925 = vector.shape_cast %get3A_916 : vector<16xf32> to vector<1x16xf32>
        tpu.vector_store %arg10[%swap3A_921, %swap3A_922], %swap3A_925 {strides = array<i32>} : memref<64x128xf32, #tpu.memory_space<vmem>>, vector<1x16xf32>,
        %mul3A_926 = arith.constant 8 : i32
        %mul3A_927 = arith.muli %scan3A_678, %mul3A_926 : i32
        %add3A_928 = arith.constant 3 : i32
        %add3A_929 = arith.addi %mul3A_927, %add3A_928 : i32
        %get3A_930 = arith.constant 0 : i32
        %get3A_931 = arith.index_cast %get3A_930 : i32 to index
        %get3A_932 = arith.index_cast %add3A_929 : i32 to index
        %get3A_933 = arith.constant 16 : index
        %get3A_934 = tpu.vector_load %arg9[%get3A_931, %get3A_932, %get3A_933] {strides = array<i32>} : memref<2x128x128xf32, #tpu.memory_space<vmem>>, vector<1x1x16xf32>,
        %get3A_935 = vector.shape_cast %get3A_934 : vector<1x1x16xf32> to vector<16xf32>
        %mul3A_936 = arith.constant 4 : i32
        %mul3A_937 = arith.muli %scan3A_678, %mul3A_936 : i32
        %add3A_938 = arith.constant 1 : i32
        %add3A_939 = arith.addi %mul3A_937, %add3A_938 : i32
        %swap3A_940 = arith.index_cast %add3A_939 : i32 to index
        %swap3A_941 = arith.constant 80 : index
        %swap3A_942 = tpu.vector_load %arg10[%swap3A_940, %swap3A_941] {strides = array<i32>} : memref<64x128xf32, #tpu.memory_space<vmem>>, vector<1x16xf32>,
        %swap3A_943 = vector.shape_cast %swap3A_942 : vector<1x16xf32> to vector<16xf32>
        %swap3A_944 = vector.shape_cast %get3A_935 : vector<16xf32> to vector<1x16xf32>
        tpu.vector_store %arg10[%swap3A_940, %swap3A_941], %swap3A_944 {strides = array<i32>} : memref<64x128xf32, #tpu.memory_space<vmem>>, vector<1x16xf32>,
        %mul3A_945 = arith.constant 8 : i32
        %mul3A_946 = arith.muli %scan3A_678, %mul3A_945 : i32
        %add3A_947 = arith.constant 3 : i32
        %add3A_948 = arith.addi %mul3A_946, %add3A_947 : i32
        %get3A_949 = arith.constant 0 : i32
        %get3A_950 = arith.index_cast %get3A_949 : i32 to index
        %get3A_951 = arith.index_cast %add3A_948 : i32 to index
        %get3A_952 = arith.constant 32 : index
        %get3A_953 = tpu.vector_load %arg9[%get3A_950, %get3A_951, %get3A_952] {strides = array<i32>} : memref<2x128x128xf32, #tpu.memory_space<vmem>>, vector<1x1x16xf32>,
        %get3A_954 = vector.shape_cast %get3A_953 : vector<1x1x16xf32> to vector<16xf32>
        %mul3A_955 = arith.constant 4 : i32
        %mul3A_956 = arith.muli %scan3A_678, %mul3A_955 : i32
        %add3A_957 = arith.constant 1 : i32
        %add3A_958 = arith.addi %mul3A_956, %add3A_957 : i32
        %swap3A_959 = arith.index_cast %add3A_958 : i32 to index
        %swap3A_960 = arith.constant 96 : index
        %swap3A_961 = tpu.vector_load %arg10[%swap3A_959, %swap3A_960] {strides = array<i32>} : memref<64x128xf32, #tpu.memory_space<vmem>>, vector<1x16xf32>,
        %swap3A_962 = vector.shape_cast %swap3A_961 : vector<1x16xf32> to vector<16xf32>
        %swap3A_963 = vector.shape_cast %get3A_954 : vector<16xf32> to vector<1x16xf32>
        tpu.vector_store %arg10[%swap3A_959, %swap3A_960], %swap3A_963 {strides = array<i32>} : memref<64x128xf32, #tpu.memory_space<vmem>>, vector<1x16xf32>,
        %mul3A_964 = arith.constant 8 : i32
        %mul3A_965 = arith.muli %scan3A_678, %mul3A_964 : i32
        %add3A_966 = arith.constant 3 : i32
        %add3A_967 = arith.addi %mul3A_965, %add3A_966 : i32
        %get3A_968 = arith.constant 0 : i32
        %get3A_969 = arith.index_cast %get3A_968 : i32 to index
        %get3A_970 = arith.index_cast %add3A_967 : i32 to index
        %get3A_971 = arith.constant 48 : index
        %get3A_972 = tpu.vector_load %arg9[%get3A_969, %get3A_970, %get3A_971] {strides = array<i32>} : memref<2x128x128xf32, #tpu.memory_space<vmem>>, vector<1x1x16xf32>,
        %get3A_973 = vector.shape_cast %get3A_972 : vector<1x1x16xf32> to vector<16xf32>
        %mul3A_974 = arith.constant 4 : i32
        %mul3A_975 = arith.muli %scan3A_678, %mul3A_974 : i32
        %add3A_976 = arith.constant 1 : i32
        %add3A_977 = arith.addi %mul3A_975, %add3A_976 : i32
        %swap3A_978 = arith.index_cast %add3A_977 : i32 to index
        %swap3A_979 = arith.constant 112 : index
        %swap3A_980 = tpu.vector_load %arg10[%swap3A_978, %swap3A_979] {strides = array<i32>} : memref<64x128xf32, #tpu.memory_space<vmem>>, vector<1x16xf32>,
        %swap3A_981 = vector.shape_cast %swap3A_980 : vector<1x16xf32> to vector<16xf32>
        %swap3A_982 = vector.shape_cast %get3A_973 : vector<16xf32> to vector<1x16xf32>
        tpu.vector_store %arg10[%swap3A_978, %swap3A_979], %swap3A_982 {strides = array<i32>} : memref<64x128xf32, #tpu.memory_space<vmem>>, vector<1x16xf32>,
        %mul3A_983 = arith.constant 8 : i32
        %mul3A_984 = arith.muli %scan3A_678, %mul3A_983 : i32
        %add3A_985 = arith.constant 4 : i32
        %add3A_986 = arith.addi %mul3A_984, %add3A_985 : i32
        %get3A_987 = arith.constant 0 : i32
        %get3A_988 = arith.index_cast %get3A_987 : i32 to index
        %get3A_989 = arith.index_cast %add3A_986 : i32 to index
        %get3A_990 = arith.constant 0 : index
        %get3A_991 = tpu.vector_load %arg9[%get3A_988, %get3A_989, %get3A_990] {strides = array<i32>} : memref<2x128x128xf32, #tpu.memory_space<vmem>>, vector<1x1x16xf32>,
        %get3A_992 = vector.shape_cast %get3A_991 : vector<1x1x16xf32> to vector<16xf32>
        %mul3A_993 = arith.constant 4 : i32
        %mul3A_994 = arith.muli %scan3A_678, %mul3A_993 : i32
        %add3A_995 = arith.constant 2 : i32
        %add3A_996 = arith.addi %mul3A_994, %add3A_995 : i32
        %swap3A_997 = arith.index_cast %add3A_996 : i32 to index
        %swap3A_998 = arith.constant 0 : index
        %swap3A_999 = tpu.vector_load %arg10[%swap3A_997, %swap3A_998] {strides = array<i32>} : memref<64x128xf32, #tpu.memory_space<vmem>>, vector<1x16xf32>,
        %swap3A_1000 = vector.shape_cast %swap3A_999 : vector<1x16xf32> to vector<16xf32>
        %swap3A_1001 = vector.shape_cast %get3A_992 : vector<16xf32> to vector<1x16xf32>
        tpu.vector_store %arg10[%swap3A_997, %swap3A_998], %swap3A_1001 {strides = array<i32>} : memref<64x128xf32, #tpu.memory_space<vmem>>, vector<1x16xf32>,
        %mul3A_1002 = arith.constant 8 : i32
        %mul3A_1003 = arith.muli %scan3A_678, %mul3A_1002 : i32
        %add3A_1004 = arith.constant 4 : i32
        %add3A_1005 = arith.addi %mul3A_1003, %add3A_1004 : i32
        %get3A_1006 = arith.constant 0 : i32
        %get3A_1007 = arith.index_cast %get3A_1006 : i32 to index
        %get3A_1008 = arith.index_cast %add3A_1005 : i32 to index
        %get3A_1009 = arith.constant 16 : index
        %get3A_1010 = tpu.vector_load %arg9[%get3A_1007, %get3A_1008, %get3A_1009] {strides = array<i32>} : memref<2x128x128xf32, #tpu.memory_space<vmem>>, vector<1x1x16xf32>,
        %get3A_1011 = vector.shape_cast %get3A_1010 : vector<1x1x16xf32> to vector<16xf32>
        %mul3A_1012 = arith.constant 4 : i32
        %mul3A_1013 = arith.muli %scan3A_678, %mul3A_1012 : i32
        %add3A_1014 = arith.constant 2 : i32
        %add3A_1015 = arith.addi %mul3A_1013, %add3A_1014 : i32
        %swap3A_1016 = arith.index_cast %add3A_1015 : i32 to index
        %swap3A_1017 = arith.constant 16 : index
        %swap3A_1018 = tpu.vector_load %arg10[%swap3A_1016, %swap3A_1017] {strides = array<i32>} : memref<64x128xf32, #tpu.memory_space<vmem>>, vector<1x16xf32>,
        %swap3A_1019 = vector.shape_cast %swap3A_1018 : vector<1x16xf32> to vector<16xf32>
        %swap3A_1020 = vector.shape_cast %get3A_1011 : vector<16xf32> to vector<1x16xf32>
        tpu.vector_store %arg10[%swap3A_1016, %swap3A_1017], %swap3A_1020 {strides = array<i32>} : memref<64x128xf32, #tpu.memory_space<vmem>>, vector<1x16xf32>,
        %mul3A_1021 = arith.constant 8 : i32
        %mul3A_1022 = arith.muli %scan3A_678, %mul3A_1021 : i32
        %add3A_1023 = arith.constant 4 : i32
        %add3A_1024 = arith.addi %mul3A_1022, %add3A_1023 : i32
        %get3A_1025 = arith.constant 0 : i32
        %get3A_1026 = arith.index_cast %get3A_1025 : i32 to index
        %get3A_1027 = arith.index_cast %add3A_1024 : i32 to index
        %get3A_1028 = arith.constant 32 : index
        %get3A_1029 = tpu.vector_load %arg9[%get3A_1026, %get3A_1027, %get3A_1028] {strides = array<i32>} : memref<2x128x128xf32, #tpu.memory_space<vmem>>, vector<1x1x16xf32>,
        %get3A_1030 = vector.shape_cast %get3A_1029 : vector<1x1x16xf32> to vector<16xf32>
        %mul3A_1031 = arith.constant 4 : i32
        %mul3A_1032 = arith.muli %scan3A_678, %mul3A_1031 : i32
        %add3A_1033 = arith.constant 2 : i32
        %add3A_1034 = arith.addi %mul3A_1032, %add3A_1033 : i32
        %swap3A_1035 = arith.index_cast %add3A_1034 : i32 to index
        %swap3A_1036 = arith.constant 32 : index
        %swap3A_1037 = tpu.vector_load %arg10[%swap3A_1035, %swap3A_1036] {strides = array<i32>} : memref<64x128xf32, #tpu.memory_space<vmem>>, vector<1x16xf32>,
        %swap3A_1038 = vector.shape_cast %swap3A_1037 : vector<1x16xf32> to vector<16xf32>
        %swap3A_1039 = vector.shape_cast %get3A_1030 : vector<16xf32> to vector<1x16xf32>
        tpu.vector_store %arg10[%swap3A_1035, %swap3A_1036], %swap3A_1039 {strides = array<i32>} : memref<64x128xf32, #tpu.memory_space<vmem>>, vector<1x16xf32>,
        %mul3A_1040 = arith.constant 8 : i32
        %mul3A_1041 = arith.muli %scan3A_678, %mul3A_1040 : i32
        %add3A_1042 = arith.constant 4 : i32
        %add3A_1043 = arith.addi %mul3A_1041, %add3A_1042 : i32
        %get3A_1044 = arith.constant 0 : i32
        %get3A_1045 = arith.index_cast %get3A_1044 : i32 to index
        %get3A_1046 = arith.index_cast %add3A_1043 : i32 to index
        %get3A_1047 = arith.constant 48 : index
        %get3A_1048 = tpu.vector_load %arg9[%get3A_1045, %get3A_1046, %get3A_1047] {strides = array<i32>} : memref<2x128x128xf32, #tpu.memory_space<vmem>>, vector<1x1x16xf32>,
        %get3A_1049 = vector.shape_cast %get3A_1048 : vector<1x1x16xf32> to vector<16xf32>
        %mul3A_1050 = arith.constant 4 : i32
        %mul3A_1051 = arith.muli %scan3A_678, %mul3A_1050 : i32
        %add3A_1052 = arith.constant 2 : i32
        %add3A_1053 = arith.addi %mul3A_1051, %add3A_1052 : i32
        %swap3A_1054 = arith.index_cast %add3A_1053 : i32 to index
        %swap3A_1055 = arith.constant 48 : index
        %swap3A_1056 = tpu.vector_load %arg10[%swap3A_1054, %swap3A_1055] {strides = array<i32>} : memref<64x128xf32, #tpu.memory_space<vmem>>, vector<1x16xf32>,
        %swap3A_1057 = vector.shape_cast %swap3A_1056 : vector<1x16xf32> to vector<16xf32>
        %swap3A_1058 = vector.shape_cast %get3A_1049 : vector<16xf32> to vector<1x16xf32>
        tpu.vector_store %arg10[%swap3A_1054, %swap3A_1055], %swap3A_1058 {strides = array<i32>} : memref<64x128xf32, #tpu.memory_space<vmem>>, vector<1x16xf32>,
        %mul3A_1059 = arith.constant 8 : i32
        %mul3A_1060 = arith.muli %scan3A_678, %mul3A_1059 : i32
        %add3A_1061 = arith.constant 5 : i32
        %add3A_1062 = arith.addi %mul3A_1060, %add3A_1061 : i32
        %get3A_1063 = arith.constant 0 : i32
        %get3A_1064 = arith.index_cast %get3A_1063 : i32 to index
        %get3A_1065 = arith.index_cast %add3A_1062 : i32 to index
        %get3A_1066 = arith.constant 0 : index
        %get3A_1067 = tpu.vector_load %arg9[%get3A_1064, %get3A_1065, %get3A_1066] {strides = array<i32>} : memref<2x128x128xf32, #tpu.memory_space<vmem>>, vector<1x1x16xf32>,
        %get3A_1068 = vector.shape_cast %get3A_1067 : vector<1x1x16xf32> to vector<16xf32>
        %mul3A_1069 = arith.constant 4 : i32
        %mul3A_1070 = arith.muli %scan3A_678, %mul3A_1069 : i32
        %add3A_1071 = arith.constant 2 : i32
        %add3A_1072 = arith.addi %mul3A_1070, %add3A_1071 : i32
        %swap3A_1073 = arith.index_cast %add3A_1072 : i32 to index
        %swap3A_1074 = arith.constant 64 : index
        %swap3A_1075 = tpu.vector_load %arg10[%swap3A_1073, %swap3A_1074] {strides = array<i32>} : memref<64x128xf32, #tpu.memory_space<vmem>>, vector<1x16xf32>,
        %swap3A_1076 = vector.shape_cast %swap3A_1075 : vector<1x16xf32> to vector<16xf32>
        %swap3A_1077 = vector.shape_cast %get3A_1068 : vector<16xf32> to vector<1x16xf32>
        tpu.vector_store %arg10[%swap3A_1073, %swap3A_1074], %swap3A_1077 {strides = array<i32>} : memref<64x128xf32, #tpu.memory_space<vmem>>, vector<1x16xf32>,
        %mul3A_1078 = arith.constant 8 : i32
        %mul3A_1079 = arith.muli %scan3A_678, %mul3A_1078 : i32
        %add3A_1080 = arith.constant 5 : i32
        %add3A_1081 = arith.addi %mul3A_1079, %add3A_1080 : i32
        %get3A_1082 = arith.constant 0 : i32
        %get3A_1083 = arith.index_cast %get3A_1082 : i32 to index
        %get3A_1084 = arith.index_cast %add3A_1081 : i32 to index
        %get3A_1085 = arith.constant 16 : index
        %get3A_1086 = tpu.vector_load %arg9[%get3A_1083, %get3A_1084, %get3A_1085] {strides = array<i32>} : memref<2x128x128xf32, #tpu.memory_space<vmem>>, vector<1x1x16xf32>,
        %get3A_1087 = vector.shape_cast %get3A_1086 : vector<1x1x16xf32> to vector<16xf32>
        %mul3A_1088 = arith.constant 4 : i32
        %mul3A_1089 = arith.muli %scan3A_678, %mul3A_1088 : i32
        %add3A_1090 = arith.constant 2 : i32
        %add3A_1091 = arith.addi %mul3A_1089, %add3A_1090 : i32
        %swap3A_1092 = arith.index_cast %add3A_1091 : i32 to index
        %swap3A_1093 = arith.constant 80 : index
        %swap3A_1094 = tpu.vector_load %arg10[%swap3A_1092, %swap3A_1093] {strides = array<i32>} : memref<64x128xf32, #tpu.memory_space<vmem>>, vector<1x16xf32>,
        %swap3A_1095 = vector.shape_cast %swap3A_1094 : vector<1x16xf32> to vector<16xf32>
        %swap3A_1096 = vector.shape_cast %get3A_1087 : vector<16xf32> to vector<1x16xf32>
        tpu.vector_store %arg10[%swap3A_1092, %swap3A_1093], %swap3A_1096 {strides = array<i32>} : memref<64x128xf32, #tpu.memory_space<vmem>>, vector<1x16xf32>,
        %mul3A_1097 = arith.constant 8 : i32
        %mul3A_1098 = arith.muli %scan3A_678, %mul3A_1097 : i32
        %add3A_1099 = arith.constant 5 : i32
        %add3A_1100 = arith.addi %mul3A_1098, %add3A_1099 : i32
        %get3A_1101 = arith.constant 0 : i32
        %get3A_1102 = arith.index_cast %get3A_1101 : i32 to index
        %get3A_1103 = arith.index_cast %add3A_1100 : i32 to index
        %get3A_1104 = arith.constant 32 : index
        %get3A_1105 = tpu.vector_load %arg9[%get3A_1102, %get3A_1103, %get3A_1104] {strides = array<i32>} : memref<2x128x128xf32, #tpu.memory_space<vmem>>, vector<1x1x16xf32>,
        %get3A_1106 = vector.shape_cast %get3A_1105 : vector<1x1x16xf32> to vector<16xf32>
        %mul3A_1107 = arith.constant 4 : i32
        %mul3A_1108 = arith.muli %scan3A_678, %mul3A_1107 : i32
        %add3A_1109 = arith.constant 2 : i32
        %add3A_1110 = arith.addi %mul3A_1108, %add3A_1109 : i32
        %swap3A_1111 = arith.index_cast %add3A_1110 : i32 to index
        %swap3A_1112 = arith.constant 96 : index
        %swap3A_1113 = tpu.vector_load %arg10[%swap3A_1111, %swap3A_1112] {strides = array<i32>} : memref<64x128xf32, #tpu.memory_space<vmem>>, vector<1x16xf32>,
        %swap3A_1114 = vector.shape_cast %swap3A_1113 : vector<1x16xf32> to vector<16xf32>
        %swap3A_1115 = vector.shape_cast %get3A_1106 : vector<16xf32> to vector<1x16xf32>
        tpu.vector_store %arg10[%swap3A_1111, %swap3A_1112], %swap3A_1115 {strides = array<i32>} : memref<64x128xf32, #tpu.memory_space<vmem>>, vector<1x16xf32>,
        %mul3A_1116 = arith.constant 8 : i32
        %mul3A_1117 = arith.muli %scan3A_678, %mul3A_1116 : i32
        %add3A_1118 = arith.constant 5 : i32
        %add3A_1119 = arith.addi %mul3A_1117, %add3A_1118 : i32
        %get3A_1120 = arith.constant 0 : i32
        %get3A_1121 = arith.index_cast %get3A_1120 : i32 to index
        %get3A_1122 = arith.index_cast %add3A_1119 : i32 to index
        %get3A_1123 = arith.constant 48 : index
        %get3A_1124 = tpu.vector_load %arg9[%get3A_1121, %get3A_1122, %get3A_1123] {strides = array<i32>} : memref<2x128x128xf32, #tpu.memory_space<vmem>>, vector<1x1x16xf32>,
        %get3A_1125 = vector.shape_cast %get3A_1124 : vector<1x1x16xf32> to vector<16xf32>
        %mul3A_1126 = arith.constant 4 : i32
        %mul3A_1127 = arith.muli %scan3A_678, %mul3A_1126 : i32
        %add3A_1128 = arith.constant 2 : i32
        %add3A_1129 = arith.addi %mul3A_1127, %add3A_1128 : i32
        %swap3A_1130 = arith.index_cast %add3A_1129 : i32 to index
        %swap3A_1131 = arith.constant 112 : index
        %swap3A_1132 = tpu.vector_load %arg10[%swap3A_1130, %swap3A_1131] {strides = array<i32>} : memref<64x128xf32, #tpu.memory_space<vmem>>, vector<1x16xf32>,
        %swap3A_1133 = vector.shape_cast %swap3A_1132 : vector<1x16xf32> to vector<16xf32>
        %swap3A_1134 = vector.shape_cast %get3A_1125 : vector<16xf32> to vector<1x16xf32>
        tpu.vector_store %arg10[%swap3A_1130, %swap3A_1131], %swap3A_1134 {strides = array<i32>} : memref<64x128xf32, #tpu.memory_space<vmem>>, vector<1x16xf32>,
        %mul3A_1135 = arith.constant 8 : i32
        %mul3A_1136 = arith.muli %scan3A_678, %mul3A_1135 : i32
        %add3A_1137 = arith.constant 6 : i32
        %add3A_1138 = arith.addi %mul3A_1136, %add3A_1137 : i32
        %get3A_1139 = arith.constant 0 : i32
        %get3A_1140 = arith.index_cast %get3A_1139 : i32 to index
        %get3A_1141 = arith.index_cast %add3A_1138 : i32 to index
        %get3A_1142 = arith.constant 0 : index
        %get3A_1143 = tpu.vector_load %arg9[%get3A_1140, %get3A_1141, %get3A_1142] {strides = array<i32>} : memref<2x128x128xf32, #tpu.memory_space<vmem>>, vector<1x1x16xf32>,
        %get3A_1144 = vector.shape_cast %get3A_1143 : vector<1x1x16xf32> to vector<16xf32>
        %mul3A_1145 = arith.constant 4 : i32
        %mul3A_1146 = arith.muli %scan3A_678, %mul3A_1145 : i32
        %add3A_1147 = arith.constant 3 : i32
        %add3A_1148 = arith.addi %mul3A_1146, %add3A_1147 : i32
        %swap3A_1149 = arith.index_cast %add3A_1148 : i32 to index
        %swap3A_1150 = arith.constant 0 : index
        %swap3A_1151 = tpu.vector_load %arg10[%swap3A_1149, %swap3A_1150] {strides = array<i32>} : memref<64x128xf32, #tpu.memory_space<vmem>>, vector<1x16xf32>,
        %swap3A_1152 = vector.shape_cast %swap3A_1151 : vector<1x16xf32> to vector<16xf32>
        %swap3A_1153 = vector.shape_cast %get3A_1144 : vector<16xf32> to vector<1x16xf32>
        tpu.vector_store %arg10[%swap3A_1149, %swap3A_1150], %swap3A_1153 {strides = array<i32>} : memref<64x128xf32, #tpu.memory_space<vmem>>, vector<1x16xf32>,
        %mul3A_1154 = arith.constant 8 : i32
        %mul3A_1155 = arith.muli %scan3A_678, %mul3A_1154 : i32
        %add3A_1156 = arith.constant 6 : i32
        %add3A_1157 = arith.addi %mul3A_1155, %add3A_1156 : i32
        %get3A_1158 = arith.constant 0 : i32
        %get3A_1159 = arith.index_cast %get3A_1158 : i32 to index
        %get3A_1160 = arith.index_cast %add3A_1157 : i32 to index
        %get3A_1161 = arith.constant 16 : index
        %get3A_1162 = tpu.vector_load %arg9[%get3A_1159, %get3A_1160, %get3A_1161] {strides = array<i32>} : memref<2x128x128xf32, #tpu.memory_space<vmem>>, vector<1x1x16xf32>,
        %get3A_1163 = vector.shape_cast %get3A_1162 : vector<1x1x16xf32> to vector<16xf32>
        %mul3A_1164 = arith.constant 4 : i32
        %mul3A_1165 = arith.muli %scan3A_678, %mul3A_1164 : i32
        %add3A_1166 = arith.constant 3 : i32
        %add3A_1167 = arith.addi %mul3A_1165, %add3A_1166 : i32
        %swap3A_1168 = arith.index_cast %add3A_1167 : i32 to index
        %swap3A_1169 = arith.constant 16 : index
        %swap3A_1170 = tpu.vector_load %arg10[%swap3A_1168, %swap3A_1169] {strides = array<i32>} : memref<64x128xf32, #tpu.memory_space<vmem>>, vector<1x16xf32>,
        %swap3A_1171 = vector.shape_cast %swap3A_1170 : vector<1x16xf32> to vector<16xf32>
        %swap3A_1172 = vector.shape_cast %get3A_1163 : vector<16xf32> to vector<1x16xf32>
        tpu.vector_store %arg10[%swap3A_1168, %swap3A_1169], %swap3A_1172 {strides = array<i32>} : memref<64x128xf32, #tpu.memory_space<vmem>>, vector<1x16xf32>,
        %mul3A_1173 = arith.constant 8 : i32
        %mul3A_1174 = arith.muli %scan3A_678, %mul3A_1173 : i32
        %add3A_1175 = arith.constant 6 : i32
        %add3A_1176 = arith.addi %mul3A_1174, %add3A_1175 : i32
        %get3A_1177 = arith.constant 0 : i32
        %get3A_1178 = arith.index_cast %get3A_1177 : i32 to index
        %get3A_1179 = arith.index_cast %add3A_1176 : i32 to index
        %get3A_1180 = arith.constant 32 : index
        %get3A_1181 = tpu.vector_load %arg9[%get3A_1178, %get3A_1179, %get3A_1180] {strides = array<i32>} : memref<2x128x128xf32, #tpu.memory_space<vmem>>, vector<1x1x16xf32>,
        %get3A_1182 = vector.shape_cast %get3A_1181 : vector<1x1x16xf32> to vector<16xf32>
        %mul3A_1183 = arith.constant 4 : i32
        %mul3A_1184 = arith.muli %scan3A_678, %mul3A_1183 : i32
        %add3A_1185 = arith.constant 3 : i32
        %add3A_1186 = arith.addi %mul3A_1184, %add3A_1185 : i32
        %swap3A_1187 = arith.index_cast %add3A_1186 : i32 to index
        %swap3A_1188 = arith.constant 32 : index
        %swap3A_1189 = tpu.vector_load %arg10[%swap3A_1187, %swap3A_1188] {strides = array<i32>} : memref<64x128xf32, #tpu.memory_space<vmem>>, vector<1x16xf32>,
        %swap3A_1190 = vector.shape_cast %swap3A_1189 : vector<1x16xf32> to vector<16xf32>
        %swap3A_1191 = vector.shape_cast %get3A_1182 : vector<16xf32> to vector<1x16xf32>
        tpu.vector_store %arg10[%swap3A_1187, %swap3A_1188], %swap3A_1191 {strides = array<i32>} : memref<64x128xf32, #tpu.memory_space<vmem>>, vector<1x16xf32>,
        %mul3A_1192 = arith.constant 8 : i32
        %mul3A_1193 = arith.muli %scan3A_678, %mul3A_1192 : i32
        %add3A_1194 = arith.constant 6 : i32
        %add3A_1195 = arith.addi %mul3A_1193, %add3A_1194 : i32
        %get3A_1196 = arith.constant 0 : i32
        %get3A_1197 = arith.index_cast %get3A_1196 : i32 to index
        %get3A_1198 = arith.index_cast %add3A_1195 : i32 to index
        %get3A_1199 = arith.constant 48 : index
        %get3A_1200 = tpu.vector_load %arg9[%get3A_1197, %get3A_1198, %get3A_1199] {strides = array<i32>} : memref<2x128x128xf32, #tpu.memory_space<vmem>>, vector<1x1x16xf32>,
        %get3A_1201 = vector.shape_cast %get3A_1200 : vector<1x1x16xf32> to vector<16xf32>
        %mul3A_1202 = arith.constant 4 : i32
        %mul3A_1203 = arith.muli %scan3A_678, %mul3A_1202 : i32
        %add3A_1204 = arith.constant 3 : i32
        %add3A_1205 = arith.addi %mul3A_1203, %add3A_1204 : i32
        %swap3A_1206 = arith.index_cast %add3A_1205 : i32 to index
        %swap3A_1207 = arith.constant 48 : index
        %swap3A_1208 = tpu.vector_load %arg10[%swap3A_1206, %swap3A_1207] {strides = array<i32>} : memref<64x128xf32, #tpu.memory_space<vmem>>, vector<1x16xf32>,
        %swap3A_1209 = vector.shape_cast %swap3A_1208 : vector<1x16xf32> to vector<16xf32>
        %swap3A_1210 = vector.shape_cast %get3A_1201 : vector<16xf32> to vector<1x16xf32>
        tpu.vector_store %arg10[%swap3A_1206, %swap3A_1207], %swap3A_1210 {strides = array<i32>} : memref<64x128xf32, #tpu.memory_space<vmem>>, vector<1x16xf32>,
        %mul3A_1211 = arith.constant 8 : i32
        %mul3A_1212 = arith.muli %scan3A_678, %mul3A_1211 : i32
        %add3A_1213 = arith.constant 7 : i32
        %add3A_1214 = arith.addi %mul3A_1212, %add3A_1213 : i32
        %get3A_1215 = arith.constant 0 : i32
        %get3A_1216 = arith.index_cast %get3A_1215 : i32 to index
        %get3A_1217 = arith.index_cast %add3A_1214 : i32 to index
        %get3A_1218 = arith.constant 0 : index
        %get3A_1219 = tpu.vector_load %arg9[%get3A_1216, %get3A_1217, %get3A_1218] {strides = array<i32>} : memref<2x128x128xf32, #tpu.memory_space<vmem>>, vector<1x1x16xf32>,
        %get3A_1220 = vector.shape_cast %get3A_1219 : vector<1x1x16xf32> to vector<16xf32>
        %mul3A_1221 = arith.constant 4 : i32
        %mul3A_1222 = arith.muli %scan3A_678, %mul3A_1221 : i32
        %add3A_1223 = arith.constant 3 : i32
        %add3A_1224 = arith.addi %mul3A_1222, %add3A_1223 : i32
        %swap3A_1225 = arith.index_cast %add3A_1224 : i32 to index
        %swap3A_1226 = arith.constant 64 : index
        %swap3A_1227 = tpu.vector_load %arg10[%swap3A_1225, %swap3A_1226] {strides = array<i32>} : memref<64x128xf32, #tpu.memory_space<vmem>>, vector<1x16xf32>,
        %swap3A_1228 = vector.shape_cast %swap3A_1227 : vector<1x16xf32> to vector<16xf32>
        %swap3A_1229 = vector.shape_cast %get3A_1220 : vector<16xf32> to vector<1x16xf32>
        tpu.vector_store %arg10[%swap3A_1225, %swap3A_1226], %swap3A_1229 {strides = array<i32>} : memref<64x128xf32, #tpu.memory_space<vmem>>, vector<1x16xf32>,
        %mul3A_1230 = arith.constant 8 : i32
        %mul3A_1231 = arith.muli %scan3A_678, %mul3A_1230 : i32
        %add3A_1232 = arith.constant 7 : i32
        %add3A_1233 = arith.addi %mul3A_1231, %add3A_1232 : i32
        %get3A_1234 = arith.constant 0 : i32
        %get3A_1235 = arith.index_cast %get3A_1234 : i32 to index
        %get3A_1236 = arith.index_cast %add3A_1233 : i32 to index
        %get3A_1237 = arith.constant 16 : index
        %get3A_1238 = tpu.vector_load %arg9[%get3A_1235, %get3A_1236, %get3A_1237] {strides = array<i32>} : memref<2x128x128xf32, #tpu.memory_space<vmem>>, vector<1x1x16xf32>,
        %get3A_1239 = vector.shape_cast %get3A_1238 : vector<1x1x16xf32> to vector<16xf32>
        %mul3A_1240 = arith.constant 4 : i32
        %mul3A_1241 = arith.muli %scan3A_678, %mul3A_1240 : i32
        %add3A_1242 = arith.constant 3 : i32
        %add3A_1243 = arith.addi %mul3A_1241, %add3A_1242 : i32
        %swap3A_1244 = arith.index_cast %add3A_1243 : i32 to index
        %swap3A_1245 = arith.constant 80 : index
        %swap3A_1246 = tpu.vector_load %arg10[%swap3A_1244, %swap3A_1245] {strides = array<i32>} : memref<64x128xf32, #tpu.memory_space<vmem>>, vector<1x16xf32>,
        %swap3A_1247 = vector.shape_cast %swap3A_1246 : vector<1x16xf32> to vector<16xf32>
        %swap3A_1248 = vector.shape_cast %get3A_1239 : vector<16xf32> to vector<1x16xf32>
        tpu.vector_store %arg10[%swap3A_1244, %swap3A_1245], %swap3A_1248 {strides = array<i32>} : memref<64x128xf32, #tpu.memory_space<vmem>>, vector<1x16xf32>,
        %mul3A_1249 = arith.constant 8 : i32
        %mul3A_1250 = arith.muli %scan3A_678, %mul3A_1249 : i32
        %add3A_1251 = arith.constant 7 : i32
        %add3A_1252 = arith.addi %mul3A_1250, %add3A_1251 : i32
        %get3A_1253 = arith.constant 0 : i32
        %get3A_1254 = arith.index_cast %get3A_1253 : i32 to index
        %get3A_1255 = arith.index_cast %add3A_1252 : i32 to index
        %get3A_1256 = arith.constant 32 : index
        %get3A_1257 = tpu.vector_load %arg9[%get3A_1254, %get3A_1255, %get3A_1256] {strides = array<i32>} : memref<2x128x128xf32, #tpu.memory_space<vmem>>, vector<1x1x16xf32>,
        %get3A_1258 = vector.shape_cast %get3A_1257 : vector<1x1x16xf32> to vector<16xf32>
        %mul3A_1259 = arith.constant 4 : i32
        %mul3A_1260 = arith.muli %scan3A_678, %mul3A_1259 : i32
        %add3A_1261 = arith.constant 3 : i32
        %add3A_1262 = arith.addi %mul3A_1260, %add3A_1261 : i32
        %swap3A_1263 = arith.index_cast %add3A_1262 : i32 to index
        %swap3A_1264 = arith.constant 96 : index
        %swap3A_1265 = tpu.vector_load %arg10[%swap3A_1263, %swap3A_1264] {strides = array<i32>} : memref<64x128xf32, #tpu.memory_space<vmem>>, vector<1x16xf32>,
        %swap3A_1266 = vector.shape_cast %swap3A_1265 : vector<1x16xf32> to vector<16xf32>
        %swap3A_1267 = vector.shape_cast %get3A_1258 : vector<16xf32> to vector<1x16xf32>
        tpu.vector_store %arg10[%swap3A_1263, %swap3A_1264], %swap3A_1267 {strides = array<i32>} : memref<64x128xf32, #tpu.memory_space<vmem>>, vector<1x16xf32>,
        %mul3A_1268 = arith.constant 8 : i32
        %mul3A_1269 = arith.muli %scan3A_678, %mul3A_1268 : i32
        %add3A_1270 = arith.constant 7 : i32
        %add3A_1271 = arith.addi %mul3A_1269, %add3A_1270 : i32
        %get3A_1272 = arith.constant 0 : i32
        %get3A_1273 = arith.index_cast %get3A_1272 : i32 to index
        %get3A_1274 = arith.index_cast %add3A_1271 : i32 to index
        %get3A_1275 = arith.constant 48 : index
        %get3A_1276 = tpu.vector_load %arg9[%get3A_1273, %get3A_1274, %get3A_1275] {strides = array<i32>} : memref<2x128x128xf32, #tpu.memory_space<vmem>>, vector<1x1x16xf32>,
        %get3A_1277 = vector.shape_cast %get3A_1276 : vector<1x1x16xf32> to vector<16xf32>
        %mul3A_1278 = arith.constant 4 : i32
        %mul3A_1279 = arith.muli %scan3A_678, %mul3A_1278 : i32
        %add3A_1280 = arith.constant 3 : i32
        %add3A_1281 = arith.addi %mul3A_1279, %add3A_1280 : i32
        %swap3A_1282 = arith.index_cast %add3A_1281 : i32 to index
        %swap3A_1283 = arith.constant 112 : index
        %swap3A_1284 = tpu.vector_load %arg10[%swap3A_1282, %swap3A_1283] {strides = array<i32>} : memref<64x128xf32, #tpu.memory_space<vmem>>, vector<1x16xf32>,
        %swap3A_1285 = vector.shape_cast %swap3A_1284 : vector<1x16xf32> to vector<16xf32>
        %swap3A_1286 = vector.shape_cast %get3A_1277 : vector<16xf32> to vector<1x16xf32>
        tpu.vector_store %arg10[%swap3A_1282, %swap3A_1283], %swap3A_1286 {strides = array<i32>} : memref<64x128xf32, #tpu.memory_space<vmem>>, vector<1x16xf32>,
      }
      %scan3A_605 = arith.constant 16 : i32
      %mul3A_606 = arith.constant 51200 : i32
      %mul3A_607 = arith.muli %add3A, %mul3A_606 : i32
      %mul3A_608 = arith.constant 64 : i32
      %mul3A_609 = arith.muli %add3A_585, %mul3A_608 : i32
      %add3A_610 = arith.addi %mul3A_607, %mul3A_609 : i32
      %dma_start3A_611 = arith.constant 0 : i32
      %dma_start3A_612 = tpu.memref_slice %arg4[%add3A_610, %dma_start3A_611] : memref<1638400x128xf32, #tpu.memory_space<hbm>> -> memref<64x128xf32, #tpu.memory_space<hbm>>
      %dma_start3A_613 = arith.constant 0 : i32
      %dma_start3A_614 = tpu.memref_slice %arg4[%add3A_610, %dma_start3A_613] : memref<1638400x128xf32, #tpu.memory_space<hbm>> -> memref<64x128xf32, #tpu.memory_space<hbm>>
      tpu.enqueue_dma source(%arg10 : memref<64x128xf32, #tpu.memory_space<vmem>>) target(%dma_start3A_614 : memref<64x128xf32, #tpu.memory_space<hbm>>) target_semaphore(%arg16 : memref<!tpu.dma_semaphore, #tpu.memory_space<semaphore_mem>>)
      %add3A_615 = arith.constant 2 : i32
      %add3A_616 = arith.addi %add3A_585, %add3A_615 : i32
      %lt3A = arith.constant 800 : i32
      %lt3A_617 = arith.cmpi slt, %add3A_616, %lt3A : i32
      %convert_element_type3A_618 = arith.extui %lt3A_617 : i1 to i32
      %cond3A_619 = arith.constant 0 : i32
      %cond3A_620 = arith.cmpi ne, %convert_element_type3A_618, %cond3A_619 : i32
      scf.if %cond3A_620 {
        %add3A_678 = arith.constant 2 : i32
        %add3A_679 = arith.addi %add3A_585, %add3A_678 : i32
        %dma_wait3A_680 = arith.constant 0 : i32
        %dma_wait3A_681 = tpu.memref_slice %arg5[%dma_wait3A_680] : memref<256xi32, #tpu.memory_space<vmem>> -> memref<128xi32, #tpu.memory_space<vmem>>
        %dma_wait3A_682 = arith.constant 0 : i32
        %dma_wait3A_683 = tpu.memref_slice %arg2[%dma_wait3A_682] : memref<9830400xi32, #tpu.memory_space<hbm>> -> memref<128xi32, #tpu.memory_space<hbm>>
        %dma_wait3A_684 = arith.constant 0 : i32
        %dma_wait3A_685 = tpu.memref_slice %arg5[%dma_wait3A_684] : memref<256xi32, #tpu.memory_space<vmem>> -> memref<128xi32, #tpu.memory_space<vmem>>
        %dma_wait3A_686 = arith.constant 0 : i32
        %dma_wait3A_687 = tpu.memref_slice %arg2[%dma_wait3A_686] : memref<9830400xi32, #tpu.memory_space<hbm>> -> memref<128xi32, #tpu.memory_space<hbm>>
        tpu.wait_dma2 semaphore(%arg12 : memref<!tpu.dma_semaphore, #tpu.memory_space<semaphore_mem>>) src(%dma_wait3A_687 : memref<128xi32, #tpu.memory_space<hbm>>) dst(%dma_wait3A_685 : memref<128xi32, #tpu.memory_space<vmem>>)
        %dma_wait3A_688 = arith.constant 0 : i32
        %dma_wait3A_689 = tpu.memref_slice %arg6[%dma_wait3A_688] : memref<256xi32, #tpu.memory_space<vmem>> -> memref<128xi32, #tpu.memory_space<vmem>>
        %dma_wait3A_690 = arith.constant 0 : i32
        %dma_wait3A_691 = tpu.memref_slice %arg2[%dma_wait3A_690] : memref<9830400xi32, #tpu.memory_space<hbm>> -> memref<128xi32, #tpu.memory_space<hbm>>
        %dma_wait3A_692 = arith.constant 0 : i32
        %dma_wait3A_693 = tpu.memref_slice %arg6[%dma_wait3A_692] : memref<256xi32, #tpu.memory_space<vmem>> -> memref<128xi32, #tpu.memory_space<vmem>>
        %dma_wait3A_694 = arith.constant 0 : i32
        %dma_wait3A_695 = tpu.memref_slice %arg2[%dma_wait3A_694] : memref<9830400xi32, #tpu.memory_space<hbm>> -> memref<128xi32, #tpu.memory_space<hbm>>
        tpu.wait_dma2 semaphore(%arg12 : memref<!tpu.dma_semaphore, #tpu.memory_space<semaphore_mem>>) src(%dma_wait3A_695 : memref<128xi32, #tpu.memory_space<hbm>>) dst(%dma_wait3A_693 : memref<128xi32, #tpu.memory_space<vmem>>)
        %dma_wait3A_696 = arith.constant 0 : i32
        %dma_wait3A_697 = tpu.memref_slice %arg7[%dma_wait3A_696] : memref<256xi32, #tpu.memory_space<vmem>> -> memref<128xi32, #tpu.memory_space<vmem>>
        %dma_wait3A_698 = arith.constant 0 : i32
        %dma_wait3A_699 = tpu.memref_slice %arg2[%dma_wait3A_698] : memref<9830400xi32, #tpu.memory_space<hbm>> -> memref<128xi32, #tpu.memory_space<hbm>>
        %dma_wait3A_700 = arith.constant 0 : i32
        %dma_wait3A_701 = tpu.memref_slice %arg7[%dma_wait3A_700] : memref<256xi32, #tpu.memory_space<vmem>> -> memref<128xi32, #tpu.memory_space<vmem>>
        %dma_wait3A_702 = arith.constant 0 : i32
        %dma_wait3A_703 = tpu.memref_slice %arg2[%dma_wait3A_702] : memref<9830400xi32, #tpu.memory_space<hbm>> -> memref<128xi32, #tpu.memory_space<hbm>>
        tpu.wait_dma2 semaphore(%arg12 : memref<!tpu.dma_semaphore, #tpu.memory_space<semaphore_mem>>) src(%dma_wait3A_703 : memref<128xi32, #tpu.memory_space<hbm>>) dst(%dma_wait3A_701 : memref<128xi32, #tpu.memory_space<vmem>>)
        %get3A_704 = arith.constant 0 : index
        %get3A_705 = tpu.vector_load %arg5[%get3A_704] {strides = array<i32>} : memref<256xi32, #tpu.memory_space<vmem>>, vector<16xi32>,
        %get3A_706 = vector.shape_cast %get3A_705 : vector<16xi32> to vector<16xi32>
        %get3A_707 = arith.constant 0 : index
        %get3A_708 = tpu.vector_load %arg6[%get3A_707] {strides = array<i32>} : memref<256xi32, #tpu.memory_space<vmem>>, vector<16xi32>,
        %get3A_709 = vector.shape_cast %get3A_708 : vector<16xi32> to vector<16xi32>
        %get3A_710 = arith.constant 0 : index
        %get3A_711 = tpu.vector_load %arg7[%get3A_710] {strides = array<i32>} : memref<256xi32, #tpu.memory_space<vmem>>, vector<16xi32>,
        %get3A_712 = vector.shape_cast %get3A_711 : vector<16xi32> to vector<16xi32>
        %mul3A_713 = arith.constant 14 : i32
        %mul3A_714 = vector.broadcast %mul3A_713 : i32 to vector<16xi32>
        %mul3A_715 = arith.muli %get3A_706, %mul3A_714 : vector<16xi32>
        %add3A_716 = arith.addi %mul3A_715, %get3A_709 : vector<16xi32>
        %mul3A_717 = arith.constant 70 : i32
        %mul3A_718 = vector.broadcast %mul3A_717 : i32 to vector<16xi32>
        %mul3A_719 = arith.muli %add3A_716, %mul3A_718 : vector<16xi32>
        %add3A_720 = arith.addi %mul3A_719, %get3A_712 : vector<16xi32>
        %swap3A_721 = arith.constant 0 : i32
        %swap3A_722 = arith.index_cast %swap3A_721 : i32 to index
        %swap3A_723 = arith.constant 0 : index
        %swap3A_724 = tpu.vector_load %arg8[%swap3A_722, %swap3A_723] {strides = array<i32>} : memref<2x128xi32, #tpu.memory_space<vmem>>, vector<1x16xi32>,
        %swap3A_725 = vector.shape_cast %swap3A_724 : vector<1x16xi32> to vector<16xi32>
        %swap3A_726 = vector.shape_cast %add3A_720 : vector<16xi32> to vector<1x16xi32>
        tpu.vector_store %arg8[%swap3A_722, %swap3A_723], %swap3A_726 {strides = array<i32>} : memref<2x128xi32, #tpu.memory_space<vmem>>, vector<1x16xi32>,
        %get3A_727 = arith.constant 16 : index
        %get3A_728 = tpu.vector_load %arg5[%get3A_727] {strides = array<i32>} : memref<256xi32, #tpu.memory_space<vmem>>, vector<16xi32>,
        %get3A_729 = vector.shape_cast %get3A_728 : vector<16xi32> to vector<16xi32>
        %get3A_730 = arith.constant 16 : index
        %get3A_731 = tpu.vector_load %arg6[%get3A_730] {strides = array<i32>} : memref<256xi32, #tpu.memory_space<vmem>>, vector<16xi32>,
        %get3A_732 = vector.shape_cast %get3A_731 : vector<16xi32> to vector<16xi32>
        %get3A_733 = arith.constant 16 : index
        %get3A_734 = tpu.vector_load %arg7[%get3A_733] {strides = array<i32>} : memref<256xi32, #tpu.memory_space<vmem>>, vector<16xi32>,
        %get3A_735 = vector.shape_cast %get3A_734 : vector<16xi32> to vector<16xi32>
        %mul3A_736 = arith.constant 14 : i32
        %mul3A_737 = vector.broadcast %mul3A_736 : i32 to vector<16xi32>
        %mul3A_738 = arith.muli %get3A_729, %mul3A_737 : vector<16xi32>
        %add3A_739 = arith.addi %mul3A_738, %get3A_732 : vector<16xi32>
        %mul3A_740 = arith.constant 70 : i32
        %mul3A_741 = vector.broadcast %mul3A_740 : i32 to vector<16xi32>
        %mul3A_742 = arith.muli %add3A_739, %mul3A_741 : vector<16xi32>
        %add3A_743 = arith.addi %mul3A_742, %get3A_735 : vector<16xi32>
        %swap3A_744 = arith.constant 0 : i32
        %swap3A_745 = arith.index_cast %swap3A_744 : i32 to index
        %swap3A_746 = arith.constant 16 : index
        %swap3A_747 = tpu.vector_load %arg8[%swap3A_745, %swap3A_746] {strides = array<i32>} : memref<2x128xi32, #tpu.memory_space<vmem>>, vector<1x16xi32>,
        %swap3A_748 = vector.shape_cast %swap3A_747 : vector<1x16xi32> to vector<16xi32>
        %swap3A_749 = vector.shape_cast %add3A_743 : vector<16xi32> to vector<1x16xi32>
        tpu.vector_store %arg8[%swap3A_745, %swap3A_746], %swap3A_749 {strides = array<i32>} : memref<2x128xi32, #tpu.memory_space<vmem>>, vector<1x16xi32>,
        %get3A_750 = arith.constant 32 : index
        %get3A_751 = tpu.vector_load %arg5[%get3A_750] {strides = array<i32>} : memref<256xi32, #tpu.memory_space<vmem>>, vector<16xi32>,
        %get3A_752 = vector.shape_cast %get3A_751 : vector<16xi32> to vector<16xi32>
        %get3A_753 = arith.constant 32 : index
        %get3A_754 = tpu.vector_load %arg6[%get3A_753] {strides = array<i32>} : memref<256xi32, #tpu.memory_space<vmem>>, vector<16xi32>,
        %get3A_755 = vector.shape_cast %get3A_754 : vector<16xi32> to vector<16xi32>
        %get3A_756 = arith.constant 32 : index
        %get3A_757 = tpu.vector_load %arg7[%get3A_756] {strides = array<i32>} : memref<256xi32, #tpu.memory_space<vmem>>, vector<16xi32>,
        %get3A_758 = vector.shape_cast %get3A_757 : vector<16xi32> to vector<16xi32>
        %mul3A_759 = arith.constant 14 : i32
        %mul3A_760 = vector.broadcast %mul3A_759 : i32 to vector<16xi32>
        %mul3A_761 = arith.muli %get3A_752, %mul3A_760 : vector<16xi32>
        %add3A_762 = arith.addi %mul3A_761, %get3A_755 : vector<16xi32>
        %mul3A_763 = arith.constant 70 : i32
        %mul3A_764 = vector.broadcast %mul3A_763 : i32 to vector<16xi32>
        %mul3A_765 = arith.muli %add3A_762, %mul3A_764 : vector<16xi32>
        %add3A_766 = arith.addi %mul3A_765, %get3A_758 : vector<16xi32>
        %swap3A_767 = arith.constant 0 : i32
        %swap3A_768 = arith.index_cast %swap3A_767 : i32 to index
        %swap3A_769 = arith.constant 32 : index
        %swap3A_770 = tpu.vector_load %arg8[%swap3A_768, %swap3A_769] {strides = array<i32>} : memref<2x128xi32, #tpu.memory_space<vmem>>, vector<1x16xi32>,
        %swap3A_771 = vector.shape_cast %swap3A_770 : vector<1x16xi32> to vector<16xi32>
        %swap3A_772 = vector.shape_cast %add3A_766 : vector<16xi32> to vector<1x16xi32>
        tpu.vector_store %arg8[%swap3A_768, %swap3A_769], %swap3A_772 {strides = array<i32>} : memref<2x128xi32, #tpu.memory_space<vmem>>, vector<1x16xi32>,
        %get3A_773 = arith.constant 48 : index
        %get3A_774 = tpu.vector_load %arg5[%get3A_773] {strides = array<i32>} : memref<256xi32, #tpu.memory_space<vmem>>, vector<16xi32>,
        %get3A_775 = vector.shape_cast %get3A_774 : vector<16xi32> to vector<16xi32>
        %get3A_776 = arith.constant 48 : index
        %get3A_777 = tpu.vector_load %arg6[%get3A_776] {strides = array<i32>} : memref<256xi32, #tpu.memory_space<vmem>>, vector<16xi32>,
        %get3A_778 = vector.shape_cast %get3A_777 : vector<16xi32> to vector<16xi32>
        %get3A_779 = arith.constant 48 : index
        %get3A_780 = tpu.vector_load %arg7[%get3A_779] {strides = array<i32>} : memref<256xi32, #tpu.memory_space<vmem>>, vector<16xi32>,
        %get3A_781 = vector.shape_cast %get3A_780 : vector<16xi32> to vector<16xi32>
        %mul3A_782 = arith.constant 14 : i32
        %mul3A_783 = vector.broadcast %mul3A_782 : i32 to vector<16xi32>
        %mul3A_784 = arith.muli %get3A_775, %mul3A_783 : vector<16xi32>
        %add3A_785 = arith.addi %mul3A_784, %get3A_778 : vector<16xi32>
        %mul3A_786 = arith.constant 70 : i32
        %mul3A_787 = vector.broadcast %mul3A_786 : i32 to vector<16xi32>
        %mul3A_788 = arith.muli %add3A_785, %mul3A_787 : vector<16xi32>
        %add3A_789 = arith.addi %mul3A_788, %get3A_781 : vector<16xi32>
        %swap3A_790 = arith.constant 0 : i32
        %swap3A_791 = arith.index_cast %swap3A_790 : i32 to index
        %swap3A_792 = arith.constant 48 : index
        %swap3A_793 = tpu.vector_load %arg8[%swap3A_791, %swap3A_792] {strides = array<i32>} : memref<2x128xi32, #tpu.memory_space<vmem>>, vector<1x16xi32>,
        %swap3A_794 = vector.shape_cast %swap3A_793 : vector<1x16xi32> to vector<16xi32>
        %swap3A_795 = vector.shape_cast %add3A_789 : vector<16xi32> to vector<1x16xi32>
        tpu.vector_store %arg8[%swap3A_791, %swap3A_792], %swap3A_795 {strides = array<i32>} : memref<2x128xi32, #tpu.memory_space<vmem>>, vector<1x16xi32>,
        %get3A_796 = arith.constant 64 : index
        %get3A_797 = tpu.vector_load %arg5[%get3A_796] {strides = array<i32>} : memref<256xi32, #tpu.memory_space<vmem>>, vector<16xi32>,
        %get3A_798 = vector.shape_cast %get3A_797 : vector<16xi32> to vector<16xi32>
        %get3A_799 = arith.constant 64 : index
        %get3A_800 = tpu.vector_load %arg6[%get3A_799] {strides = array<i32>} : memref<256xi32, #tpu.memory_space<vmem>>, vector<16xi32>,
        %get3A_801 = vector.shape_cast %get3A_800 : vector<16xi32> to vector<16xi32>
        %get3A_802 = arith.constant 64 : index
        %get3A_803 = tpu.vector_load %arg7[%get3A_802] {strides = array<i32>} : memref<256xi32, #tpu.memory_space<vmem>>, vector<16xi32>,
        %get3A_804 = vector.shape_cast %get3A_803 : vector<16xi32> to vector<16xi32>
        %mul3A_805 = arith.constant 14 : i32
        %mul3A_806 = vector.broadcast %mul3A_805 : i32 to vector<16xi32>
        %mul3A_807 = arith.muli %get3A_798, %mul3A_806 : vector<16xi32>
        %add3A_808 = arith.addi %mul3A_807, %get3A_801 : vector<16xi32>
        %mul3A_809 = arith.constant 70 : i32
        %mul3A_810 = vector.broadcast %mul3A_809 : i32 to vector<16xi32>
        %mul3A_811 = arith.muli %add3A_808, %mul3A_810 : vector<16xi32>
        %add3A_812 = arith.addi %mul3A_811, %get3A_804 : vector<16xi32>
        %swap3A_813 = arith.constant 0 : i32
        %swap3A_814 = arith.index_cast %swap3A_813 : i32 to index
        %swap3A_815 = arith.constant 64 : index
        %swap3A_816 = tpu.vector_load %arg8[%swap3A_814, %swap3A_815] {strides = array<i32>} : memref<2x128xi32, #tpu.memory_space<vmem>>, vector<1x16xi32>,
        %swap3A_817 = vector.shape_cast %swap3A_816 : vector<1x16xi32> to vector<16xi32>
        %swap3A_818 = vector.shape_cast %add3A_812 : vector<16xi32> to vector<1x16xi32>
        tpu.vector_store %arg8[%swap3A_814, %swap3A_815], %swap3A_818 {strides = array<i32>} : memref<2x128xi32, #tpu.memory_space<vmem>>, vector<1x16xi32>,
        %get3A_819 = arith.constant 80 : index
        %get3A_820 = tpu.vector_load %arg5[%get3A_819] {strides = array<i32>} : memref<256xi32, #tpu.memory_space<vmem>>, vector<16xi32>,
        %get3A_821 = vector.shape_cast %get3A_820 : vector<16xi32> to vector<16xi32>
        %get3A_822 = arith.constant 80 : index
        %get3A_823 = tpu.vector_load %arg6[%get3A_822] {strides = array<i32>} : memref<256xi32, #tpu.memory_space<vmem>>, vector<16xi32>,
        %get3A_824 = vector.shape_cast %get3A_823 : vector<16xi32> to vector<16xi32>
        %get3A_825 = arith.constant 80 : index
        %get3A_826 = tpu.vector_load %arg7[%get3A_825] {strides = array<i32>} : memref<256xi32, #tpu.memory_space<vmem>>, vector<16xi32>,
        %get3A_827 = vector.shape_cast %get3A_826 : vector<16xi32> to vector<16xi32>
        %mul3A_828 = arith.constant 14 : i32
        %mul3A_829 = vector.broadcast %mul3A_828 : i32 to vector<16xi32>
        %mul3A_830 = arith.muli %get3A_821, %mul3A_829 : vector<16xi32>
        %add3A_831 = arith.addi %mul3A_830, %get3A_824 : vector<16xi32>
        %mul3A_832 = arith.constant 70 : i32
        %mul3A_833 = vector.broadcast %mul3A_832 : i32 to vector<16xi32>
        %mul3A_834 = arith.muli %add3A_831, %mul3A_833 : vector<16xi32>
        %add3A_835 = arith.addi %mul3A_834, %get3A_827 : vector<16xi32>
        %swap3A_836 = arith.constant 0 : i32
        %swap3A_837 = arith.index_cast %swap3A_836 : i32 to index
        %swap3A_838 = arith.constant 80 : index
        %swap3A_839 = tpu.vector_load %arg8[%swap3A_837, %swap3A_838] {strides = array<i32>} : memref<2x128xi32, #tpu.memory_space<vmem>>, vector<1x16xi32>,
        %swap3A_840 = vector.shape_cast %swap3A_839 : vector<1x16xi32> to vector<16xi32>
        %swap3A_841 = vector.shape_cast %add3A_835 : vector<16xi32> to vector<1x16xi32>
        tpu.vector_store %arg8[%swap3A_837, %swap3A_838], %swap3A_841 {strides = array<i32>} : memref<2x128xi32, #tpu.memory_space<vmem>>, vector<1x16xi32>,
        %get3A_842 = arith.constant 96 : index
        %get3A_843 = tpu.vector_load %arg5[%get3A_842] {strides = array<i32>} : memref<256xi32, #tpu.memory_space<vmem>>, vector<16xi32>,
        %get3A_844 = vector.shape_cast %get3A_843 : vector<16xi32> to vector<16xi32>
        %get3A_845 = arith.constant 96 : index
        %get3A_846 = tpu.vector_load %arg6[%get3A_845] {strides = array<i32>} : memref<256xi32, #tpu.memory_space<vmem>>, vector<16xi32>,
        %get3A_847 = vector.shape_cast %get3A_846 : vector<16xi32> to vector<16xi32>
        %get3A_848 = arith.constant 96 : index
        %get3A_849 = tpu.vector_load %arg7[%get3A_848] {strides = array<i32>} : memref<256xi32, #tpu.memory_space<vmem>>, vector<16xi32>,
        %get3A_850 = vector.shape_cast %get3A_849 : vector<16xi32> to vector<16xi32>
        %mul3A_851 = arith.constant 14 : i32
        %mul3A_852 = vector.broadcast %mul3A_851 : i32 to vector<16xi32>
        %mul3A_853 = arith.muli %get3A_844, %mul3A_852 : vector<16xi32>
        %add3A_854 = arith.addi %mul3A_853, %get3A_847 : vector<16xi32>
        %mul3A_855 = arith.constant 70 : i32
        %mul3A_856 = vector.broadcast %mul3A_855 : i32 to vector<16xi32>
        %mul3A_857 = arith.muli %add3A_854, %mul3A_856 : vector<16xi32>
        %add3A_858 = arith.addi %mul3A_857, %get3A_850 : vector<16xi32>
        %swap3A_859 = arith.constant 0 : i32
        %swap3A_860 = arith.index_cast %swap3A_859 : i32 to index
        %swap3A_861 = arith.constant 96 : index
        %swap3A_862 = tpu.vector_load %arg8[%swap3A_860, %swap3A_861] {strides = array<i32>} : memref<2x128xi32, #tpu.memory_space<vmem>>, vector<1x16xi32>,
        %swap3A_863 = vector.shape_cast %swap3A_862 : vector<1x16xi32> to vector<16xi32>
        %swap3A_864 = vector.shape_cast %add3A_858 : vector<16xi32> to vector<1x16xi32>
        tpu.vector_store %arg8[%swap3A_860, %swap3A_861], %swap3A_864 {strides = array<i32>} : memref<2x128xi32, #tpu.memory_space<vmem>>, vector<1x16xi32>,
        %get3A_865 = arith.constant 112 : index
        %get3A_866 = tpu.vector_load %arg5[%get3A_865] {strides = array<i32>} : memref<256xi32, #tpu.memory_space<vmem>>, vector<16xi32>,
        %get3A_867 = vector.shape_cast %get3A_866 : vector<16xi32> to vector<16xi32>
        %get3A_868 = arith.constant 112 : index
        %get3A_869 = tpu.vector_load %arg6[%get3A_868] {strides = array<i32>} : memref<256xi32, #tpu.memory_space<vmem>>, vector<16xi32>,
        %get3A_870 = vector.shape_cast %get3A_869 : vector<16xi32> to vector<16xi32>
        %get3A_871 = arith.constant 112 : index
        %get3A_872 = tpu.vector_load %arg7[%get3A_871] {strides = array<i32>} : memref<256xi32, #tpu.memory_space<vmem>>, vector<16xi32>,
        %get3A_873 = vector.shape_cast %get3A_872 : vector<16xi32> to vector<16xi32>
        %mul3A_874 = arith.constant 14 : i32
        %mul3A_875 = vector.broadcast %mul3A_874 : i32 to vector<16xi32>
        %mul3A_876 = arith.muli %get3A_867, %mul3A_875 : vector<16xi32>
        %add3A_877 = arith.addi %mul3A_876, %get3A_870 : vector<16xi32>
        %mul3A_878 = arith.constant 70 : i32
        %mul3A_879 = vector.broadcast %mul3A_878 : i32 to vector<16xi32>
        %mul3A_880 = arith.muli %add3A_877, %mul3A_879 : vector<16xi32>
        %add3A_881 = arith.addi %mul3A_880, %get3A_873 : vector<16xi32>
        %swap3A_882 = arith.constant 0 : i32
        %swap3A_883 = arith.index_cast %swap3A_882 : i32 to index
        %swap3A_884 = arith.constant 112 : index
        %swap3A_885 = tpu.vector_load %arg8[%swap3A_883, %swap3A_884] {strides = array<i32>} : memref<2x128xi32, #tpu.memory_space<vmem>>, vector<1x16xi32>,
        %swap3A_886 = vector.shape_cast %swap3A_885 : vector<1x16xi32> to vector<16xi32>
        %swap3A_887 = vector.shape_cast %add3A_881 : vector<16xi32> to vector<1x16xi32>
        tpu.vector_store %arg8[%swap3A_883, %swap3A_884], %swap3A_887 {strides = array<i32>} : memref<2x128xi32, #tpu.memory_space<vmem>>, vector<1x16xi32>,
        %dma_start3A_888 = arith.constant 0 : i32
        %dma_start3A_889 = arith.constant 0 : i32
        %dma_start3A_890 = arith.constant 0 : i32
        %dma_start3A_891 = arith.constant 0 : i32
        %dma_start3A_892 = tpu.memref_slice %arg9[%dma_start3A_889, %dma_start3A_890, %dma_start3A_891] : memref<2x128x128xf32, #tpu.memory_space<vmem>> -> memref<1x128x128xf32, #tpu.memory_space<vmem>>
        %dma_start3A_893 = tpu.memref_squeeze %dma_start3A_892 : memref<1x128x128xf32, #tpu.memory_space<vmem>> -> memref<128x128xf32, #tpu.memory_space<vmem>>
        %dma_start3A_894 = arith.constant 0 : i32
        %dma_start3A_895 = tpu.memref_slice %arg8[%dma_start3A_888, %dma_start3A_894] : memref<2x128xi32, #tpu.memory_space<vmem>> -> memref<1x128xi32, #tpu.memory_space<vmem>>
        %dma_start3A_896 = tpu.memref_squeeze %dma_start3A_895 : memref<1x128xi32, #tpu.memory_space<vmem>> -> memref<128xi32, #tpu.memory_space<vmem>>
        %dma_start3A_897 = arith.constant 0 : i32
        %dma_start3A_898 = arith.constant 0 : i32
        %dma_start3A_899 = tpu.memref_slice %arg11[%dma_start3A_897, %dma_start3A_898] : memref<4992x128xf32, #tpu.memory_space<vmem_shared>> -> memref<4992x128xf32, #tpu.memory_space<vmem_shared>>
        tpu.enqueue_indirect_dma source(%dma_start3A_899 : memref<4992x128xf32, #tpu.memory_space<vmem_shared>>) target(%dma_start3A_893 : memref<128x128xf32, #tpu.memory_space<vmem>>) offsets(%dma_start3A_896 : memref<128xi32, #tpu.memory_space<vmem>>) semaphore(%arg14 : memref<!tpu.dma_semaphore, #tpu.memory_space<semaphore_mem>>)
      } else {
      }
      %add3A_621 = arith.constant 4 : i32
      %add3A_622 = arith.addi %add3A_585, %add3A_621 : i32
      %lt3A_623 = arith.constant 800 : i32
      %lt3A_624 = arith.cmpi slt, %add3A_622, %lt3A_623 : i32
      %convert_element_type3A_625 = arith.extui %lt3A_624 : i1 to i32
      %cond3A_626 = arith.constant 0 : i32
      %cond3A_627 = arith.cmpi ne, %convert_element_type3A_625, %cond3A_626 : i32
      scf.if %cond3A_627 {
        %add3A_678 = arith.constant 4 : i32
        %add3A_679 = arith.addi %add3A_585, %add3A_678 : i32
        %mul3A_680 = arith.constant 102400 : i32
        %mul3A_681 = arith.muli %add3A, %mul3A_680 : i32
        %mul3A_682 = arith.constant 128 : i32
        %mul3A_683 = arith.muli %add3A_679, %mul3A_682 : i32
        %add3A_684 = arith.addi %mul3A_681, %mul3A_683 : i32
        %dma_start3A_685 = arith.constant 0 : i32
        %dma_start3A_686 = tpu.memref_slice %arg5[%dma_start3A_685] : memref<256xi32, #tpu.memory_space<vmem>> -> memref<128xi32, #tpu.memory_space<vmem>>
        %dma_start3A_687 = tpu.memref_slice %arg2[%add3A_684] : memref<9830400xi32, #tpu.memory_space<hbm>> -> memref<128xi32, #tpu.memory_space<hbm>>
        %dma_start3A_688 = arith.constant 0 : i32
        %dma_start3A_689 = tpu.memref_slice %arg5[%dma_start3A_688] : memref<256xi32, #tpu.memory_space<vmem>> -> memref<128xi32, #tpu.memory_space<vmem>>
        %dma_start3A_690 = tpu.memref_slice %arg2[%add3A_684] : memref<9830400xi32, #tpu.memory_space<hbm>> -> memref<128xi32, #tpu.memory_space<hbm>>
        tpu.enqueue_dma source(%dma_start3A_690 : memref<128xi32, #tpu.memory_space<hbm>>) target(%dma_start3A_689 : memref<128xi32, #tpu.memory_space<vmem>>) target_semaphore(%arg12 : memref<!tpu.dma_semaphore, #tpu.memory_space<semaphore_mem>>)
        %add3A_691 = arith.constant 3276800 : i32
        %add3A_692 = arith.addi %add3A_691, %add3A_684 : i32
        %dma_start3A_693 = arith.constant 0 : i32
        %dma_start3A_694 = tpu.memref_slice %arg6[%dma_start3A_693] : memref<256xi32, #tpu.memory_space<vmem>> -> memref<128xi32, #tpu.memory_space<vmem>>
        %dma_start3A_695 = tpu.memref_slice %arg2[%add3A_692] : memref<9830400xi32, #tpu.memory_space<hbm>> -> memref<128xi32, #tpu.memory_space<hbm>>
        %dma_start3A_696 = arith.constant 0 : i32
        %dma_start3A_697 = tpu.memref_slice %arg6[%dma_start3A_696] : memref<256xi32, #tpu.memory_space<vmem>> -> memref<128xi32, #tpu.memory_space<vmem>>
        %dma_start3A_698 = tpu.memref_slice %arg2[%add3A_692] : memref<9830400xi32, #tpu.memory_space<hbm>> -> memref<128xi32, #tpu.memory_space<hbm>>
        tpu.enqueue_dma source(%dma_start3A_698 : memref<128xi32, #tpu.memory_space<hbm>>) target(%dma_start3A_697 : memref<128xi32, #tpu.memory_space<vmem>>) target_semaphore(%arg12 : memref<!tpu.dma_semaphore, #tpu.memory_space<semaphore_mem>>)
        %add3A_699 = arith.constant 6553600 : i32
        %add3A_700 = arith.addi %add3A_699, %add3A_684 : i32
        %dma_start3A_701 = arith.constant 0 : i32
        %dma_start3A_702 = tpu.memref_slice %arg7[%dma_start3A_701] : memref<256xi32, #tpu.memory_space<vmem>> -> memref<128xi32, #tpu.memory_space<vmem>>
        %dma_start3A_703 = tpu.memref_slice %arg2[%add3A_700] : memref<9830400xi32, #tpu.memory_space<hbm>> -> memref<128xi32, #tpu.memory_space<hbm>>
        %dma_start3A_704 = arith.constant 0 : i32
        %dma_start3A_705 = tpu.memref_slice %arg7[%dma_start3A_704] : memref<256xi32, #tpu.memory_space<vmem>> -> memref<128xi32, #tpu.memory_space<vmem>>
        %dma_start3A_706 = tpu.memref_slice %arg2[%add3A_700] : memref<9830400xi32, #tpu.memory_space<hbm>> -> memref<128xi32, #tpu.memory_space<hbm>>
        tpu.enqueue_dma source(%dma_start3A_706 : memref<128xi32, #tpu.memory_space<hbm>>) target(%dma_start3A_705 : memref<128xi32, #tpu.memory_space<vmem>>) target_semaphore(%arg12 : memref<!tpu.dma_semaphore, #tpu.memory_space<semaphore_mem>>)
      } else {
      }
      %mul3A_628 = arith.constant 2 : i32
      %mul3A_629 = arith.muli %mul3A_628, %scan3A_581 : i32
      %add3A_630 = arith.constant 1 : i32
      %add3A_631 = arith.addi %mul3A_629, %add3A_630 : i32
      %dma_wait3A_632 = arith.constant 1 : i32
      %dma_wait3A_633 = arith.constant 1 : i32
      %dma_wait3A_634 = arith.constant 0 : i32
      %dma_wait3A_635 = arith.constant 0 : i32
      %dma_wait3A_636 = tpu.memref_slice %arg9[%dma_wait3A_633, %dma_wait3A_634, %dma_wait3A_635] : memref<2x128x128xf32, #tpu.memory_space<vmem>> -> memref<1x128x128xf32, #tpu.memory_space<vmem>>
      %dma_wait3A_637 = tpu.memref_squeeze %dma_wait3A_636 : memref<1x128x128xf32, #tpu.memory_space<vmem>> -> memref<128x128xf32, #tpu.memory_space<vmem>>
      %dma_wait3A_638 = arith.constant 0 : i32
      %dma_wait3A_639 = tpu.memref_slice %arg8[%dma_wait3A_632, %dma_wait3A_638] : memref<2x128xi32, #tpu.memory_space<vmem>> -> memref<1x128xi32, #tpu.memory_space<vmem>>
      %dma_wait3A_640 = tpu.memref_squeeze %dma_wait3A_639 : memref<1x128xi32, #tpu.memory_space<vmem>> -> memref<128xi32, #tpu.memory_space<vmem>>
      %dma_wait3A_641 = arith.constant 0 : i32
      %dma_wait3A_642 = arith.constant 0 : i32
      %dma_wait3A_643 = tpu.memref_slice %arg11[%dma_wait3A_641, %dma_wait3A_642] : memref<4992x128xf32, #tpu.memory_space<vmem_shared>> -> memref<4992x128xf32, #tpu.memory_space<vmem_shared>>
      tpu.wait_indirect_dma semaphore(%arg15 : memref<!tpu.dma_semaphore, #tpu.memory_space<semaphore_mem>>) src(%dma_wait3A_643 : memref<4992x128xf32, #tpu.memory_space<vmem_shared>>) dst(%dma_wait3A_637 : memref<128x128xf32, #tpu.memory_space<vmem>>)
      %ge3A_644 = arith.constant 1 : i32
      %ge3A_645 = arith.cmpi sge, %add3A_631, %ge3A_644 : i32
      %convert_element_type3A_646 = arith.extui %ge3A_645 : i1 to i32
      %cond3A_647 = arith.constant 0 : i32
      %cond3A_648 = arith.cmpi ne, %convert_element_type3A_646, %cond3A_647 : i32
      scf.if %cond3A_648 {
        %dma_wait3A_678 = arith.constant 0 : i32
        %dma_wait3A_679 = arith.constant 0 : i32
        %dma_wait3A_680 = tpu.memref_slice %arg4[%dma_wait3A_678, %dma_wait3A_679] : memref<1638400x128xf32, #tpu.memory_space<hbm>> -> memref<64x128xf32, #tpu.memory_space<hbm>>
        %dma_wait3A_681 = arith.constant 0 : i32
        %dma_wait3A_682 = arith.constant 0 : i32
        %dma_wait3A_683 = tpu.memref_slice %arg4[%dma_wait3A_681, %dma_wait3A_682] : memref<1638400x128xf32, #tpu.memory_space<hbm>> -> memref<64x128xf32, #tpu.memory_space<hbm>>
        tpu.wait_dma2 semaphore(%arg16 : memref<!tpu.dma_semaphore, #tpu.memory_space<semaphore_mem>>) src(%arg10 : memref<64x128xf32, #tpu.memory_space<vmem>>) dst(%dma_wait3A_683 : memref<64x128xf32, #tpu.memory_space<hbm>>)
      } else {
      }
      %scan3A_649 = arith.constant 0 : i32
      %scan3A_650 = arith.constant 0 : i32
      %scan3A_651 = arith.constant 16 : i32
      %scan3A_652 = arith.addi %scan3A_650, %scan3A_651 : i32
      %scan3A_653 = arith.constant 1 : i32
      scf.for %scan3A_678 = %scan3A_650 to %scan3A_652 step %scan3A_653  : i32 {
        %mul3A_679 = arith.constant 8 : i32
        %mul3A_680 = arith.muli %scan3A_678, %mul3A_679 : i32
        %add3A_681 = arith.constant 0 : i32
        %add3A_682 = arith.addi %mul3A_680, %add3A_681 : i32
        %get3A_683 = arith.constant 1 : i32
        %get3A_684 = arith.index_cast %get3A_683 : i32 to index
        %get3A_685 = arith.index_cast %add3A_682 : i32 to index
        %get3A_686 = arith.constant 0 : index
        %get3A_687 = tpu.vector_load %arg9[%get3A_684, %get3A_685, %get3A_686] {strides = array<i32>} : memref<2x128x128xf32, #tpu.memory_space<vmem>>, vector<1x1x16xf32>,
        %get3A_688 = vector.shape_cast %get3A_687 : vector<1x1x16xf32> to vector<16xf32>
        %mul3A_689 = arith.constant 4 : i32
        %mul3A_690 = arith.muli %scan3A_678, %mul3A_689 : i32
        %add3A_691 = arith.constant 0 : i32
        %add3A_692 = arith.addi %mul3A_690, %add3A_691 : i32
        %swap3A_693 = arith.index_cast %add3A_692 : i32 to index
        %swap3A_694 = arith.constant 0 : index
        %swap3A_695 = tpu.vector_load %arg10[%swap3A_693, %swap3A_694] {strides = array<i32>} : memref<64x128xf32, #tpu.memory_space<vmem>>, vector<1x16xf32>,
        %swap3A_696 = vector.shape_cast %swap3A_695 : vector<1x16xf32> to vector<16xf32>
        %swap3A_697 = vector.shape_cast %get3A_688 : vector<16xf32> to vector<1x16xf32>
        tpu.vector_store %arg10[%swap3A_693, %swap3A_694], %swap3A_697 {strides = array<i32>} : memref<64x128xf32, #tpu.memory_space<vmem>>, vector<1x16xf32>,
        %mul3A_698 = arith.constant 8 : i32
        %mul3A_699 = arith.muli %scan3A_678, %mul3A_698 : i32
        %add3A_700 = arith.constant 0 : i32
        %add3A_701 = arith.addi %mul3A_699, %add3A_700 : i32
        %get3A_702 = arith.constant 1 : i32
        %get3A_703 = arith.index_cast %get3A_702 : i32 to index
        %get3A_704 = arith.index_cast %add3A_701 : i32 to index
        %get3A_705 = arith.constant 16 : index
        %get3A_706 = tpu.vector_load %arg9[%get3A_703, %get3A_704, %get3A_705] {strides = array<i32>} : memref<2x128x128xf32, #tpu.memory_space<vmem>>, vector<1x1x16xf32>,
        %get3A_707 = vector.shape_cast %get3A_706 : vector<1x1x16xf32> to vector<16xf32>
        %mul3A_708 = arith.constant 4 : i32
        %mul3A_709 = arith.muli %scan3A_678, %mul3A_708 : i32
        %add3A_710 = arith.constant 0 : i32
        %add3A_711 = arith.addi %mul3A_709, %add3A_710 : i32
        %swap3A_712 = arith.index_cast %add3A_711 : i32 to index
        %swap3A_713 = arith.constant 16 : index
        %swap3A_714 = tpu.vector_load %arg10[%swap3A_712, %swap3A_713] {strides = array<i32>} : memref<64x128xf32, #tpu.memory_space<vmem>>, vector<1x16xf32>,
        %swap3A_715 = vector.shape_cast %swap3A_714 : vector<1x16xf32> to vector<16xf32>
        %swap3A_716 = vector.shape_cast %get3A_707 : vector<16xf32> to vector<1x16xf32>
        tpu.vector_store %arg10[%swap3A_712, %swap3A_713], %swap3A_716 {strides = array<i32>} : memref<64x128xf32, #tpu.memory_space<vmem>>, vector<1x16xf32>,
        %mul3A_717 = arith.constant 8 : i32
        %mul3A_718 = arith.muli %scan3A_678, %mul3A_717 : i32
        %add3A_719 = arith.constant 0 : i32
        %add3A_720 = arith.addi %mul3A_718, %add3A_719 : i32
        %get3A_721 = arith.constant 1 : i32
        %get3A_722 = arith.index_cast %get3A_721 : i32 to index
        %get3A_723 = arith.index_cast %add3A_720 : i32 to index
        %get3A_724 = arith.constant 32 : index
        %get3A_725 = tpu.vector_load %arg9[%get3A_722, %get3A_723, %get3A_724] {strides = array<i32>} : memref<2x128x128xf32, #tpu.memory_space<vmem>>, vector<1x1x16xf32>,
        %get3A_726 = vector.shape_cast %get3A_725 : vector<1x1x16xf32> to vector<16xf32>
        %mul3A_727 = arith.constant 4 : i32
        %mul3A_728 = arith.muli %scan3A_678, %mul3A_727 : i32
        %add3A_729 = arith.constant 0 : i32
        %add3A_730 = arith.addi %mul3A_728, %add3A_729 : i32
        %swap3A_731 = arith.index_cast %add3A_730 : i32 to index
        %swap3A_732 = arith.constant 32 : index
        %swap3A_733 = tpu.vector_load %arg10[%swap3A_731, %swap3A_732] {strides = array<i32>} : memref<64x128xf32, #tpu.memory_space<vmem>>, vector<1x16xf32>,
        %swap3A_734 = vector.shape_cast %swap3A_733 : vector<1x16xf32> to vector<16xf32>
        %swap3A_735 = vector.shape_cast %get3A_726 : vector<16xf32> to vector<1x16xf32>
        tpu.vector_store %arg10[%swap3A_731, %swap3A_732], %swap3A_735 {strides = array<i32>} : memref<64x128xf32, #tpu.memory_space<vmem>>, vector<1x16xf32>,
        %mul3A_736 = arith.constant 8 : i32
        %mul3A_737 = arith.muli %scan3A_678, %mul3A_736 : i32
        %add3A_738 = arith.constant 0 : i32
        %add3A_739 = arith.addi %mul3A_737, %add3A_738 : i32
        %get3A_740 = arith.constant 1 : i32
        %get3A_741 = arith.index_cast %get3A_740 : i32 to index
        %get3A_742 = arith.index_cast %add3A_739 : i32 to index
        %get3A_743 = arith.constant 48 : index
        %get3A_744 = tpu.vector_load %arg9[%get3A_741, %get3A_742, %get3A_743] {strides = array<i32>} : memref<2x128x128xf32, #tpu.memory_space<vmem>>, vector<1x1x16xf32>,
        %get3A_745 = vector.shape_cast %get3A_744 : vector<1x1x16xf32> to vector<16xf32>
        %mul3A_746 = arith.constant 4 : i32
        %mul3A_747 = arith.muli %scan3A_678, %mul3A_746 : i32
        %add3A_748 = arith.constant 0 : i32
        %add3A_749 = arith.addi %mul3A_747, %add3A_748 : i32
        %swap3A_750 = arith.index_cast %add3A_749 : i32 to index
        %swap3A_751 = arith.constant 48 : index
        %swap3A_752 = tpu.vector_load %arg10[%swap3A_750, %swap3A_751] {strides = array<i32>} : memref<64x128xf32, #tpu.memory_space<vmem>>, vector<1x16xf32>,
        %swap3A_753 = vector.shape_cast %swap3A_752 : vector<1x16xf32> to vector<16xf32>
        %swap3A_754 = vector.shape_cast %get3A_745 : vector<16xf32> to vector<1x16xf32>
        tpu.vector_store %arg10[%swap3A_750, %swap3A_751], %swap3A_754 {strides = array<i32>} : memref<64x128xf32, #tpu.memory_space<vmem>>, vector<1x16xf32>,
        %mul3A_755 = arith.constant 8 : i32
        %mul3A_756 = arith.muli %scan3A_678, %mul3A_755 : i32
        %add3A_757 = arith.constant 1 : i32
        %add3A_758 = arith.addi %mul3A_756, %add3A_757 : i32
        %get3A_759 = arith.constant 1 : i32
        %get3A_760 = arith.index_cast %get3A_759 : i32 to index
        %get3A_761 = arith.index_cast %add3A_758 : i32 to index
        %get3A_762 = arith.constant 0 : index
        %get3A_763 = tpu.vector_load %arg9[%get3A_760, %get3A_761, %get3A_762] {strides = array<i32>} : memref<2x128x128xf32, #tpu.memory_space<vmem>>, vector<1x1x16xf32>,
        %get3A_764 = vector.shape_cast %get3A_763 : vector<1x1x16xf32> to vector<16xf32>
        %mul3A_765 = arith.constant 4 : i32
        %mul3A_766 = arith.muli %scan3A_678, %mul3A_765 : i32
        %add3A_767 = arith.constant 0 : i32
        %add3A_768 = arith.addi %mul3A_766, %add3A_767 : i32
        %swap3A_769 = arith.index_cast %add3A_768 : i32 to index
        %swap3A_770 = arith.constant 64 : index
        %swap3A_771 = tpu.vector_load %arg10[%swap3A_769, %swap3A_770] {strides = array<i32>} : memref<64x128xf32, #tpu.memory_space<vmem>>, vector<1x16xf32>,
        %swap3A_772 = vector.shape_cast %swap3A_771 : vector<1x16xf32> to vector<16xf32>
        %swap3A_773 = vector.shape_cast %get3A_764 : vector<16xf32> to vector<1x16xf32>
        tpu.vector_store %arg10[%swap3A_769, %swap3A_770], %swap3A_773 {strides = array<i32>} : memref<64x128xf32, #tpu.memory_space<vmem>>, vector<1x16xf32>,
        %mul3A_774 = arith.constant 8 : i32
        %mul3A_775 = arith.muli %scan3A_678, %mul3A_774 : i32
        %add3A_776 = arith.constant 1 : i32
        %add3A_777 = arith.addi %mul3A_775, %add3A_776 : i32
        %get3A_778 = arith.constant 1 : i32
        %get3A_779 = arith.index_cast %get3A_778 : i32 to index
        %get3A_780 = arith.index_cast %add3A_777 : i32 to index
        %get3A_781 = arith.constant 16 : index
        %get3A_782 = tpu.vector_load %arg9[%get3A_779, %get3A_780, %get3A_781] {strides = array<i32>} : memref<2x128x128xf32, #tpu.memory_space<vmem>>, vector<1x1x16xf32>,
        %get3A_783 = vector.shape_cast %get3A_782 : vector<1x1x16xf32> to vector<16xf32>
        %mul3A_784 = arith.constant 4 : i32
        %mul3A_785 = arith.muli %scan3A_678, %mul3A_784 : i32
        %add3A_786 = arith.constant 0 : i32
        %add3A_787 = arith.addi %mul3A_785, %add3A_786 : i32
        %swap3A_788 = arith.index_cast %add3A_787 : i32 to index
        %swap3A_789 = arith.constant 80 : index
        %swap3A_790 = tpu.vector_load %arg10[%swap3A_788, %swap3A_789] {strides = array<i32>} : memref<64x128xf32, #tpu.memory_space<vmem>>, vector<1x16xf32>,
        %swap3A_791 = vector.shape_cast %swap3A_790 : vector<1x16xf32> to vector<16xf32>
        %swap3A_792 = vector.shape_cast %get3A_783 : vector<16xf32> to vector<1x16xf32>
        tpu.vector_store %arg10[%swap3A_788, %swap3A_789], %swap3A_792 {strides = array<i32>} : memref<64x128xf32, #tpu.memory_space<vmem>>, vector<1x16xf32>,
        %mul3A_793 = arith.constant 8 : i32
        %mul3A_794 = arith.muli %scan3A_678, %mul3A_793 : i32
        %add3A_795 = arith.constant 1 : i32
        %add3A_796 = arith.addi %mul3A_794, %add3A_795 : i32
        %get3A_797 = arith.constant 1 : i32
        %get3A_798 = arith.index_cast %get3A_797 : i32 to index
        %get3A_799 = arith.index_cast %add3A_796 : i32 to index
        %get3A_800 = arith.constant 32 : index
        %get3A_801 = tpu.vector_load %arg9[%get3A_798, %get3A_799, %get3A_800] {strides = array<i32>} : memref<2x128x128xf32, #tpu.memory_space<vmem>>, vector<1x1x16xf32>,
        %get3A_802 = vector.shape_cast %get3A_801 : vector<1x1x16xf32> to vector<16xf32>
        %mul3A_803 = arith.constant 4 : i32
        %mul3A_804 = arith.muli %scan3A_678, %mul3A_803 : i32
        %add3A_805 = arith.constant 0 : i32
        %add3A_806 = arith.addi %mul3A_804, %add3A_805 : i32
        %swap3A_807 = arith.index_cast %add3A_806 : i32 to index
        %swap3A_808 = arith.constant 96 : index
        %swap3A_809 = tpu.vector_load %arg10[%swap3A_807, %swap3A_808] {strides = array<i32>} : memref<64x128xf32, #tpu.memory_space<vmem>>, vector<1x16xf32>,
        %swap3A_810 = vector.shape_cast %swap3A_809 : vector<1x16xf32> to vector<16xf32>
        %swap3A_811 = vector.shape_cast %get3A_802 : vector<16xf32> to vector<1x16xf32>
        tpu.vector_store %arg10[%swap3A_807, %swap3A_808], %swap3A_811 {strides = array<i32>} : memref<64x128xf32, #tpu.memory_space<vmem>>, vector<1x16xf32>,
        %mul3A_812 = arith.constant 8 : i32
        %mul3A_813 = arith.muli %scan3A_678, %mul3A_812 : i32
        %add3A_814 = arith.constant 1 : i32
        %add3A_815 = arith.addi %mul3A_813, %add3A_814 : i32
        %get3A_816 = arith.constant 1 : i32
        %get3A_817 = arith.index_cast %get3A_816 : i32 to index
        %get3A_818 = arith.index_cast %add3A_815 : i32 to index
        %get3A_819 = arith.constant 48 : index
        %get3A_820 = tpu.vector_load %arg9[%get3A_817, %get3A_818, %get3A_819] {strides = array<i32>} : memref<2x128x128xf32, #tpu.memory_space<vmem>>, vector<1x1x16xf32>,
        %get3A_821 = vector.shape_cast %get3A_820 : vector<1x1x16xf32> to vector<16xf32>
        %mul3A_822 = arith.constant 4 : i32
        %mul3A_823 = arith.muli %scan3A_678, %mul3A_822 : i32
        %add3A_824 = arith.constant 0 : i32
        %add3A_825 = arith.addi %mul3A_823, %add3A_824 : i32
        %swap3A_826 = arith.index_cast %add3A_825 : i32 to index
        %swap3A_827 = arith.constant 112 : index
        %swap3A_828 = tpu.vector_load %arg10[%swap3A_826, %swap3A_827] {strides = array<i32>} : memref<64x128xf32, #tpu.memory_space<vmem>>, vector<1x16xf32>,
        %swap3A_829 = vector.shape_cast %swap3A_828 : vector<1x16xf32> to vector<16xf32>
        %swap3A_830 = vector.shape_cast %get3A_821 : vector<16xf32> to vector<1x16xf32>
        tpu.vector_store %arg10[%swap3A_826, %swap3A_827], %swap3A_830 {strides = array<i32>} : memref<64x128xf32, #tpu.memory_space<vmem>>, vector<1x16xf32>,
        %mul3A_831 = arith.constant 8 : i32
        %mul3A_832 = arith.muli %scan3A_678, %mul3A_831 : i32
        %add3A_833 = arith.constant 2 : i32
        %add3A_834 = arith.addi %mul3A_832, %add3A_833 : i32
        %get3A_835 = arith.constant 1 : i32
        %get3A_836 = arith.index_cast %get3A_835 : i32 to index
        %get3A_837 = arith.index_cast %add3A_834 : i32 to index
        %get3A_838 = arith.constant 0 : index
        %get3A_839 = tpu.vector_load %arg9[%get3A_836, %get3A_837, %get3A_838] {strides = array<i32>} : memref<2x128x128xf32, #tpu.memory_space<vmem>>, vector<1x1x16xf32>,
        %get3A_840 = vector.shape_cast %get3A_839 : vector<1x1x16xf32> to vector<16xf32>
        %mul3A_841 = arith.constant 4 : i32
        %mul3A_842 = arith.muli %scan3A_678, %mul3A_841 : i32
        %add3A_843 = arith.constant 1 : i32
        %add3A_844 = arith.addi %mul3A_842, %add3A_843 : i32
        %swap3A_845 = arith.index_cast %add3A_844 : i32 to index
        %swap3A_846 = arith.constant 0 : index
        %swap3A_847 = tpu.vector_load %arg10[%swap3A_845, %swap3A_846] {strides = array<i32>} : memref<64x128xf32, #tpu.memory_space<vmem>>, vector<1x16xf32>,
        %swap3A_848 = vector.shape_cast %swap3A_847 : vector<1x16xf32> to vector<16xf32>
        %swap3A_849 = vector.shape_cast %get3A_840 : vector<16xf32> to vector<1x16xf32>
        tpu.vector_store %arg10[%swap3A_845, %swap3A_846], %swap3A_849 {strides = array<i32>} : memref<64x128xf32, #tpu.memory_space<vmem>>, vector<1x16xf32>,
        %mul3A_850 = arith.constant 8 : i32
        %mul3A_851 = arith.muli %scan3A_678, %mul3A_850 : i32
        %add3A_852 = arith.constant 2 : i32
        %add3A_853 = arith.addi %mul3A_851, %add3A_852 : i32
        %get3A_854 = arith.constant 1 : i32
        %get3A_855 = arith.index_cast %get3A_854 : i32 to index
        %get3A_856 = arith.index_cast %add3A_853 : i32 to index
        %get3A_857 = arith.constant 16 : index
        %get3A_858 = tpu.vector_load %arg9[%get3A_855, %get3A_856, %get3A_857] {strides = array<i32>} : memref<2x128x128xf32, #tpu.memory_space<vmem>>, vector<1x1x16xf32>,
        %get3A_859 = vector.shape_cast %get3A_858 : vector<1x1x16xf32> to vector<16xf32>
        %mul3A_860 = arith.constant 4 : i32
        %mul3A_861 = arith.muli %scan3A_678, %mul3A_860 : i32
        %add3A_862 = arith.constant 1 : i32
        %add3A_863 = arith.addi %mul3A_861, %add3A_862 : i32
        %swap3A_864 = arith.index_cast %add3A_863 : i32 to index
        %swap3A_865 = arith.constant 16 : index
        %swap3A_866 = tpu.vector_load %arg10[%swap3A_864, %swap3A_865] {strides = array<i32>} : memref<64x128xf32, #tpu.memory_space<vmem>>, vector<1x16xf32>,
        %swap3A_867 = vector.shape_cast %swap3A_866 : vector<1x16xf32> to vector<16xf32>
        %swap3A_868 = vector.shape_cast %get3A_859 : vector<16xf32> to vector<1x16xf32>
        tpu.vector_store %arg10[%swap3A_864, %swap3A_865], %swap3A_868 {strides = array<i32>} : memref<64x128xf32, #tpu.memory_space<vmem>>, vector<1x16xf32>,
        %mul3A_869 = arith.constant 8 : i32
        %mul3A_870 = arith.muli %scan3A_678, %mul3A_869 : i32
        %add3A_871 = arith.constant 2 : i32
        %add3A_872 = arith.addi %mul3A_870, %add3A_871 : i32
        %get3A_873 = arith.constant 1 : i32
        %get3A_874 = arith.index_cast %get3A_873 : i32 to index
        %get3A_875 = arith.index_cast %add3A_872 : i32 to index
        %get3A_876 = arith.constant 32 : index
        %get3A_877 = tpu.vector_load %arg9[%get3A_874, %get3A_875, %get3A_876] {strides = array<i32>} : memref<2x128x128xf32, #tpu.memory_space<vmem>>, vector<1x1x16xf32>,
        %get3A_878 = vector.shape_cast %get3A_877 : vector<1x1x16xf32> to vector<16xf32>
        %mul3A_879 = arith.constant 4 : i32
        %mul3A_880 = arith.muli %scan3A_678, %mul3A_879 : i32
        %add3A_881 = arith.constant 1 : i32
        %add3A_882 = arith.addi %mul3A_880, %add3A_881 : i32
        %swap3A_883 = arith.index_cast %add3A_882 : i32 to index
        %swap3A_884 = arith.constant 32 : index
        %swap3A_885 = tpu.vector_load %arg10[%swap3A_883, %swap3A_884] {strides = array<i32>} : memref<64x128xf32, #tpu.memory_space<vmem>>, vector<1x16xf32>,
        %swap3A_886 = vector.shape_cast %swap3A_885 : vector<1x16xf32> to vector<16xf32>
        %swap3A_887 = vector.shape_cast %get3A_878 : vector<16xf32> to vector<1x16xf32>
        tpu.vector_store %arg10[%swap3A_883, %swap3A_884], %swap3A_887 {strides = array<i32>} : memref<64x128xf32, #tpu.memory_space<vmem>>, vector<1x16xf32>,
        %mul3A_888 = arith.constant 8 : i32
        %mul3A_889 = arith.muli %scan3A_678, %mul3A_888 : i32
        %add3A_890 = arith.constant 2 : i32
        %add3A_891 = arith.addi %mul3A_889, %add3A_890 : i32
        %get3A_892 = arith.constant 1 : i32
        %get3A_893 = arith.index_cast %get3A_892 : i32 to index
        %get3A_894 = arith.index_cast %add3A_891 : i32 to index
        %get3A_895 = arith.constant 48 : index
        %get3A_896 = tpu.vector_load %arg9[%get3A_893, %get3A_894, %get3A_895] {strides = array<i32>} : memref<2x128x128xf32, #tpu.memory_space<vmem>>, vector<1x1x16xf32>,
        %get3A_897 = vector.shape_cast %get3A_896 : vector<1x1x16xf32> to vector<16xf32>
        %mul3A_898 = arith.constant 4 : i32
        %mul3A_899 = arith.muli %scan3A_678, %mul3A_898 : i32
        %add3A_900 = arith.constant 1 : i32
        %add3A_901 = arith.addi %mul3A_899, %add3A_900 : i32
        %swap3A_902 = arith.index_cast %add3A_901 : i32 to index
        %swap3A_903 = arith.constant 48 : index
        %swap3A_904 = tpu.vector_load %arg10[%swap3A_902, %swap3A_903] {strides = array<i32>} : memref<64x128xf32, #tpu.memory_space<vmem>>, vector<1x16xf32>,
        %swap3A_905 = vector.shape_cast %swap3A_904 : vector<1x16xf32> to vector<16xf32>
        %swap3A_906 = vector.shape_cast %get3A_897 : vector<16xf32> to vector<1x16xf32>
        tpu.vector_store %arg10[%swap3A_902, %swap3A_903], %swap3A_906 {strides = array<i32>} : memref<64x128xf32, #tpu.memory_space<vmem>>, vector<1x16xf32>,
        %mul3A_907 = arith.constant 8 : i32
        %mul3A_908 = arith.muli %scan3A_678, %mul3A_907 : i32
        %add3A_909 = arith.constant 3 : i32
        %add3A_910 = arith.addi %mul3A_908, %add3A_909 : i32
        %get3A_911 = arith.constant 1 : i32
        %get3A_912 = arith.index_cast %get3A_911 : i32 to index
        %get3A_913 = arith.index_cast %add3A_910 : i32 to index
        %get3A_914 = arith.constant 0 : index
        %get3A_915 = tpu.vector_load %arg9[%get3A_912, %get3A_913, %get3A_914] {strides = array<i32>} : memref<2x128x128xf32, #tpu.memory_space<vmem>>, vector<1x1x16xf32>,
        %get3A_916 = vector.shape_cast %get3A_915 : vector<1x1x16xf32> to vector<16xf32>
        %mul3A_917 = arith.constant 4 : i32
        %mul3A_918 = arith.muli %scan3A_678, %mul3A_917 : i32
        %add3A_919 = arith.constant 1 : i32
        %add3A_920 = arith.addi %mul3A_918, %add3A_919 : i32
        %swap3A_921 = arith.index_cast %add3A_920 : i32 to index
        %swap3A_922 = arith.constant 64 : index
        %swap3A_923 = tpu.vector_load %arg10[%swap3A_921, %swap3A_922] {strides = array<i32>} : memref<64x128xf32, #tpu.memory_space<vmem>>, vector<1x16xf32>,
        %swap3A_924 = vector.shape_cast %swap3A_923 : vector<1x16xf32> to vector<16xf32>
        %swap3A_925 = vector.shape_cast %get3A_916 : vector<16xf32> to vector<1x16xf32>
        tpu.vector_store %arg10[%swap3A_921, %swap3A_922], %swap3A_925 {strides = array<i32>} : memref<64x128xf32, #tpu.memory_space<vmem>>, vector<1x16xf32>,
        %mul3A_926 = arith.constant 8 : i32
        %mul3A_927 = arith.muli %scan3A_678, %mul3A_926 : i32
        %add3A_928 = arith.constant 3 : i32
        %add3A_929 = arith.addi %mul3A_927, %add3A_928 : i32
        %get3A_930 = arith.constant 1 : i32
        %get3A_931 = arith.index_cast %get3A_930 : i32 to index
        %get3A_932 = arith.index_cast %add3A_929 : i32 to index
        %get3A_933 = arith.constant 16 : index
        %get3A_934 = tpu.vector_load %arg9[%get3A_931, %get3A_932, %get3A_933] {strides = array<i32>} : memref<2x128x128xf32, #tpu.memory_space<vmem>>, vector<1x1x16xf32>,
        %get3A_935 = vector.shape_cast %get3A_934 : vector<1x1x16xf32> to vector<16xf32>
        %mul3A_936 = arith.constant 4 : i32
        %mul3A_937 = arith.muli %scan3A_678, %mul3A_936 : i32
        %add3A_938 = arith.constant 1 : i32
        %add3A_939 = arith.addi %mul3A_937, %add3A_938 : i32
        %swap3A_940 = arith.index_cast %add3A_939 : i32 to index
        %swap3A_941 = arith.constant 80 : index
        %swap3A_942 = tpu.vector_load %arg10[%swap3A_940, %swap3A_941] {strides = array<i32>} : memref<64x128xf32, #tpu.memory_space<vmem>>, vector<1x16xf32>,
        %swap3A_943 = vector.shape_cast %swap3A_942 : vector<1x16xf32> to vector<16xf32>
        %swap3A_944 = vector.shape_cast %get3A_935 : vector<16xf32> to vector<1x16xf32>
        tpu.vector_store %arg10[%swap3A_940, %swap3A_941], %swap3A_944 {strides = array<i32>} : memref<64x128xf32, #tpu.memory_space<vmem>>, vector<1x16xf32>,
        %mul3A_945 = arith.constant 8 : i32
        %mul3A_946 = arith.muli %scan3A_678, %mul3A_945 : i32
        %add3A_947 = arith.constant 3 : i32
        %add3A_948 = arith.addi %mul3A_946, %add3A_947 : i32
        %get3A_949 = arith.constant 1 : i32
        %get3A_950 = arith.index_cast %get3A_949 : i32 to index
        %get3A_951 = arith.index_cast %add3A_948 : i32 to index
        %get3A_952 = arith.constant 32 : index
        %get3A_953 = tpu.vector_load %arg9[%get3A_950, %get3A_951, %get3A_952] {strides = array<i32>} : memref<2x128x128xf32, #tpu.memory_space<vmem>>, vector<1x1x16xf32>,
        %get3A_954 = vector.shape_cast %get3A_953 : vector<1x1x16xf32> to vector<16xf32>
        %mul3A_955 = arith.constant 4 : i32
        %mul3A_956 = arith.muli %scan3A_678, %mul3A_955 : i32
        %add3A_957 = arith.constant 1 : i32
        %add3A_958 = arith.addi %mul3A_956, %add3A_957 : i32
        %swap3A_959 = arith.index_cast %add3A_958 : i32 to index
        %swap3A_960 = arith.constant 96 : index
        %swap3A_961 = tpu.vector_load %arg10[%swap3A_959, %swap3A_960] {strides = array<i32>} : memref<64x128xf32, #tpu.memory_space<vmem>>, vector<1x16xf32>,
        %swap3A_962 = vector.shape_cast %swap3A_961 : vector<1x16xf32> to vector<16xf32>
        %swap3A_963 = vector.shape_cast %get3A_954 : vector<16xf32> to vector<1x16xf32>
        tpu.vector_store %arg10[%swap3A_959, %swap3A_960], %swap3A_963 {strides = array<i32>} : memref<64x128xf32, #tpu.memory_space<vmem>>, vector<1x16xf32>,
        %mul3A_964 = arith.constant 8 : i32
        %mul3A_965 = arith.muli %scan3A_678, %mul3A_964 : i32
        %add3A_966 = arith.constant 3 : i32
        %add3A_967 = arith.addi %mul3A_965, %add3A_966 : i32
        %get3A_968 = arith.constant 1 : i32
        %get3A_969 = arith.index_cast %get3A_968 : i32 to index
        %get3A_970 = arith.index_cast %add3A_967 : i32 to index
        %get3A_971 = arith.constant 48 : index
        %get3A_972 = tpu.vector_load %arg9[%get3A_969, %get3A_970, %get3A_971] {strides = array<i32>} : memref<2x128x128xf32, #tpu.memory_space<vmem>>, vector<1x1x16xf32>,
        %get3A_973 = vector.shape_cast %get3A_972 : vector<1x1x16xf32> to vector<16xf32>
        %mul3A_974 = arith.constant 4 : i32
        %mul3A_975 = arith.muli %scan3A_678, %mul3A_974 : i32
        %add3A_976 = arith.constant 1 : i32
        %add3A_977 = arith.addi %mul3A_975, %add3A_976 : i32
        %swap3A_978 = arith.index_cast %add3A_977 : i32 to index
        %swap3A_979 = arith.constant 112 : index
        %swap3A_980 = tpu.vector_load %arg10[%swap3A_978, %swap3A_979] {strides = array<i32>} : memref<64x128xf32, #tpu.memory_space<vmem>>, vector<1x16xf32>,
        %swap3A_981 = vector.shape_cast %swap3A_980 : vector<1x16xf32> to vector<16xf32>
        %swap3A_982 = vector.shape_cast %get3A_973 : vector<16xf32> to vector<1x16xf32>
        tpu.vector_store %arg10[%swap3A_978, %swap3A_979], %swap3A_982 {strides = array<i32>} : memref<64x128xf32, #tpu.memory_space<vmem>>, vector<1x16xf32>,
        %mul3A_983 = arith.constant 8 : i32
        %mul3A_984 = arith.muli %scan3A_678, %mul3A_983 : i32
        %add3A_985 = arith.constant 4 : i32
        %add3A_986 = arith.addi %mul3A_984, %add3A_985 : i32
        %get3A_987 = arith.constant 1 : i32
        %get3A_988 = arith.index_cast %get3A_987 : i32 to index
        %get3A_989 = arith.index_cast %add3A_986 : i32 to index
        %get3A_990 = arith.constant 0 : index
        %get3A_991 = tpu.vector_load %arg9[%get3A_988, %get3A_989, %get3A_990] {strides = array<i32>} : memref<2x128x128xf32, #tpu.memory_space<vmem>>, vector<1x1x16xf32>,
        %get3A_992 = vector.shape_cast %get3A_991 : vector<1x1x16xf32> to vector<16xf32>
        %mul3A_993 = arith.constant 4 : i32
        %mul3A_994 = arith.muli %scan3A_678, %mul3A_993 : i32
        %add3A_995 = arith.constant 2 : i32
        %add3A_996 = arith.addi %mul3A_994, %add3A_995 : i32
        %swap3A_997 = arith.index_cast %add3A_996 : i32 to index
        %swap3A_998 = arith.constant 0 : index
        %swap3A_999 = tpu.vector_load %arg10[%swap3A_997, %swap3A_998] {strides = array<i32>} : memref<64x128xf32, #tpu.memory_space<vmem>>, vector<1x16xf32>,
        %swap3A_1000 = vector.shape_cast %swap3A_999 : vector<1x16xf32> to vector<16xf32>
        %swap3A_1001 = vector.shape_cast %get3A_992 : vector<16xf32> to vector<1x16xf32>
        tpu.vector_store %arg10[%swap3A_997, %swap3A_998], %swap3A_1001 {strides = array<i32>} : memref<64x128xf32, #tpu.memory_space<vmem>>, vector<1x16xf32>,
        %mul3A_1002 = arith.constant 8 : i32
        %mul3A_1003 = arith.muli %scan3A_678, %mul3A_1002 : i32
        %add3A_1004 = arith.constant 4 : i32
        %add3A_1005 = arith.addi %mul3A_1003, %add3A_1004 : i32
        %get3A_1006 = arith.constant 1 : i32
        %get3A_1007 = arith.index_cast %get3A_1006 : i32 to index
        %get3A_1008 = arith.index_cast %add3A_1005 : i32 to index
        %get3A_1009 = arith.constant 16 : index
        %get3A_1010 = tpu.vector_load %arg9[%get3A_1007, %get3A_1008, %get3A_1009] {strides = array<i32>} : memref<2x128x128xf32, #tpu.memory_space<vmem>>, vector<1x1x16xf32>,
        %get3A_1011 = vector.shape_cast %get3A_1010 : vector<1x1x16xf32> to vector<16xf32>
        %mul3A_1012 = arith.constant 4 : i32
        %mul3A_1013 = arith.muli %scan3A_678, %mul3A_1012 : i32
        %add3A_1014 = arith.constant 2 : i32
        %add3A_1015 = arith.addi %mul3A_1013, %add3A_1014 : i32
        %swap3A_1016 = arith.index_cast %add3A_1015 : i32 to index
        %swap3A_1017 = arith.constant 16 : index
        %swap3A_1018 = tpu.vector_load %arg10[%swap3A_1016, %swap3A_1017] {strides = array<i32>} : memref<64x128xf32, #tpu.memory_space<vmem>>, vector<1x16xf32>,
        %swap3A_1019 = vector.shape_cast %swap3A_1018 : vector<1x16xf32> to vector<16xf32>
        %swap3A_1020 = vector.shape_cast %get3A_1011 : vector<16xf32> to vector<1x16xf32>
        tpu.vector_store %arg10[%swap3A_1016, %swap3A_1017], %swap3A_1020 {strides = array<i32>} : memref<64x128xf32, #tpu.memory_space<vmem>>, vector<1x16xf32>,
        %mul3A_1021 = arith.constant 8 : i32
        %mul3A_1022 = arith.muli %scan3A_678, %mul3A_1021 : i32
        %add3A_1023 = arith.constant 4 : i32
        %add3A_1024 = arith.addi %mul3A_1022, %add3A_1023 : i32
        %get3A_1025 = arith.constant 1 : i32
        %get3A_1026 = arith.index_cast %get3A_1025 : i32 to index
        %get3A_1027 = arith.index_cast %add3A_1024 : i32 to index
        %get3A_1028 = arith.constant 32 : index
        %get3A_1029 = tpu.vector_load %arg9[%get3A_1026, %get3A_1027, %get3A_1028] {strides = array<i32>} : memref<2x128x128xf32, #tpu.memory_space<vmem>>, vector<1x1x16xf32>,
        %get3A_1030 = vector.shape_cast %get3A_1029 : vector<1x1x16xf32> to vector<16xf32>
        %mul3A_1031 = arith.constant 4 : i32
        %mul3A_1032 = arith.muli %scan3A_678, %mul3A_1031 : i32
        %add3A_1033 = arith.constant 2 : i32
        %add3A_1034 = arith.addi %mul3A_1032, %add3A_1033 : i32
        %swap3A_1035 = arith.index_cast %add3A_1034 : i32 to index
        %swap3A_1036 = arith.constant 32 : index
        %swap3A_1037 = tpu.vector_load %arg10[%swap3A_1035, %swap3A_1036] {strides = array<i32>} : memref<64x128xf32, #tpu.memory_space<vmem>>, vector<1x16xf32>,
        %swap3A_1038 = vector.shape_cast %swap3A_1037 : vector<1x16xf32> to vector<16xf32>
        %swap3A_1039 = vector.shape_cast %get3A_1030 : vector<16xf32> to vector<1x16xf32>
        tpu.vector_store %arg10[%swap3A_1035, %swap3A_1036], %swap3A_1039 {strides = array<i32>} : memref<64x128xf32, #tpu.memory_space<vmem>>, vector<1x16xf32>,
        %mul3A_1040 = arith.constant 8 : i32
        %mul3A_1041 = arith.muli %scan3A_678, %mul3A_1040 : i32
        %add3A_1042 = arith.constant 4 : i32
        %add3A_1043 = arith.addi %mul3A_1041, %add3A_1042 : i32
        %get3A_1044 = arith.constant 1 : i32
        %get3A_1045 = arith.index_cast %get3A_1044 : i32 to index
        %get3A_1046 = arith.index_cast %add3A_1043 : i32 to index
        %get3A_1047 = arith.constant 48 : index
        %get3A_1048 = tpu.vector_load %arg9[%get3A_1045, %get3A_1046, %get3A_1047] {strides = array<i32>} : memref<2x128x128xf32, #tpu.memory_space<vmem>>, vector<1x1x16xf32>,
        %get3A_1049 = vector.shape_cast %get3A_1048 : vector<1x1x16xf32> to vector<16xf32>
        %mul3A_1050 = arith.constant 4 : i32
        %mul3A_1051 = arith.muli %scan3A_678, %mul3A_1050 : i32
        %add3A_1052 = arith.constant 2 : i32
        %add3A_1053 = arith.addi %mul3A_1051, %add3A_1052 : i32
        %swap3A_1054 = arith.index_cast %add3A_1053 : i32 to index
        %swap3A_1055 = arith.constant 48 : index
        %swap3A_1056 = tpu.vector_load %arg10[%swap3A_1054, %swap3A_1055] {strides = array<i32>} : memref<64x128xf32, #tpu.memory_space<vmem>>, vector<1x16xf32>,
        %swap3A_1057 = vector.shape_cast %swap3A_1056 : vector<1x16xf32> to vector<16xf32>
        %swap3A_1058 = vector.shape_cast %get3A_1049 : vector<16xf32> to vector<1x16xf32>
        tpu.vector_store %arg10[%swap3A_1054, %swap3A_1055], %swap3A_1058 {strides = array<i32>} : memref<64x128xf32, #tpu.memory_space<vmem>>, vector<1x16xf32>,
        %mul3A_1059 = arith.constant 8 : i32
        %mul3A_1060 = arith.muli %scan3A_678, %mul3A_1059 : i32
        %add3A_1061 = arith.constant 5 : i32
        %add3A_1062 = arith.addi %mul3A_1060, %add3A_1061 : i32
        %get3A_1063 = arith.constant 1 : i32
        %get3A_1064 = arith.index_cast %get3A_1063 : i32 to index
        %get3A_1065 = arith.index_cast %add3A_1062 : i32 to index
        %get3A_1066 = arith.constant 0 : index
        %get3A_1067 = tpu.vector_load %arg9[%get3A_1064, %get3A_1065, %get3A_1066] {strides = array<i32>} : memref<2x128x128xf32, #tpu.memory_space<vmem>>, vector<1x1x16xf32>,
        %get3A_1068 = vector.shape_cast %get3A_1067 : vector<1x1x16xf32> to vector<16xf32>
        %mul3A_1069 = arith.constant 4 : i32
        %mul3A_1070 = arith.muli %scan3A_678, %mul3A_1069 : i32
        %add3A_1071 = arith.constant 2 : i32
        %add3A_1072 = arith.addi %mul3A_1070, %add3A_1071 : i32
        %swap3A_1073 = arith.index_cast %add3A_1072 : i32 to index
        %swap3A_1074 = arith.constant 64 : index
        %swap3A_1075 = tpu.vector_load %arg10[%swap3A_1073, %swap3A_1074] {strides = array<i32>} : memref<64x128xf32, #tpu.memory_space<vmem>>, vector<1x16xf32>,
        %swap3A_1076 = vector.shape_cast %swap3A_1075 : vector<1x16xf32> to vector<16xf32>
        %swap3A_1077 = vector.shape_cast %get3A_1068 : vector<16xf32> to vector<1x16xf32>
        tpu.vector_store %arg10[%swap3A_1073, %swap3A_1074], %swap3A_1077 {strides = array<i32>} : memref<64x128xf32, #tpu.memory_space<vmem>>, vector<1x16xf32>,
        %mul3A_1078 = arith.constant 8 : i32
        %mul3A_1079 = arith.muli %scan3A_678, %mul3A_1078 : i32
        %add3A_1080 = arith.constant 5 : i32
        %add3A_1081 = arith.addi %mul3A_1079, %add3A_1080 : i32
        %get3A_1082 = arith.constant 1 : i32
        %get3A_1083 = arith.index_cast %get3A_1082 : i32 to index
        %get3A_1084 = arith.index_cast %add3A_1081 : i32 to index
        %get3A_1085 = arith.constant 16 : index
        %get3A_1086 = tpu.vector_load %arg9[%get3A_1083, %get3A_1084, %get3A_1085] {strides = array<i32>} : memref<2x128x128xf32, #tpu.memory_space<vmem>>, vector<1x1x16xf32>,
        %get3A_1087 = vector.shape_cast %get3A_1086 : vector<1x1x16xf32> to vector<16xf32>
        %mul3A_1088 = arith.constant 4 : i32
        %mul3A_1089 = arith.muli %scan3A_678, %mul3A_1088 : i32
        %add3A_1090 = arith.constant 2 : i32
        %add3A_1091 = arith.addi %mul3A_1089, %add3A_1090 : i32
        %swap3A_1092 = arith.index_cast %add3A_1091 : i32 to index
        %swap3A_1093 = arith.constant 80 : index
        %swap3A_1094 = tpu.vector_load %arg10[%swap3A_1092, %swap3A_1093] {strides = array<i32>} : memref<64x128xf32, #tpu.memory_space<vmem>>, vector<1x16xf32>,
        %swap3A_1095 = vector.shape_cast %swap3A_1094 : vector<1x16xf32> to vector<16xf32>
        %swap3A_1096 = vector.shape_cast %get3A_1087 : vector<16xf32> to vector<1x16xf32>
        tpu.vector_store %arg10[%swap3A_1092, %swap3A_1093], %swap3A_1096 {strides = array<i32>} : memref<64x128xf32, #tpu.memory_space<vmem>>, vector<1x16xf32>,
        %mul3A_1097 = arith.constant 8 : i32
        %mul3A_1098 = arith.muli %scan3A_678, %mul3A_1097 : i32
        %add3A_1099 = arith.constant 5 : i32
        %add3A_1100 = arith.addi %mul3A_1098, %add3A_1099 : i32
        %get3A_1101 = arith.constant 1 : i32
        %get3A_1102 = arith.index_cast %get3A_1101 : i32 to index
        %get3A_1103 = arith.index_cast %add3A_1100 : i32 to index
        %get3A_1104 = arith.constant 32 : index
        %get3A_1105 = tpu.vector_load %arg9[%get3A_1102, %get3A_1103, %get3A_1104] {strides = array<i32>} : memref<2x128x128xf32, #tpu.memory_space<vmem>>, vector<1x1x16xf32>,
        %get3A_1106 = vector.shape_cast %get3A_1105 : vector<1x1x16xf32> to vector<16xf32>
        %mul3A_1107 = arith.constant 4 : i32
        %mul3A_1108 = arith.muli %scan3A_678, %mul3A_1107 : i32
        %add3A_1109 = arith.constant 2 : i32
        %add3A_1110 = arith.addi %mul3A_1108, %add3A_1109 : i32
        %swap3A_1111 = arith.index_cast %add3A_1110 : i32 to index
        %swap3A_1112 = arith.constant 96 : index
        %swap3A_1113 = tpu.vector_load %arg10[%swap3A_1111, %swap3A_1112] {strides = array<i32>} : memref<64x128xf32, #tpu.memory_space<vmem>>, vector<1x16xf32>,
        %swap3A_1114 = vector.shape_cast %swap3A_1113 : vector<1x16xf32> to vector<16xf32>
        %swap3A_1115 = vector.shape_cast %get3A_1106 : vector<16xf32> to vector<1x16xf32>
        tpu.vector_store %arg10[%swap3A_1111, %swap3A_1112], %swap3A_1115 {strides = array<i32>} : memref<64x128xf32, #tpu.memory_space<vmem>>, vector<1x16xf32>,
        %mul3A_1116 = arith.constant 8 : i32
        %mul3A_1117 = arith.muli %scan3A_678, %mul3A_1116 : i32
        %add3A_1118 = arith.constant 5 : i32
        %add3A_1119 = arith.addi %mul3A_1117, %add3A_1118 : i32
        %get3A_1120 = arith.constant 1 : i32
        %get3A_1121 = arith.index_cast %get3A_1120 : i32 to index
        %get3A_1122 = arith.index_cast %add3A_1119 : i32 to index
        %get3A_1123 = arith.constant 48 : index
        %get3A_1124 = tpu.vector_load %arg9[%get3A_1121, %get3A_1122, %get3A_1123] {strides = array<i32>} : memref<2x128x128xf32, #tpu.memory_space<vmem>>, vector<1x1x16xf32>,
        %get3A_1125 = vector.shape_cast %get3A_1124 : vector<1x1x16xf32> to vector<16xf32>
        %mul3A_1126 = arith.constant 4 : i32
        %mul3A_1127 = arith.muli %scan3A_678, %mul3A_1126 : i32
        %add3A_1128 = arith.constant 2 : i32
        %add3A_1129 = arith.addi %mul3A_1127, %add3A_1128 : i32
        %swap3A_1130 = arith.index_cast %add3A_1129 : i32 to index
        %swap3A_1131 = arith.constant 112 : index
        %swap3A_1132 = tpu.vector_load %arg10[%swap3A_1130, %swap3A_1131] {strides = array<i32>} : memref<64x128xf32, #tpu.memory_space<vmem>>, vector<1x16xf32>,
        %swap3A_1133 = vector.shape_cast %swap3A_1132 : vector<1x16xf32> to vector<16xf32>
        %swap3A_1134 = vector.shape_cast %get3A_1125 : vector<16xf32> to vector<1x16xf32>
        tpu.vector_store %arg10[%swap3A_1130, %swap3A_1131], %swap3A_1134 {strides = array<i32>} : memref<64x128xf32, #tpu.memory_space<vmem>>, vector<1x16xf32>,
        %mul3A_1135 = arith.constant 8 : i32
        %mul3A_1136 = arith.muli %scan3A_678, %mul3A_1135 : i32
        %add3A_1137 = arith.constant 6 : i32
        %add3A_1138 = arith.addi %mul3A_1136, %add3A_1137 : i32
        %get3A_1139 = arith.constant 1 : i32
        %get3A_1140 = arith.index_cast %get3A_1139 : i32 to index
        %get3A_1141 = arith.index_cast %add3A_1138 : i32 to index
        %get3A_1142 = arith.constant 0 : index
        %get3A_1143 = tpu.vector_load %arg9[%get3A_1140, %get3A_1141, %get3A_1142] {strides = array<i32>} : memref<2x128x128xf32, #tpu.memory_space<vmem>>, vector<1x1x16xf32>,
        %get3A_1144 = vector.shape_cast %get3A_1143 : vector<1x1x16xf32> to vector<16xf32>
        %mul3A_1145 = arith.constant 4 : i32
        %mul3A_1146 = arith.muli %scan3A_678, %mul3A_1145 : i32
        %add3A_1147 = arith.constant 3 : i32
        %add3A_1148 = arith.addi %mul3A_1146, %add3A_1147 : i32
        %swap3A_1149 = arith.index_cast %add3A_1148 : i32 to index
        %swap3A_1150 = arith.constant 0 : index
        %swap3A_1151 = tpu.vector_load %arg10[%swap3A_1149, %swap3A_1150] {strides = array<i32>} : memref<64x128xf32, #tpu.memory_space<vmem>>, vector<1x16xf32>,
        %swap3A_1152 = vector.shape_cast %swap3A_1151 : vector<1x16xf32> to vector<16xf32>
        %swap3A_1153 = vector.shape_cast %get3A_1144 : vector<16xf32> to vector<1x16xf32>
        tpu.vector_store %arg10[%swap3A_1149, %swap3A_1150], %swap3A_1153 {strides = array<i32>} : memref<64x128xf32, #tpu.memory_space<vmem>>, vector<1x16xf32>,
        %mul3A_1154 = arith.constant 8 : i32
        %mul3A_1155 = arith.muli %scan3A_678, %mul3A_1154 : i32
        %add3A_1156 = arith.constant 6 : i32
        %add3A_1157 = arith.addi %mul3A_1155, %add3A_1156 : i32
        %get3A_1158 = arith.constant 1 : i32
        %get3A_1159 = arith.index_cast %get3A_1158 : i32 to index
        %get3A_1160 = arith.index_cast %add3A_1157 : i32 to index
        %get3A_1161 = arith.constant 16 : index
        %get3A_1162 = tpu.vector_load %arg9[%get3A_1159, %get3A_1160, %get3A_1161] {strides = array<i32>} : memref<2x128x128xf32, #tpu.memory_space<vmem>>, vector<1x1x16xf32>,
        %get3A_1163 = vector.shape_cast %get3A_1162 : vector<1x1x16xf32> to vector<16xf32>
        %mul3A_1164 = arith.constant 4 : i32
        %mul3A_1165 = arith.muli %scan3A_678, %mul3A_1164 : i32
        %add3A_1166 = arith.constant 3 : i32
        %add3A_1167 = arith.addi %mul3A_1165, %add3A_1166 : i32
        %swap3A_1168 = arith.index_cast %add3A_1167 : i32 to index
        %swap3A_1169 = arith.constant 16 : index
        %swap3A_1170 = tpu.vector_load %arg10[%swap3A_1168, %swap3A_1169] {strides = array<i32>} : memref<64x128xf32, #tpu.memory_space<vmem>>, vector<1x16xf32>,
        %swap3A_1171 = vector.shape_cast %swap3A_1170 : vector<1x16xf32> to vector<16xf32>
        %swap3A_1172 = vector.shape_cast %get3A_1163 : vector<16xf32> to vector<1x16xf32>
        tpu.vector_store %arg10[%swap3A_1168, %swap3A_1169], %swap3A_1172 {strides = array<i32>} : memref<64x128xf32, #tpu.memory_space<vmem>>, vector<1x16xf32>,
        %mul3A_1173 = arith.constant 8 : i32
        %mul3A_1174 = arith.muli %scan3A_678, %mul3A_1173 : i32
        %add3A_1175 = arith.constant 6 : i32
        %add3A_1176 = arith.addi %mul3A_1174, %add3A_1175 : i32
        %get3A_1177 = arith.constant 1 : i32
        %get3A_1178 = arith.index_cast %get3A_1177 : i32 to index
        %get3A_1179 = arith.index_cast %add3A_1176 : i32 to index
        %get3A_1180 = arith.constant 32 : index
        %get3A_1181 = tpu.vector_load %arg9[%get3A_1178, %get3A_1179, %get3A_1180] {strides = array<i32>} : memref<2x128x128xf32, #tpu.memory_space<vmem>>, vector<1x1x16xf32>,
        %get3A_1182 = vector.shape_cast %get3A_1181 : vector<1x1x16xf32> to vector<16xf32>
        %mul3A_1183 = arith.constant 4 : i32
        %mul3A_1184 = arith.muli %scan3A_678, %mul3A_1183 : i32
        %add3A_1185 = arith.constant 3 : i32
        %add3A_1186 = arith.addi %mul3A_1184, %add3A_1185 : i32
        %swap3A_1187 = arith.index_cast %add3A_1186 : i32 to index
        %swap3A_1188 = arith.constant 32 : index
        %swap3A_1189 = tpu.vector_load %arg10[%swap3A_1187, %swap3A_1188] {strides = array<i32>} : memref<64x128xf32, #tpu.memory_space<vmem>>, vector<1x16xf32>,
        %swap3A_1190 = vector.shape_cast %swap3A_1189 : vector<1x16xf32> to vector<16xf32>
        %swap3A_1191 = vector.shape_cast %get3A_1182 : vector<16xf32> to vector<1x16xf32>
        tpu.vector_store %arg10[%swap3A_1187, %swap3A_1188], %swap3A_1191 {strides = array<i32>} : memref<64x128xf32, #tpu.memory_space<vmem>>, vector<1x16xf32>,
        %mul3A_1192 = arith.constant 8 : i32
        %mul3A_1193 = arith.muli %scan3A_678, %mul3A_1192 : i32
        %add3A_1194 = arith.constant 6 : i32
        %add3A_1195 = arith.addi %mul3A_1193, %add3A_1194 : i32
        %get3A_1196 = arith.constant 1 : i32
        %get3A_1197 = arith.index_cast %get3A_1196 : i32 to index
        %get3A_1198 = arith.index_cast %add3A_1195 : i32 to index
        %get3A_1199 = arith.constant 48 : index
        %get3A_1200 = tpu.vector_load %arg9[%get3A_1197, %get3A_1198, %get3A_1199] {strides = array<i32>} : memref<2x128x128xf32, #tpu.memory_space<vmem>>, vector<1x1x16xf32>,
        %get3A_1201 = vector.shape_cast %get3A_1200 : vector<1x1x16xf32> to vector<16xf32>
        %mul3A_1202 = arith.constant 4 : i32
        %mul3A_1203 = arith.muli %scan3A_678, %mul3A_1202 : i32
        %add3A_1204 = arith.constant 3 : i32
        %add3A_1205 = arith.addi %mul3A_1203, %add3A_1204 : i32
        %swap3A_1206 = arith.index_cast %add3A_1205 : i32 to index
        %swap3A_1207 = arith.constant 48 : index
        %swap3A_1208 = tpu.vector_load %arg10[%swap3A_1206, %swap3A_1207] {strides = array<i32>} : memref<64x128xf32, #tpu.memory_space<vmem>>, vector<1x16xf32>,
        %swap3A_1209 = vector.shape_cast %swap3A_1208 : vector<1x16xf32> to vector<16xf32>
        %swap3A_1210 = vector.shape_cast %get3A_1201 : vector<16xf32> to vector<1x16xf32>
        tpu.vector_store %arg10[%swap3A_1206, %swap3A_1207], %swap3A_1210 {strides = array<i32>} : memref<64x128xf32, #tpu.memory_space<vmem>>, vector<1x16xf32>,
        %mul3A_1211 = arith.constant 8 : i32
        %mul3A_1212 = arith.muli %scan3A_678, %mul3A_1211 : i32
        %add3A_1213 = arith.constant 7 : i32
        %add3A_1214 = arith.addi %mul3A_1212, %add3A_1213 : i32
        %get3A_1215 = arith.constant 1 : i32
        %get3A_1216 = arith.index_cast %get3A_1215 : i32 to index
        %get3A_1217 = arith.index_cast %add3A_1214 : i32 to index
        %get3A_1218 = arith.constant 0 : index
        %get3A_1219 = tpu.vector_load %arg9[%get3A_1216, %get3A_1217, %get3A_1218] {strides = array<i32>} : memref<2x128x128xf32, #tpu.memory_space<vmem>>, vector<1x1x16xf32>,
        %get3A_1220 = vector.shape_cast %get3A_1219 : vector<1x1x16xf32> to vector<16xf32>
        %mul3A_1221 = arith.constant 4 : i32
        %mul3A_1222 = arith.muli %scan3A_678, %mul3A_1221 : i32
        %add3A_1223 = arith.constant 3 : i32
        %add3A_1224 = arith.addi %mul3A_1222, %add3A_1223 : i32
        %swap3A_1225 = arith.index_cast %add3A_1224 : i32 to index
        %swap3A_1226 = arith.constant 64 : index
        %swap3A_1227 = tpu.vector_load %arg10[%swap3A_1225, %swap3A_1226] {strides = array<i32>} : memref<64x128xf32, #tpu.memory_space<vmem>>, vector<1x16xf32>,
        %swap3A_1228 = vector.shape_cast %swap3A_1227 : vector<1x16xf32> to vector<16xf32>
        %swap3A_1229 = vector.shape_cast %get3A_1220 : vector<16xf32> to vector<1x16xf32>
        tpu.vector_store %arg10[%swap3A_1225, %swap3A_1226], %swap3A_1229 {strides = array<i32>} : memref<64x128xf32, #tpu.memory_space<vmem>>, vector<1x16xf32>,
        %mul3A_1230 = arith.constant 8 : i32
        %mul3A_1231 = arith.muli %scan3A_678, %mul3A_1230 : i32
        %add3A_1232 = arith.constant 7 : i32
        %add3A_1233 = arith.addi %mul3A_1231, %add3A_1232 : i32
        %get3A_1234 = arith.constant 1 : i32
        %get3A_1235 = arith.index_cast %get3A_1234 : i32 to index
        %get3A_1236 = arith.index_cast %add3A_1233 : i32 to index
        %get3A_1237 = arith.constant 16 : index
        %get3A_1238 = tpu.vector_load %arg9[%get3A_1235, %get3A_1236, %get3A_1237] {strides = array<i32>} : memref<2x128x128xf32, #tpu.memory_space<vmem>>, vector<1x1x16xf32>,
        %get3A_1239 = vector.shape_cast %get3A_1238 : vector<1x1x16xf32> to vector<16xf32>
        %mul3A_1240 = arith.constant 4 : i32
        %mul3A_1241 = arith.muli %scan3A_678, %mul3A_1240 : i32
        %add3A_1242 = arith.constant 3 : i32
        %add3A_1243 = arith.addi %mul3A_1241, %add3A_1242 : i32
        %swap3A_1244 = arith.index_cast %add3A_1243 : i32 to index
        %swap3A_1245 = arith.constant 80 : index
        %swap3A_1246 = tpu.vector_load %arg10[%swap3A_1244, %swap3A_1245] {strides = array<i32>} : memref<64x128xf32, #tpu.memory_space<vmem>>, vector<1x16xf32>,
        %swap3A_1247 = vector.shape_cast %swap3A_1246 : vector<1x16xf32> to vector<16xf32>
        %swap3A_1248 = vector.shape_cast %get3A_1239 : vector<16xf32> to vector<1x16xf32>
        tpu.vector_store %arg10[%swap3A_1244, %swap3A_1245], %swap3A_1248 {strides = array<i32>} : memref<64x128xf32, #tpu.memory_space<vmem>>, vector<1x16xf32>,
        %mul3A_1249 = arith.constant 8 : i32
        %mul3A_1250 = arith.muli %scan3A_678, %mul3A_1249 : i32
        %add3A_1251 = arith.constant 7 : i32
        %add3A_1252 = arith.addi %mul3A_1250, %add3A_1251 : i32
        %get3A_1253 = arith.constant 1 : i32
        %get3A_1254 = arith.index_cast %get3A_1253 : i32 to index
        %get3A_1255 = arith.index_cast %add3A_1252 : i32 to index
        %get3A_1256 = arith.constant 32 : index
        %get3A_1257 = tpu.vector_load %arg9[%get3A_1254, %get3A_1255, %get3A_1256] {strides = array<i32>} : memref<2x128x128xf32, #tpu.memory_space<vmem>>, vector<1x1x16xf32>,
        %get3A_1258 = vector.shape_cast %get3A_1257 : vector<1x1x16xf32> to vector<16xf32>
        %mul3A_1259 = arith.constant 4 : i32
        %mul3A_1260 = arith.muli %scan3A_678, %mul3A_1259 : i32
        %add3A_1261 = arith.constant 3 : i32
        %add3A_1262 = arith.addi %mul3A_1260, %add3A_1261 : i32
        %swap3A_1263 = arith.index_cast %add3A_1262 : i32 to index
        %swap3A_1264 = arith.constant 96 : index
        %swap3A_1265 = tpu.vector_load %arg10[%swap3A_1263, %swap3A_1264] {strides = array<i32>} : memref<64x128xf32, #tpu.memory_space<vmem>>, vector<1x16xf32>,
        %swap3A_1266 = vector.shape_cast %swap3A_1265 : vector<1x16xf32> to vector<16xf32>
        %swap3A_1267 = vector.shape_cast %get3A_1258 : vector<16xf32> to vector<1x16xf32>
        tpu.vector_store %arg10[%swap3A_1263, %swap3A_1264], %swap3A_1267 {strides = array<i32>} : memref<64x128xf32, #tpu.memory_space<vmem>>, vector<1x16xf32>,
        %mul3A_1268 = arith.constant 8 : i32
        %mul3A_1269 = arith.muli %scan3A_678, %mul3A_1268 : i32
        %add3A_1270 = arith.constant 7 : i32
        %add3A_1271 = arith.addi %mul3A_1269, %add3A_1270 : i32
        %get3A_1272 = arith.constant 1 : i32
        %get3A_1273 = arith.index_cast %get3A_1272 : i32 to index
        %get3A_1274 = arith.index_cast %add3A_1271 : i32 to index
        %get3A_1275 = arith.constant 48 : index
        %get3A_1276 = tpu.vector_load %arg9[%get3A_1273, %get3A_1274, %get3A_1275] {strides = array<i32>} : memref<2x128x128xf32, #tpu.memory_space<vmem>>, vector<1x1x16xf32>,
        %get3A_1277 = vector.shape_cast %get3A_1276 : vector<1x1x16xf32> to vector<16xf32>
        %mul3A_1278 = arith.constant 4 : i32
        %mul3A_1279 = arith.muli %scan3A_678, %mul3A_1278 : i32
        %add3A_1280 = arith.constant 3 : i32
        %add3A_1281 = arith.addi %mul3A_1279, %add3A_1280 : i32
        %swap3A_1282 = arith.index_cast %add3A_1281 : i32 to index
        %swap3A_1283 = arith.constant 112 : index
        %swap3A_1284 = tpu.vector_load %arg10[%swap3A_1282, %swap3A_1283] {strides = array<i32>} : memref<64x128xf32, #tpu.memory_space<vmem>>, vector<1x16xf32>,
        %swap3A_1285 = vector.shape_cast %swap3A_1284 : vector<1x16xf32> to vector<16xf32>
        %swap3A_1286 = vector.shape_cast %get3A_1277 : vector<16xf32> to vector<1x16xf32>
        tpu.vector_store %arg10[%swap3A_1282, %swap3A_1283], %swap3A_1286 {strides = array<i32>} : memref<64x128xf32, #tpu.memory_space<vmem>>, vector<1x16xf32>,
      }
      %scan3A_654 = arith.constant 16 : i32
      %mul3A_655 = arith.constant 51200 : i32
      %mul3A_656 = arith.muli %add3A, %mul3A_655 : i32
      %mul3A_657 = arith.constant 64 : i32
      %mul3A_658 = arith.muli %add3A_631, %mul3A_657 : i32
      %add3A_659 = arith.addi %mul3A_656, %mul3A_658 : i32
      %dma_start3A_660 = arith.constant 0 : i32
      %dma_start3A_661 = tpu.memref_slice %arg4[%add3A_659, %dma_start3A_660] : memref<1638400x128xf32, #tpu.memory_space<hbm>> -> memref<64x128xf32, #tpu.memory_space<hbm>>
      %dma_start3A_662 = arith.constant 0 : i32
      %dma_start3A_663 = tpu.memref_slice %arg4[%add3A_659, %dma_start3A_662] : memref<1638400x128xf32, #tpu.memory_space<hbm>> -> memref<64x128xf32, #tpu.memory_space<hbm>>
      tpu.enqueue_dma source(%arg10 : memref<64x128xf32, #tpu.memory_space<vmem>>) target(%dma_start3A_663 : memref<64x128xf32, #tpu.memory_space<hbm>>) target_semaphore(%arg16 : memref<!tpu.dma_semaphore, #tpu.memory_space<semaphore_mem>>)
      %add3A_664 = arith.constant 2 : i32
      %add3A_665 = arith.addi %add3A_631, %add3A_664 : i32
      %lt3A_666 = arith.constant 800 : i32
      %lt3A_667 = arith.cmpi slt, %add3A_665, %lt3A_666 : i32
      %convert_element_type3A_668 = arith.extui %lt3A_667 : i1 to i32
      %cond3A_669 = arith.constant 0 : i32
      %cond3A_670 = arith.cmpi ne, %convert_element_type3A_668, %cond3A_669 : i32
      scf.if %cond3A_670 {
        %add3A_678 = arith.constant 2 : i32
        %add3A_679 = arith.addi %add3A_631, %add3A_678 : i32
        %dma_wait3A_680 = arith.constant 128 : i32
        %dma_wait3A_681 = tpu.memref_slice %arg5[%dma_wait3A_680] : memref<256xi32, #tpu.memory_space<vmem>> -> memref<128xi32, #tpu.memory_space<vmem>>
        %dma_wait3A_682 = arith.constant 0 : i32
        %dma_wait3A_683 = tpu.memref_slice %arg2[%dma_wait3A_682] : memref<9830400xi32, #tpu.memory_space<hbm>> -> memref<128xi32, #tpu.memory_space<hbm>>
        %dma_wait3A_684 = arith.constant 128 : i32
        %dma_wait3A_685 = tpu.memref_slice %arg5[%dma_wait3A_684] : memref<256xi32, #tpu.memory_space<vmem>> -> memref<128xi32, #tpu.memory_space<vmem>>
        %dma_wait3A_686 = arith.constant 0 : i32
        %dma_wait3A_687 = tpu.memref_slice %arg2[%dma_wait3A_686] : memref<9830400xi32, #tpu.memory_space<hbm>> -> memref<128xi32, #tpu.memory_space<hbm>>
        tpu.wait_dma2 semaphore(%arg13 : memref<!tpu.dma_semaphore, #tpu.memory_space<semaphore_mem>>) src(%dma_wait3A_687 : memref<128xi32, #tpu.memory_space<hbm>>) dst(%dma_wait3A_685 : memref<128xi32, #tpu.memory_space<vmem>>)
        %dma_wait3A_688 = arith.constant 128 : i32
        %dma_wait3A_689 = tpu.memref_slice %arg6[%dma_wait3A_688] : memref<256xi32, #tpu.memory_space<vmem>> -> memref<128xi32, #tpu.memory_space<vmem>>
        %dma_wait3A_690 = arith.constant 0 : i32
        %dma_wait3A_691 = tpu.memref_slice %arg2[%dma_wait3A_690] : memref<9830400xi32, #tpu.memory_space<hbm>> -> memref<128xi32, #tpu.memory_space<hbm>>
        %dma_wait3A_692 = arith.constant 128 : i32
        %dma_wait3A_693 = tpu.memref_slice %arg6[%dma_wait3A_692] : memref<256xi32, #tpu.memory_space<vmem>> -> memref<128xi32, #tpu.memory_space<vmem>>
        %dma_wait3A_694 = arith.constant 0 : i32
        %dma_wait3A_695 = tpu.memref_slice %arg2[%dma_wait3A_694] : memref<9830400xi32, #tpu.memory_space<hbm>> -> memref<128xi32, #tpu.memory_space<hbm>>
        tpu.wait_dma2 semaphore(%arg13 : memref<!tpu.dma_semaphore, #tpu.memory_space<semaphore_mem>>) src(%dma_wait3A_695 : memref<128xi32, #tpu.memory_space<hbm>>) dst(%dma_wait3A_693 : memref<128xi32, #tpu.memory_space<vmem>>)
        %dma_wait3A_696 = arith.constant 128 : i32
        %dma_wait3A_697 = tpu.memref_slice %arg7[%dma_wait3A_696] : memref<256xi32, #tpu.memory_space<vmem>> -> memref<128xi32, #tpu.memory_space<vmem>>
        %dma_wait3A_698 = arith.constant 0 : i32
        %dma_wait3A_699 = tpu.memref_slice %arg2[%dma_wait3A_698] : memref<9830400xi32, #tpu.memory_space<hbm>> -> memref<128xi32, #tpu.memory_space<hbm>>
        %dma_wait3A_700 = arith.constant 128 : i32
        %dma_wait3A_701 = tpu.memref_slice %arg7[%dma_wait3A_700] : memref<256xi32, #tpu.memory_space<vmem>> -> memref<128xi32, #tpu.memory_space<vmem>>
        %dma_wait3A_702 = arith.constant 0 : i32
        %dma_wait3A_703 = tpu.memref_slice %arg2[%dma_wait3A_702] : memref<9830400xi32, #tpu.memory_space<hbm>> -> memref<128xi32, #tpu.memory_space<hbm>>
        tpu.wait_dma2 semaphore(%arg13 : memref<!tpu.dma_semaphore, #tpu.memory_space<semaphore_mem>>) src(%dma_wait3A_703 : memref<128xi32, #tpu.memory_space<hbm>>) dst(%dma_wait3A_701 : memref<128xi32, #tpu.memory_space<vmem>>)
        %get3A_704 = arith.constant 128 : index
        %get3A_705 = tpu.vector_load %arg5[%get3A_704] {strides = array<i32>} : memref<256xi32, #tpu.memory_space<vmem>>, vector<16xi32>,
        %get3A_706 = vector.shape_cast %get3A_705 : vector<16xi32> to vector<16xi32>
        %get3A_707 = arith.constant 128 : index
        %get3A_708 = tpu.vector_load %arg6[%get3A_707] {strides = array<i32>} : memref<256xi32, #tpu.memory_space<vmem>>, vector<16xi32>,
        %get3A_709 = vector.shape_cast %get3A_708 : vector<16xi32> to vector<16xi32>
        %get3A_710 = arith.constant 128 : index
        %get3A_711 = tpu.vector_load %arg7[%get3A_710] {strides = array<i32>} : memref<256xi32, #tpu.memory_space<vmem>>, vector<16xi32>,
        %get3A_712 = vector.shape_cast %get3A_711 : vector<16xi32> to vector<16xi32>
        %mul3A_713 = arith.constant 14 : i32
        %mul3A_714 = vector.broadcast %mul3A_713 : i32 to vector<16xi32>
        %mul3A_715 = arith.muli %get3A_706, %mul3A_714 : vector<16xi32>
        %add3A_716 = arith.addi %mul3A_715, %get3A_709 : vector<16xi32>
        %mul3A_717 = arith.constant 70 : i32
        %mul3A_718 = vector.broadcast %mul3A_717 : i32 to vector<16xi32>
        %mul3A_719 = arith.muli %add3A_716, %mul3A_718 : vector<16xi32>
        %add3A_720 = arith.addi %mul3A_719, %get3A_712 : vector<16xi32>
        %swap3A_721 = arith.constant 1 : i32
        %swap3A_722 = arith.index_cast %swap3A_721 : i32 to index
        %swap3A_723 = arith.constant 0 : index
        %swap3A_724 = tpu.vector_load %arg8[%swap3A_722, %swap3A_723] {strides = array<i32>} : memref<2x128xi32, #tpu.memory_space<vmem>>, vector<1x16xi32>,
        %swap3A_725 = vector.shape_cast %swap3A_724 : vector<1x16xi32> to vector<16xi32>
        %swap3A_726 = vector.shape_cast %add3A_720 : vector<16xi32> to vector<1x16xi32>
        tpu.vector_store %arg8[%swap3A_722, %swap3A_723], %swap3A_726 {strides = array<i32>} : memref<2x128xi32, #tpu.memory_space<vmem>>, vector<1x16xi32>,
        %get3A_727 = arith.constant 144 : index
        %get3A_728 = tpu.vector_load %arg5[%get3A_727] {strides = array<i32>} : memref<256xi32, #tpu.memory_space<vmem>>, vector<16xi32>,
        %get3A_729 = vector.shape_cast %get3A_728 : vector<16xi32> to vector<16xi32>
        %get3A_730 = arith.constant 144 : index
        %get3A_731 = tpu.vector_load %arg6[%get3A_730] {strides = array<i32>} : memref<256xi32, #tpu.memory_space<vmem>>, vector<16xi32>,
        %get3A_732 = vector.shape_cast %get3A_731 : vector<16xi32> to vector<16xi32>
        %get3A_733 = arith.constant 144 : index
        %get3A_734 = tpu.vector_load %arg7[%get3A_733] {strides = array<i32>} : memref<256xi32, #tpu.memory_space<vmem>>, vector<16xi32>,
        %get3A_735 = vector.shape_cast %get3A_734 : vector<16xi32> to vector<16xi32>
        %mul3A_736 = arith.constant 14 : i32
        %mul3A_737 = vector.broadcast %mul3A_736 : i32 to vector<16xi32>
        %mul3A_738 = arith.muli %get3A_729, %mul3A_737 : vector<16xi32>
        %add3A_739 = arith.addi %mul3A_738, %get3A_732 : vector<16xi32>
        %mul3A_740 = arith.constant 70 : i32
        %mul3A_741 = vector.broadcast %mul3A_740 : i32 to vector<16xi32>
        %mul3A_742 = arith.muli %add3A_739, %mul3A_741 : vector<16xi32>
        %add3A_743 = arith.addi %mul3A_742, %get3A_735 : vector<16xi32>
        %swap3A_744 = arith.constant 1 : i32
        %swap3A_745 = arith.index_cast %swap3A_744 : i32 to index
        %swap3A_746 = arith.constant 16 : index
        %swap3A_747 = tpu.vector_load %arg8[%swap3A_745, %swap3A_746] {strides = array<i32>} : memref<2x128xi32, #tpu.memory_space<vmem>>, vector<1x16xi32>,
        %swap3A_748 = vector.shape_cast %swap3A_747 : vector<1x16xi32> to vector<16xi32>
        %swap3A_749 = vector.shape_cast %add3A_743 : vector<16xi32> to vector<1x16xi32>
        tpu.vector_store %arg8[%swap3A_745, %swap3A_746], %swap3A_749 {strides = array<i32>} : memref<2x128xi32, #tpu.memory_space<vmem>>, vector<1x16xi32>,
        %get3A_750 = arith.constant 160 : index
        %get3A_751 = tpu.vector_load %arg5[%get3A_750] {strides = array<i32>} : memref<256xi32, #tpu.memory_space<vmem>>, vector<16xi32>,
        %get3A_752 = vector.shape_cast %get3A_751 : vector<16xi32> to vector<16xi32>
        %get3A_753 = arith.constant 160 : index
        %get3A_754 = tpu.vector_load %arg6[%get3A_753] {strides = array<i32>} : memref<256xi32, #tpu.memory_space<vmem>>, vector<16xi32>,
        %get3A_755 = vector.shape_cast %get3A_754 : vector<16xi32> to vector<16xi32>
        %get3A_756 = arith.constant 160 : index
        %get3A_757 = tpu.vector_load %arg7[%get3A_756] {strides = array<i32>} : memref<256xi32, #tpu.memory_space<vmem>>, vector<16xi32>,
        %get3A_758 = vector.shape_cast %get3A_757 : vector<16xi32> to vector<16xi32>
        %mul3A_759 = arith.constant 14 : i32
        %mul3A_760 = vector.broadcast %mul3A_759 : i32 to vector<16xi32>
        %mul3A_761 = arith.muli %get3A_752, %mul3A_760 : vector<16xi32>
        %add3A_762 = arith.addi %mul3A_761, %get3A_755 : vector<16xi32>
        %mul3A_763 = arith.constant 70 : i32
        %mul3A_764 = vector.broadcast %mul3A_763 : i32 to vector<16xi32>
        %mul3A_765 = arith.muli %add3A_762, %mul3A_764 : vector<16xi32>
        %add3A_766 = arith.addi %mul3A_765, %get3A_758 : vector<16xi32>
        %swap3A_767 = arith.constant 1 : i32
        %swap3A_768 = arith.index_cast %swap3A_767 : i32 to index
        %swap3A_769 = arith.constant 32 : index
        %swap3A_770 = tpu.vector_load %arg8[%swap3A_768, %swap3A_769] {strides = array<i32>} : memref<2x128xi32, #tpu.memory_space<vmem>>, vector<1x16xi32>,
        %swap3A_771 = vector.shape_cast %swap3A_770 : vector<1x16xi32> to vector<16xi32>
        %swap3A_772 = vector.shape_cast %add3A_766 : vector<16xi32> to vector<1x16xi32>
        tpu.vector_store %arg8[%swap3A_768, %swap3A_769], %swap3A_772 {strides = array<i32>} : memref<2x128xi32, #tpu.memory_space<vmem>>, vector<1x16xi32>,
        %get3A_773 = arith.constant 176 : index
        %get3A_774 = tpu.vector_load %arg5[%get3A_773] {strides = array<i32>} : memref<256xi32, #tpu.memory_space<vmem>>, vector<16xi32>,
        %get3A_775 = vector.shape_cast %get3A_774 : vector<16xi32> to vector<16xi32>
        %get3A_776 = arith.constant 176 : index
        %get3A_777 = tpu.vector_load %arg6[%get3A_776] {strides = array<i32>} : memref<256xi32, #tpu.memory_space<vmem>>, vector<16xi32>,
        %get3A_778 = vector.shape_cast %get3A_777 : vector<16xi32> to vector<16xi32>
        %get3A_779 = arith.constant 176 : index
        %get3A_780 = tpu.vector_load %arg7[%get3A_779] {strides = array<i32>} : memref<256xi32, #tpu.memory_space<vmem>>, vector<16xi32>,
        %get3A_781 = vector.shape_cast %get3A_780 : vector<16xi32> to vector<16xi32>
        %mul3A_782 = arith.constant 14 : i32
        %mul3A_783 = vector.broadcast %mul3A_782 : i32 to vector<16xi32>
        %mul3A_784 = arith.muli %get3A_775, %mul3A_783 : vector<16xi32>
        %add3A_785 = arith.addi %mul3A_784, %get3A_778 : vector<16xi32>
        %mul3A_786 = arith.constant 70 : i32
        %mul3A_787 = vector.broadcast %mul3A_786 : i32 to vector<16xi32>
        %mul3A_788 = arith.muli %add3A_785, %mul3A_787 : vector<16xi32>
        %add3A_789 = arith.addi %mul3A_788, %get3A_781 : vector<16xi32>
        %swap3A_790 = arith.constant 1 : i32
        %swap3A_791 = arith.index_cast %swap3A_790 : i32 to index
        %swap3A_792 = arith.constant 48 : index
        %swap3A_793 = tpu.vector_load %arg8[%swap3A_791, %swap3A_792] {strides = array<i32>} : memref<2x128xi32, #tpu.memory_space<vmem>>, vector<1x16xi32>,
        %swap3A_794 = vector.shape_cast %swap3A_793 : vector<1x16xi32> to vector<16xi32>
        %swap3A_795 = vector.shape_cast %add3A_789 : vector<16xi32> to vector<1x16xi32>
        tpu.vector_store %arg8[%swap3A_791, %swap3A_792], %swap3A_795 {strides = array<i32>} : memref<2x128xi32, #tpu.memory_space<vmem>>, vector<1x16xi32>,
        %get3A_796 = arith.constant 192 : index
        %get3A_797 = tpu.vector_load %arg5[%get3A_796] {strides = array<i32>} : memref<256xi32, #tpu.memory_space<vmem>>, vector<16xi32>,
        %get3A_798 = vector.shape_cast %get3A_797 : vector<16xi32> to vector<16xi32>
        %get3A_799 = arith.constant 192 : index
        %get3A_800 = tpu.vector_load %arg6[%get3A_799] {strides = array<i32>} : memref<256xi32, #tpu.memory_space<vmem>>, vector<16xi32>,
        %get3A_801 = vector.shape_cast %get3A_800 : vector<16xi32> to vector<16xi32>
        %get3A_802 = arith.constant 192 : index
        %get3A_803 = tpu.vector_load %arg7[%get3A_802] {strides = array<i32>} : memref<256xi32, #tpu.memory_space<vmem>>, vector<16xi32>,
        %get3A_804 = vector.shape_cast %get3A_803 : vector<16xi32> to vector<16xi32>
        %mul3A_805 = arith.constant 14 : i32
        %mul3A_806 = vector.broadcast %mul3A_805 : i32 to vector<16xi32>
        %mul3A_807 = arith.muli %get3A_798, %mul3A_806 : vector<16xi32>
        %add3A_808 = arith.addi %mul3A_807, %get3A_801 : vector<16xi32>
        %mul3A_809 = arith.constant 70 : i32
        %mul3A_810 = vector.broadcast %mul3A_809 : i32 to vector<16xi32>
        %mul3A_811 = arith.muli %add3A_808, %mul3A_810 : vector<16xi32>
        %add3A_812 = arith.addi %mul3A_811, %get3A_804 : vector<16xi32>
        %swap3A_813 = arith.constant 1 : i32
        %swap3A_814 = arith.index_cast %swap3A_813 : i32 to index
        %swap3A_815 = arith.constant 64 : index
        %swap3A_816 = tpu.vector_load %arg8[%swap3A_814, %swap3A_815] {strides = array<i32>} : memref<2x128xi32, #tpu.memory_space<vmem>>, vector<1x16xi32>,
        %swap3A_817 = vector.shape_cast %swap3A_816 : vector<1x16xi32> to vector<16xi32>
        %swap3A_818 = vector.shape_cast %add3A_812 : vector<16xi32> to vector<1x16xi32>
        tpu.vector_store %arg8[%swap3A_814, %swap3A_815], %swap3A_818 {strides = array<i32>} : memref<2x128xi32, #tpu.memory_space<vmem>>, vector<1x16xi32>,
        %get3A_819 = arith.constant 208 : index
        %get3A_820 = tpu.vector_load %arg5[%get3A_819] {strides = array<i32>} : memref<256xi32, #tpu.memory_space<vmem>>, vector<16xi32>,
        %get3A_821 = vector.shape_cast %get3A_820 : vector<16xi32> to vector<16xi32>
        %get3A_822 = arith.constant 208 : index
        %get3A_823 = tpu.vector_load %arg6[%get3A_822] {strides = array<i32>} : memref<256xi32, #tpu.memory_space<vmem>>, vector<16xi32>,
        %get3A_824 = vector.shape_cast %get3A_823 : vector<16xi32> to vector<16xi32>
        %get3A_825 = arith.constant 208 : index
        %get3A_826 = tpu.vector_load %arg7[%get3A_825] {strides = array<i32>} : memref<256xi32, #tpu.memory_space<vmem>>, vector<16xi32>,
        %get3A_827 = vector.shape_cast %get3A_826 : vector<16xi32> to vector<16xi32>
        %mul3A_828 = arith.constant 14 : i32
        %mul3A_829 = vector.broadcast %mul3A_828 : i32 to vector<16xi32>
        %mul3A_830 = arith.muli %get3A_821, %mul3A_829 : vector<16xi32>
        %add3A_831 = arith.addi %mul3A_830, %get3A_824 : vector<16xi32>
        %mul3A_832 = arith.constant 70 : i32
        %mul3A_833 = vector.broadcast %mul3A_832 : i32 to vector<16xi32>
        %mul3A_834 = arith.muli %add3A_831, %mul3A_833 : vector<16xi32>
        %add3A_835 = arith.addi %mul3A_834, %get3A_827 : vector<16xi32>
        %swap3A_836 = arith.constant 1 : i32
        %swap3A_837 = arith.index_cast %swap3A_836 : i32 to index
        %swap3A_838 = arith.constant 80 : index
        %swap3A_839 = tpu.vector_load %arg8[%swap3A_837, %swap3A_838] {strides = array<i32>} : memref<2x128xi32, #tpu.memory_space<vmem>>, vector<1x16xi32>,
        %swap3A_840 = vector.shape_cast %swap3A_839 : vector<1x16xi32> to vector<16xi32>
        %swap3A_841 = vector.shape_cast %add3A_835 : vector<16xi32> to vector<1x16xi32>
        tpu.vector_store %arg8[%swap3A_837, %swap3A_838], %swap3A_841 {strides = array<i32>} : memref<2x128xi32, #tpu.memory_space<vmem>>, vector<1x16xi32>,
        %get3A_842 = arith.constant 224 : index
        %get3A_843 = tpu.vector_load %arg5[%get3A_842] {strides = array<i32>} : memref<256xi32, #tpu.memory_space<vmem>>, vector<16xi32>,
        %get3A_844 = vector.shape_cast %get3A_843 : vector<16xi32> to vector<16xi32>
        %get3A_845 = arith.constant 224 : index
        %get3A_846 = tpu.vector_load %arg6[%get3A_845] {strides = array<i32>} : memref<256xi32, #tpu.memory_space<vmem>>, vector<16xi32>,
        %get3A_847 = vector.shape_cast %get3A_846 : vector<16xi32> to vector<16xi32>
        %get3A_848 = arith.constant 224 : index
        %get3A_849 = tpu.vector_load %arg7[%get3A_848] {strides = array<i32>} : memref<256xi32, #tpu.memory_space<vmem>>, vector<16xi32>,
        %get3A_850 = vector.shape_cast %get3A_849 : vector<16xi32> to vector<16xi32>
        %mul3A_851 = arith.constant 14 : i32
        %mul3A_852 = vector.broadcast %mul3A_851 : i32 to vector<16xi32>
        %mul3A_853 = arith.muli %get3A_844, %mul3A_852 : vector<16xi32>
        %add3A_854 = arith.addi %mul3A_853, %get3A_847 : vector<16xi32>
        %mul3A_855 = arith.constant 70 : i32
        %mul3A_856 = vector.broadcast %mul3A_855 : i32 to vector<16xi32>
        %mul3A_857 = arith.muli %add3A_854, %mul3A_856 : vector<16xi32>
        %add3A_858 = arith.addi %mul3A_857, %get3A_850 : vector<16xi32>
        %swap3A_859 = arith.constant 1 : i32
        %swap3A_860 = arith.index_cast %swap3A_859 : i32 to index
        %swap3A_861 = arith.constant 96 : index
        %swap3A_862 = tpu.vector_load %arg8[%swap3A_860, %swap3A_861] {strides = array<i32>} : memref<2x128xi32, #tpu.memory_space<vmem>>, vector<1x16xi32>,
        %swap3A_863 = vector.shape_cast %swap3A_862 : vector<1x16xi32> to vector<16xi32>
        %swap3A_864 = vector.shape_cast %add3A_858 : vector<16xi32> to vector<1x16xi32>
        tpu.vector_store %arg8[%swap3A_860, %swap3A_861], %swap3A_864 {strides = array<i32>} : memref<2x128xi32, #tpu.memory_space<vmem>>, vector<1x16xi32>,
        %get3A_865 = arith.constant 240 : index
        %get3A_866 = tpu.vector_load %arg5[%get3A_865] {strides = array<i32>} : memref<256xi32, #tpu.memory_space<vmem>>, vector<16xi32>,
        %get3A_867 = vector.shape_cast %get3A_866 : vector<16xi32> to vector<16xi32>
        %get3A_868 = arith.constant 240 : index
        %get3A_869 = tpu.vector_load %arg6[%get3A_868] {strides = array<i32>} : memref<256xi32, #tpu.memory_space<vmem>>, vector<16xi32>,
        %get3A_870 = vector.shape_cast %get3A_869 : vector<16xi32> to vector<16xi32>
        %get3A_871 = arith.constant 240 : index
        %get3A_872 = tpu.vector_load %arg7[%get3A_871] {strides = array<i32>} : memref<256xi32, #tpu.memory_space<vmem>>, vector<16xi32>,
        %get3A_873 = vector.shape_cast %get3A_872 : vector<16xi32> to vector<16xi32>
        %mul3A_874 = arith.constant 14 : i32
        %mul3A_875 = vector.broadcast %mul3A_874 : i32 to vector<16xi32>
        %mul3A_876 = arith.muli %get3A_867, %mul3A_875 : vector<16xi32>
        %add3A_877 = arith.addi %mul3A_876, %get3A_870 : vector<16xi32>
        %mul3A_878 = arith.constant 70 : i32
        %mul3A_879 = vector.broadcast %mul3A_878 : i32 to vector<16xi32>
        %mul3A_880 = arith.muli %add3A_877, %mul3A_879 : vector<16xi32>
        %add3A_881 = arith.addi %mul3A_880, %get3A_873 : vector<16xi32>
        %swap3A_882 = arith.constant 1 : i32
        %swap3A_883 = arith.index_cast %swap3A_882 : i32 to index
        %swap3A_884 = arith.constant 112 : index
        %swap3A_885 = tpu.vector_load %arg8[%swap3A_883, %swap3A_884] {strides = array<i32>} : memref<2x128xi32, #tpu.memory_space<vmem>>, vector<1x16xi32>,
        %swap3A_886 = vector.shape_cast %swap3A_885 : vector<1x16xi32> to vector<16xi32>
        %swap3A_887 = vector.shape_cast %add3A_881 : vector<16xi32> to vector<1x16xi32>
        tpu.vector_store %arg8[%swap3A_883, %swap3A_884], %swap3A_887 {strides = array<i32>} : memref<2x128xi32, #tpu.memory_space<vmem>>, vector<1x16xi32>,
        %dma_start3A_888 = arith.constant 1 : i32
        %dma_start3A_889 = arith.constant 1 : i32
        %dma_start3A_890 = arith.constant 0 : i32
        %dma_start3A_891 = arith.constant 0 : i32
        %dma_start3A_892 = tpu.memref_slice %arg9[%dma_start3A_889, %dma_start3A_890, %dma_start3A_891] : memref<2x128x128xf32, #tpu.memory_space<vmem>> -> memref<1x128x128xf32, #tpu.memory_space<vmem>>
        %dma_start3A_893 = tpu.memref_squeeze %dma_start3A_892 : memref<1x128x128xf32, #tpu.memory_space<vmem>> -> memref<128x128xf32, #tpu.memory_space<vmem>>
        %dma_start3A_894 = arith.constant 0 : i32
        %dma_start3A_895 = tpu.memref_slice %arg8[%dma_start3A_888, %dma_start3A_894] : memref<2x128xi32, #tpu.memory_space<vmem>> -> memref<1x128xi32, #tpu.memory_space<vmem>>
        %dma_start3A_896 = tpu.memref_squeeze %dma_start3A_895 : memref<1x128xi32, #tpu.memory_space<vmem>> -> memref<128xi32, #tpu.memory_space<vmem>>
        %dma_start3A_897 = arith.constant 0 : i32
        %dma_start3A_898 = arith.constant 0 : i32
        %dma_start3A_899 = tpu.memref_slice %arg11[%dma_start3A_897, %dma_start3A_898] : memref<4992x128xf32, #tpu.memory_space<vmem_shared>> -> memref<4992x128xf32, #tpu.memory_space<vmem_shared>>
        tpu.enqueue_indirect_dma source(%dma_start3A_899 : memref<4992x128xf32, #tpu.memory_space<vmem_shared>>) target(%dma_start3A_893 : memref<128x128xf32, #tpu.memory_space<vmem>>) offsets(%dma_start3A_896 : memref<128xi32, #tpu.memory_space<vmem>>) semaphore(%arg15 : memref<!tpu.dma_semaphore, #tpu.memory_space<semaphore_mem>>)
      } else {
      }
      %add3A_671 = arith.constant 4 : i32
      %add3A_672 = arith.addi %add3A_631, %add3A_671 : i32
      %lt3A_673 = arith.constant 800 : i32
      %lt3A_674 = arith.cmpi slt, %add3A_672, %lt3A_673 : i32
      %convert_element_type3A_675 = arith.extui %lt3A_674 : i1 to i32
      %cond3A_676 = arith.constant 0 : i32
      %cond3A_677 = arith.cmpi ne, %convert_element_type3A_675, %cond3A_676 : i32
      scf.if %cond3A_677 {
        %add3A_678 = arith.constant 4 : i32
        %add3A_679 = arith.addi %add3A_631, %add3A_678 : i32
        %mul3A_680 = arith.constant 102400 : i32
        %mul3A_681 = arith.muli %add3A, %mul3A_680 : i32
        %mul3A_682 = arith.constant 128 : i32
        %mul3A_683 = arith.muli %add3A_679, %mul3A_682 : i32
        %add3A_684 = arith.addi %mul3A_681, %mul3A_683 : i32
        %dma_start3A_685 = arith.constant 128 : i32
        %dma_start3A_686 = tpu.memref_slice %arg5[%dma_start3A_685] : memref<256xi32, #tpu.memory_space<vmem>> -> memref<128xi32, #tpu.memory_space<vmem>>
        %dma_start3A_687 = tpu.memref_slice %arg2[%add3A_684] : memref<9830400xi32, #tpu.memory_space<hbm>> -> memref<128xi32, #tpu.memory_space<hbm>>
        %dma_start3A_688 = arith.constant 128 : i32
        %dma_start3A_689 = tpu.memref_slice %arg5[%dma_start3A_688] : memref<256xi32, #tpu.memory_space<vmem>> -> memref<128xi32, #tpu.memory_space<vmem>>
        %dma_start3A_690 = tpu.memref_slice %arg2[%add3A_684] : memref<9830400xi32, #tpu.memory_space<hbm>> -> memref<128xi32, #tpu.memory_space<hbm>>
        tpu.enqueue_dma source(%dma_start3A_690 : memref<128xi32, #tpu.memory_space<hbm>>) target(%dma_start3A_689 : memref<128xi32, #tpu.memory_space<vmem>>) target_semaphore(%arg13 : memref<!tpu.dma_semaphore, #tpu.memory_space<semaphore_mem>>)
        %add3A_691 = arith.constant 3276800 : i32
        %add3A_692 = arith.addi %add3A_691, %add3A_684 : i32
        %dma_start3A_693 = arith.constant 128 : i32
        %dma_start3A_694 = tpu.memref_slice %arg6[%dma_start3A_693] : memref<256xi32, #tpu.memory_space<vmem>> -> memref<128xi32, #tpu.memory_space<vmem>>
        %dma_start3A_695 = tpu.memref_slice %arg2[%add3A_692] : memref<9830400xi32, #tpu.memory_space<hbm>> -> memref<128xi32, #tpu.memory_space<hbm>>
        %dma_start3A_696 = arith.constant 128 : i32
        %dma_start3A_697 = tpu.memref_slice %arg6[%dma_start3A_696] : memref<256xi32, #tpu.memory_space<vmem>> -> memref<128xi32, #tpu.memory_space<vmem>>
        %dma_start3A_698 = tpu.memref_slice %arg2[%add3A_692] : memref<9830400xi32, #tpu.memory_space<hbm>> -> memref<128xi32, #tpu.memory_space<hbm>>
        tpu.enqueue_dma source(%dma_start3A_698 : memref<128xi32, #tpu.memory_space<hbm>>) target(%dma_start3A_697 : memref<128xi32, #tpu.memory_space<vmem>>) target_semaphore(%arg13 : memref<!tpu.dma_semaphore, #tpu.memory_space<semaphore_mem>>)
        %add3A_699 = arith.constant 6553600 : i32
        %add3A_700 = arith.addi %add3A_699, %add3A_684 : i32
        %dma_start3A_701 = arith.constant 128 : i32
        %dma_start3A_702 = tpu.memref_slice %arg7[%dma_start3A_701] : memref<256xi32, #tpu.memory_space<vmem>> -> memref<128xi32, #tpu.memory_space<vmem>>
        %dma_start3A_703 = tpu.memref_slice %arg2[%add3A_700] : memref<9830400xi32, #tpu.memory_space<hbm>> -> memref<128xi32, #tpu.memory_space<hbm>>
        %dma_start3A_704 = arith.constant 128 : i32
        %dma_start3A_705 = tpu.memref_slice %arg7[%dma_start3A_704] : memref<256xi32, #tpu.memory_space<vmem>> -> memref<128xi32, #tpu.memory_space<vmem>>
        %dma_start3A_706 = tpu.memref_slice %arg2[%add3A_700] : memref<9830400xi32, #tpu.memory_space<hbm>> -> memref<128xi32, #tpu.memory_space<hbm>>
        tpu.enqueue_dma source(%dma_start3A_706 : memref<128xi32, #tpu.memory_space<hbm>>) target(%dma_start3A_705 : memref<128xi32, #tpu.memory_space<vmem>>) target_semaphore(%arg13 : memref<!tpu.dma_semaphore, #tpu.memory_space<semaphore_mem>>)
      } else {
      }
    }
    %scan3A_574 = arith.constant 400 : i32
    %dma_wait3A_575 = arith.constant 0 : i32
    %dma_wait3A_576 = arith.constant 0 : i32
    %dma_wait3A_577 = tpu.memref_slice %arg4[%dma_wait3A_575, %dma_wait3A_576] : memref<1638400x128xf32, #tpu.memory_space<hbm>> -> memref<64x128xf32, #tpu.memory_space<hbm>>
    %dma_wait3A_578 = arith.constant 0 : i32
    %dma_wait3A_579 = arith.constant 0 : i32
    %dma_wait3A_580 = tpu.memref_slice %arg4[%dma_wait3A_578, %dma_wait3A_579] : memref<1638400x128xf32, #tpu.memory_space<hbm>> -> memref<64x128xf32, #tpu.memory_space<hbm>>
    tpu.wait_dma2 semaphore(%arg16 : memref<!tpu.dma_semaphore, #tpu.memory_space<semaphore_mem>>) src(%arg10 : memref<64x128xf32, #tpu.memory_space<vmem>>) dst(%dma_wait3A_580 : memref<64x128xf32, #tpu.memory_space<hbm>>)
    return
  }
}

</mosaic_0001>

<sc_bundles>
// kernel: kernel.3.cloned.1.call-start
scs
__scs_entry_jumppad:
0x0: {  	(pc) =	sbr.rel $0x88, $3  }
0x1: {  	(tag) =	ssettag $0x0;
	lr =	simm.s32 $0x1  }
0x2: {  	[smem:$0x3F9B] =	sst lr;
	_ =	strace $0xD0000000  }
0x3: {  	_ = 	snop  }
0x4: {  	_ = 	snop  }
0x5: {  	_ = 	snop  }
0x6: {  	_ = 	snop  }
0x7: {  	_ = 	snop  }
__scs_overlays_trampoline_lowered:
0x8: {  	[smem:$0x3FAA] =	sst s0  }
0x9: {  	[smem:$0x3FAB] =	sst s1  }
0xa: {  	[smem:$0x3FAC] =	sst s2  }
0xb: {  	[smem:$0x3FAD] =	sst s3  }
0xc: {  	[smem:$0x3FAE] =	sst s4  }
0xd: {  	[smem:$0x3FAF] =	sst s5  }
0xe: {  	[smem:$0x3FB0] =	sst s6  }
0xf: {  	[smem:$0x3FB1] =	sst s7  }
0x10: {  	[smem:$0x3FB2] =	sst s8  }
0x11: {  	[smem:$0x3FB3] =	sst s9;
	s0 =	simm.s32 @!p0 $0x0  }
0x12: {  	s1 =	sld [smem:$0x3F99];
	s0 =	simm.s32 @p0 $0x1  }
0x13: {  	[smem:$0x3FB4] =	sst s0;
	s0 =	simm.s32 @!p1 $0x0  }
0x14: {  	s2 =	sld [smem:$0x3F98];
	s0 =	simm.s32 @p1 $0x1  }
0x15: {  	[smem:$0x3FB5] =	sst s0;
	s0 =	simm.s32 @!p2 $0x0  }
0x16: {  	s3 =	sld [smem:$0x3FDB];
	s0 =	simm.s32 @p2 $0x1  }
0x17: {  	s4 =	simm.s32 $0x1BF5;
	[smem:$0x3FB7] =	sst s0  }
0x18: {  	s0 =	sld [smem:$0x3F9A];
	_ =	swait.ge [sflag:s4], $0x0  }
0x19: {  	s7 =	sld [smem:$0x3F9B]  }
0x1a: {  	s8 =	sadd.s32 $0xFFFFE003, lr  }
0x1b: {  	s9 =	sadd.s32 $0xFFFFFEF7, lr;
	s5 =	simm.s32 $0xFFFFFFFF;
	p2 =	slt.u32 s8, $0xFFFFF086  }
0x1c: {  	p1 =	slt.u32 s9, $0xF7A;
	s5 =	simm.s32 @!p2 $0x0  }
0x1d: {  	s5 =	simm.s32 @p1 $0x1;
	p0 =	seq.s32 s7, s2  }
0x1e: {  	s7 =	smul.u32 @!p0 $0xF7A, s2;
	p2 =	seq.s32 @!p0 s5, $0x0  }
0x1f: {  	s9 =	smul.u32 $0xF7A, s1;
	s8 =	simm.s32 @!p0 $0x1BF5;
	p2 =	por !p2, p0  }
0x20: {  	[sflag:s8] =	ssyncset.s32 @!p0 $0xFFFFF086;
	s6 =	sadd.s32 @!p0 s3, s7;
	s7 =	simm.s32 @!p0 $0x108  }
0x21: {  	s3 =	sadd.s32 s3, s9;
	s6 =	sadd.s32 @!p0 $0x88, s6;
	s7 =	simm.s32 @p2 $0x1082  }
0x22: {  	[simem:s7], [sflag:s8] =	dma.local @!p0 [hbm:s6], $0xF7A  }
0x23: {  	s9 =	sor.u32 $0xD0000000, s2;
	s6 =	simm.s32 $0x108;
	_ =	swait.ge @!p0 [sflag:s8], $0x0  }
0x24: {  	s3 =	sadd.s32 $0x88, s3;
	s6 =	simm.s32 @!p1 $0x1082;
	[sflag:s4] =	ssyncset.s32 $0xFFFFF086  }
0x25: {  	[simem:s6], [sflag:s4] =	dma.local [hbm:s3], $0xF7A  }
0x26: {  	[smem:$0x3F9B] =	sst s1;
	(tag) =	ssettag s2;
	_ =	strace s9  }
0x27: {  	s1 =	sld [smem:$0x3FAB]  }
0x28: {  	s2 =	sld [smem:$0x3FAC]  }
0x29: {  	s4 =	sld [smem:$0x3FAE]  }
0x2a: {  	p0 =	seq.s32 s5, $0x0;
	s5 =	sld [smem:$0x3FAF]  }
0x2b: {  	s6 =	sld [smem:$0x3FB0]  }
0x2c: {  	s7 =	sld [smem:$0x3FB1]  }
0x2d: {  	s3 =	simm.s32 $0x108;
	s8 =	sld [smem:$0x3FB2]  }
0x2e: {  	s3 =	simm.s32 @!p0 $0x1082;
	s9 =	sld [smem:$0x3FB3]  }
0x2f: {  	lr =	sadd.s32 s0, s3;
	s0 =	sld [smem:$0x3FAA]  }
0x30: {  	s3 =	sld [smem:$0x3FAD]  }
0x31: {  	[smem:$0x3FB6] =	sst s10  }
0x32: {  	s10 =	sld [smem:$0x3FB4];
	_ =	sdelay $0x3  }
0x33: {  	p0 =	seq.s32 s10, $0x1;
	s10 =	sld [smem:$0x3FB6];
	_ =	sdelay $0x3  }
0x34: {  	[smem:$0x3FB6] =	sst s10  }
0x35: {  	s10 =	sld [smem:$0x3FB5];
	_ =	sdelay $0x3  }
0x36: {  	p1 =	seq.s32 s10, $0x1;
	s10 =	sld [smem:$0x3FB6];
	_ =	sdelay $0x3  }
0x37: {  	[smem:$0x3FB6] =	sst s10  }
0x38: {  	s10 =	sld [smem:$0x3FB7]  }
0x39: {  	_ = 	snop;
	(pc) =	sbr.ind lr, $3  }
0x3a: {  	_ = 	snop  }
0x3b: {  	_ = 	snop  }
0x3c: {  	p2 =	seq.s32 s10, $0x1;
	s10 =	sld [smem:$0x3FB6]  }
0x3d: {  	_ =	shalt  }
0x3e: {  	_ =	shalt  }
0x3f: {  	_ =	shalt  }
0x40: {  	_ =	shalt  }
0x41: {  	_ =	shalt  }
0x42: {  	_ =	shalt  }
0x43: {  	_ =	shalt  }
0x44: {  	_ =	shalt  }
0x45: {  	_ =	shalt  }
0x46: {  	_ =	shalt  }
0x47: {  	_ =	shalt  }
0x48: {  	_ =	shalt  }
0x49: {  	_ =	shalt  }
0x4a: {  	_ =	shalt  }
0x4b: {  	_ =	shalt  }
0x4c: {  	_ =	shalt  }
0x4d: {  	_ =	shalt  }
0x4e: {  	_ =	shalt  }
0x4f: {  	_ =	shalt  }
0x50: {  	_ =	shalt  }
0x51: {  	_ =	shalt  }
0x52: {  	_ =	shalt  }
0x53: {  	_ =	shalt  }
0x54: {  	_ =	shalt  }
0x55: {  	_ =	shalt  }
0x56: {  	_ =	shalt  }
0x57: {  	_ =	shalt  }
0x58: {  	_ =	shalt  }
0x59: {  	_ =	shalt  }
0x5a: {  	_ =	shalt  }
0x5b: {  	_ =	shalt  }
0x5c: {  	_ =	shalt  }
0x5d: {  	_ =	shalt  }
0x5e: {  	_ =	shalt  }
0x5f: {  	_ =	shalt  }
0x60: {  	_ =	shalt  }
0x61: {  	_ =	shalt  }
0x62: {  	_ =	shalt  }
0x63: {  	_ =	shalt  }
0x64: {  	_ =	shalt  }
0x65: {  	_ =	shalt  }
0x66: {  	_ =	shalt  }
0x67: {  	_ =	shalt  }
0x68: {  	_ =	shalt  }
0x69: {  	_ =	shalt  }
0x6a: {  	_ =	shalt  }
0x6b: {  	_ =	shalt  }
0x6c: {  	_ =	shalt  }
0x6d: {  	_ =	shalt  }
0x6e: {  	_ =	shalt  }
0x6f: {  	_ =	shalt  }
0x70: {  	_ =	shalt  }
0x71: {  	_ =	shalt  }
0x72: {  	_ =	shalt  }
0x73: {  	_ =	shalt  }
0x74: {  	_ =	shalt  }
0x75: {  	_ =	shalt  }
0x76: {  	_ =	shalt  }
0x77: {  	_ =	shalt  }
0x78: {  	_ =	shalt  }
0x79: {  	_ =	shalt  }
0x7a: {  	_ =	shalt  }
0x7b: {  	_ =	shalt  }
0x7c: {  	_ =	shalt  }
0x7d: {  	_ =	shalt  }
0x7e: {  	_ =	shalt  }
0x7f: {  	_ =	shalt  }
0x80: {  	_ =	shalt  }
0x81: {  	_ =	shalt  }
0x82: {  	_ =	shalt  }
0x83: {  	_ =	shalt  }
0x84: {  	_ =	shalt  }
0x85: {  	_ =	shalt  }
0x86: {  	_ =	shalt  }
0x87: {  	_ =	shalt  }
.Lfunc_end0:
.L_simem_size_0:
called_computation.1_lowered:
.L_overlay_start_0:
0x88: {  	s2 =	sld [smem:$0x3FD9]  }
0x89: {  	s3 =	sld [smem:$0x3FFE];
	_ =	sdelay $0x1  }
0x8a: {  	s1 =	srdreg.scid  }
0x8b: {  	s0 =	sand.u32 $0x1, s1  }
0x8c: {  	s17 =	sshll.u32 s0, $0xA;
	s2 =	sadd.s32 s3, s2  }
0x8d: {  	s2 =	sadd.s32 s2, s17  }
0x8e: {  	[smem:$0x3FC2] =	sst s2  }
0x8f: {  	_ = 	snop  }
0x90: {  	s2 =	sld [smem:$0x3FD0];
	(tm) =	ssettm $0x1  }
0x91: {  	s18 =	sld [smem:$0x3FFB];
	_ =	sdelay $0x3  }
0x92: {  	_ =	strace s18  }
0x93: {  	s3 =	sld [smem:$0x3FFC];
	_ =	sdelay $0x3  }
0x94: {  	_ =	strace s3  }
0x95: {  	s3 =	sld [smem:$0x3FFD];
	_ =	sdelay $0x3  }
0x96: {  	_ =	strace s3  }
0x97: {  	_ =	strace $0x8FFFFFFF  }
0x98: {  	s19 =	sld [smem:$0x3FDB];
	_ =	sdelay $0x1  }
0x99: {  	s4 =	simm.s32 $_scs_section_size  }
0x9a: {  	s5 =	simm.s32 $_size__tile_overlayer_lowered;
	s6 =	simm.s32 $_tile_overlayer_lowered  }
0x9b: {  	s22 =	simm.s32 $0x1BFF;
	s21 =	sshll.u32 s6, $0x1;
	s3 =	sadd.s32 s4, s19  }
0x9c: {  	s7 =	simm.s32 $0x0;
	s20 =	sshll.u32 s5, $0x1;
	s5 =	sadd.s32 s21, s3  }
0x9d: {  	[timem:s7], [sflag:s22] =	dma.local [hbm:s5], s20  }
0x9e: {  	_ =	swait.ge [sflag:s22], s20  }
0x9f: {  	s4 =	ssub.s32 $0x0, s20;
	[sflag:s22] =	ssyncset.done $0x0  }
0xa0: {  	[sflag:s22] =	ssyncadd.s32 s4;
	_ =	sdelay $0x1  }
0xa1: {  	s23 =	simm.s32 $0x1B8B  }
0xa2: {  	_ =	swait.ge [sflag:s23], $0x1  }
0xa3: {  	[sflag:s23] =	ssyncset.done $0x0  }
0xa4: {  	s25 =	simm.s32 $0x1B8E;
	s24 =	sld [smem:$0x3FFE];
	[sflag:s23] =	ssyncadd.s32 $0xFFFFFFFF  }
0xa5: {  	s26 =	simm.s32 $execute0_lowered;
	[smem:$0x3FD2] =	sst s25  }
0xa6: {  	s5 =	sshll.u32 s26, $0x1;
	_ =	strace $0x80000046;
	[dreg:$0x1] =	wrdreg $0xFFFFFFFF  }
0xa7: {  	s28 =	simm.s32 $_size_execute0_lowered;
	s3 =	sadd.s32 s3, s5;
	[dreg:$0x0] =	wrdreg $0x0  }
0xa8: {  	s5 =	sshll.u32 s28, $0x1;
	[dreg:$0x2] =	wrdreg s3  }
0xa9: {  	[dreg:$0x3] =	wrdreg s5  }
0xaa: {  	[dreg:$0x4] =	wrdreg $0xC0  }
0xab: {  	_ =	task [dreg:s7], $0x5FFFF  }
0xac: {  	[dreg:$0x1] =	wrdreg $0xFFFFFFFF  }
0xad: {  	[dreg:$0x0] =	wrdreg $0x60  }
0xae: {  	[dreg:$0x2] =	wrdreg s24  }
0xaf: {  	[dreg:$0x3] =	wrdreg s2  }
0xb0: {  	[dreg:$0x4] =	wrdreg $0xA4000  }
0xb1: {  	[dreg:$0x5] =	wrdreg $0x9  }
0xb2: {  	_ =	task.clear_ibuf [dreg:s7], $0x6FFFF;
	_ =	strace $0x90000046  }
0xb3: {  	s29 =	simm.s32 $0x9;
	_ =	strace $0x80000048  }
0xb4: {  	_ =	swait.ge [sflag:s29], $0x1  }
0xb5: {  	[sflag:s29] =	ssyncadd.s32 $0xFFFFFFFF  }
0xb6: {  	_ =	strace $0x90000048  }
0xb7: {  	_ =	sfence  }
0xb8: {  	s30 =	sld [smem:$0x0];
	_ =	sdelay $0x2  }
0xb9: {  	s31 =	sshll.u32 s1, $0xD;
	s1 =	sshrl.u32 s1, $0x2  }
0xba: {  	s3 =	sand.u32 $0x4000, s31;
	s1 =	sadd.s32 s1, s30  }
0xbb: {  	s0 =	sor.u32 s3, s0;
	s1 =	sshll.u32 s1, $0x11  }
0xbc: {  	s0 =	sor.u32 s1, s0  }
0xbd: {  	s0 =	sadd.s32 $0x8F2B, s0  }
0xbe: {  	[sflag:s0] =	ssyncadd.remote.s32 $0x1  }
0xbf: {  	_ =	sfence.sel $0xFFFF  }
0xc0: {  	[dreg:$0x0] =	wrdreg $0xFFFFFFFF;
	(pc) =	sbr.abs _section_cstart, $3  }
0xc1: {  	[dreg:$0x1] =	wrdreg $0xFFFFFFFF  }
0xc2: {  	_ =	task.clear_ibuf [dreg:s7], $0x2FFFF;
	_ =	strace $0x9FFFFFFF  }
0xc3: {  	(tm) =	ssettm $0x7FFFFFFF  }
tec
execute0_lowered:
.L_overlay_start_1:
0x0: {  	(tag) =	ssettag $0x1  }
0x1: {  	s0 =	rddreg [dreg:$0x0]  }
0x2: {  	s1 =	rddreg [dreg:$0x1]  }
0x3: {  	s2 =	rddreg [dreg:$0x2];
	s4 =	simm.s32 $0x0  }
0x4: {  	s3 =	srdreg.scid;
	s11 =	stileid.u32;
	s30 =	simm.s32 $0x400  }
0x5: {  	s31 =	simm.s32 $0x6;
	[smem:$0x7FF] =	sst s4;
	s6 =	smul.u32 $0x138, s11  }
0x6: {  	s3 =	sand.u32 $0x1, s3;
	s5 =	sadd.s32 $0x78000, s0;
	s8 =	smul.u32 $0x1380, s11  }
0x7: {  	s10 =	sshll.u32 s11, $0x1;
	s11 =	smul.u32 $0x27000, s11;
	s0 =	sadd.s32 $0x64800, s0  }
0x8: {  	_ =	strace $0x80000047;
	s7 =	ssub.s32 $0x2, s3;
	s3 =	sor.u32 s3, s10  }
0x9: {  	s9 =	sshrl.u32 s7, $0x1;
	s8 =	sadd.s32 s0, s8;
	s10 =	sshrl.u32 s11, $0x2  }
0xa: {  	s11 =	sadd.s32 $0x68, s6;
	s6 =	sadd.s32 $0xD0, s6;
	s24 =	smul.u32 $0xC8000, s3  }
0xb: {  	s7 =	ssub.s32 s7, s9;
	[dreg:$0x4] =	wrdreg s8;
	s8 =	sadd.s32 s10, s2  }
0xc: {  	s12 =	sshll.u32 s11, $0x4;
	s10 =	smul.u32 $0x19000, s3;
	s13 =	sshll.u32 s11, $0x7  }
0xd: {  	s14 =	sshll.u32 s6, $0x4;
	s16 =	sshll.u32 s6, $0x7;
	s6 =	simm.s32 $0x80  }
0xe: {  	s9 =	simm.s32 $0x1;
	[dreg:$0x5] =	wrdreg s8;
	s8 =	sadd.s32 s0, s12  }
0xf: {  	s0 =	sadd.s32 s0, s14;
	s26 =	smax.u32 s7, $0x1;
	[dreg:$0x6] =	wrdreg s8  }
0x10: {  	s12 =	simm.s32 $0x2;
	s14 =	simm.s32 $0x3;
	[dreg:$0x8] =	wrdreg s0  }
0x11: {  	s8 =	sadd.s32 s13, s2;
	s15 =	sshrl.u32 s10, $0x3;
	[dreg:$0x12] =	wrdreg s26  }
0x12: {  	s0 =	sadd.s32 s16, s2;
	[dreg:$0x7] =	wrdreg s8;
	s11 =	sadd.s32 s5, s15  }
0x13: {  	s7 =	simm.s32 $0x0;
	[dreg:$0x9] =	wrdreg s0;
	s17 =	sadd.s32 $0x64000, s11  }
0x14: {  	s13 =	simm.s32 $0x380;
	s18 =	sadd.s32 $0xC8000, s11;
	[dreg:$0xa] =	wrdreg s17  }
0x15: {  	s16 =	simm.s32 $0x5;
	s19 =	sadd.s32 $0x10, s11;
	[dreg:$0xb] =	wrdreg s18  }
0x16: {  	s0 =	sadd.s32 s24, s1;
	s20 =	sadd.s32 $0x64010, s11;
	[dreg:$0xc] =	wrdreg s19  }
0x17: {  	s15 =	simm.s32 $0x4;
	s21 =	sadd.s32 $0xC8010, s11;
	[dreg:$0xd] =	wrdreg s20  }
0x18: {  	s22 =	sadd.s32 $0x20, s11;
	s23 =	sadd.s32 $0x64020, s11;
	[dreg:$0xe] =	wrdreg s21  }
.Ltmp0:
0x19: {  	s25 =	sadd.s32 $0xC8020, s11;
	[dreg:$0xf] =	wrdreg s22;
	(pc) =	sbr.rel .LBB2_1-.Ltmp0, $4  }
0x1a: {  	s26 =	sadd.s32 $0x30, s11;
	s28 =	sadd.s32 $0x64030, s11;
	[dreg:$0x10] =	wrdreg s23  }
0x1b: {  	s29 =	sadd.s32 $0xC8030, s11;
	[dreg:$0x11] =	wrdreg s25;
	s21 =	smul.u32 $0x640000, s3  }
0x1c: {  	s22 =	sor.u32 $0x200, s10;
	s23 =	sor.u32 $0x280, s10;
	s25 =	sadd.s32 $0x400, s0  }
0x1d: {  	s10 =	simm.s32 $0x300;
	s0 =	simm.s32 $0x4400;
	s3 =	simm.s32 $0x8400  }
.LBB2_11:
0x1e: {  	_ =	swait.ge [sflag:s16], $0x2000  }
0x1f: {  	s7 =	sadd.s32 $0x1, s7;
	s8 =	rddreg [dreg:$0x12]  }
0x20: {  	p0 =	sne.s32 s7, s8  }
.Ltmp1:
0x21: {  	_ = 	snop;
	(pc) =	sbr.rel @!p0 .LBB2_12-.Ltmp1, $3  }
0x22: {  	_ =	sdelay $0x1  }
0x23: {  	[sflag:s16] =	ssyncset.done $0x0  }
0x24: {  	[sflag:s16] =	ssyncadd.s32 $0xFFFFE000  }
.LBB2_1:
0x25: {  	s8 =	rddreg [dreg:$0x4]  }
0x26: {  	[tilespmem:s30], [sflag:$0x6] =	stream.linear.gather [hbm4b:s8+s4], $0x3400, $0x38;
	[tilespmem:$0x14000] =	vst v63  }
0x27: {  	_ =	swait.ge [sflag:s31], $0x3400  }
0x28: {  	[sflag:s31] =	ssyncset.done $0x0  }
0x29: {  	s20 =	rddreg [dreg:$0x5];
	[sflag:s31] =	ssyncadd.s32 $0xFFFFCC00  }
0x2a: {  	[spmem:s20] =	stream.linear.scatter [tilespmem:s30], [sflag:$0x6], $0x3400, $0x38;
	[tilespmem:$0x14000] =	vst v63  }
0x2b: {  	_ =	swait.ge [sflag:s31], $0x3400  }
0x2c: {  	[sflag:s31] =	ssyncset.done $0x0  }
0x2d: {  	s24 =	rddreg [dreg:$0x6];
	[sflag:s31] =	ssyncadd.s32 $0xFFFFCC00  }
0x2e: {  	[tilespmem:s30], [sflag:$0x6] =	stream.linear.gather [hbm4b:s24+s4], $0x3400, $0x38;
	[tilespmem:$0x14000] =	vst v63  }
0x2f: {  	_ =	swait.ge [sflag:s31], $0x3400  }
0x30: {  	[sflag:s31] =	ssyncset.done $0x0  }
0x31: {  	s17 =	rddreg [dreg:$0x7];
	[sflag:s31] =	ssyncadd.s32 $0xFFFFCC00  }
0x32: {  	[spmem:s17] =	stream.linear.scatter [tilespmem:s30], [sflag:$0x6], $0x3400, $0x38;
	[tilespmem:$0x14000] =	vst v63  }
0x33: {  	_ =	swait.ge [sflag:s31], $0x3400  }
0x34: {  	[sflag:s31] =	ssyncset.done $0x0  }
0x35: {  	s18 =	rddreg [dreg:$0x8];
	[sflag:s31] =	ssyncadd.s32 $0xFFFFCC00  }
0x36: {  	[tilespmem:s30], [sflag:$0x6] =	stream.linear.gather [hbm4b:s18+s4], $0x3400, $0x38;
	[tilespmem:$0x14000] =	vst v63  }
0x37: {  	_ =	swait.ge [sflag:s31], $0x3400  }
0x38: {  	[sflag:s31] =	ssyncset.done $0x0  }
0x39: {  	s19 =	rddreg [dreg:$0x9];
	[sflag:s31] =	ssyncadd.s32 $0xFFFFCC00  }
0x3a: {  	[spmem:s19] =	stream.linear.scatter [tilespmem:s30], [sflag:$0x6], $0x3400, $0x38;
	[tilespmem:$0x14000] =	vst v63  }
0x3b: {  	_ =	swait.ge [sflag:s31], $0x3400  }
0x3c: {  	[sflag:s31] =	ssyncset.done $0x0  }
0x3d: {  	[sflag:s31] =	ssyncadd.s32 $0xFFFFCC00  }
0x3e: {  	[bflag:$0x0] =	sbarrier.arrive $0xFFFF  }
0x3f: {  	[tilespmem:s4], [sflag:$0x1] =	stream.linear.gather [hbm4b:s11+s4], $0x80, $0x38;
	[tilespmem:$0x14000] =	vst v63  }
0x40: {  	s17 =	simm.s32 $0x100;
	s20 =	rddreg [dreg:$0xa]  }
0x41: {  	[tilespmem:s17], [sflag:$0x1] =	stream.linear.gather [hbm4b:s20+s4], $0x80, $0x38;
	[tilespmem:$0x14000] =	vst v63  }
0x42: {  	s18 =	simm.s32 $0x200;
	s24 =	rddreg [dreg:$0xb]  }
0x43: {  	[tilespmem:s18], [sflag:$0x1] =	stream.linear.gather [hbm4b:s24+s4], $0x80, $0x38;
	[tilespmem:$0x14000] =	vst v63  }
0x44: {  	s19 =	rddreg [dreg:$0xc]  }
0x45: {  	[tilespmem:s6], [sflag:$0x2] =	stream.linear.gather [hbm4b:s19+s4], $0x80, $0x38;
	[tilespmem:$0x14000] =	vst v63  }
0x46: {  	s20 =	rddreg [dreg:$0xd];
	s19 =	simm.s32 $0x180  }
0x47: {  	[tilespmem:s19], [sflag:$0x2] =	stream.linear.gather [hbm4b:s20+s4], $0x80, $0x38;
	[tilespmem:$0x14000] =	vst v63  }
0x48: {  	s24 =	rddreg [dreg:$0xe];
	s20 =	simm.s32 $0x280  }
0x49: {  	[tilespmem:s20], [sflag:$0x2] =	stream.linear.gather [hbm4b:s24+s4], $0x80, $0x38;
	[tilespmem:$0x14000] =	vst v63  }
0x4a: {  	_ =	swait.ge [sflag:s9], $0x80  }
0x4b: {  	[sflag:s9] =	ssyncset.done $0x0  }
0x4c: {  	[sflag:s9] =	ssyncadd.s32 $0xFFFFFF80  }
0x4d: {  	_ =	swait.ge [sflag:s9], $0x80  }
0x4e: {  	[sflag:s9] =	ssyncset.done $0x0  }
0x4f: {  	[sflag:s9] =	ssyncadd.s32 $0xFFFFFF80  }
0x50: {  	_ =	swait.ge [sflag:s9], $0x80  }
0x51: {  	[sflag:s9] =	ssyncset.done $0x0  }
0x52: {  	[sflag:s9] =	ssyncadd.s32 $0xFFFFFF80  }
0x53: {  	v0 =	vld [tilespmem:$0x0]  }
0x54: {  	v1 =	vld [tilespmem:$0x100]  }
0x55: {  	v2 =	vld [tilespmem:$0x200]  }
0x56: {  	v3 =	vld [tilespmem:$0x10]  }
0x57: {  	v4 =	vld [tilespmem:$0x110]  }
0x58: {  	v5 =	vld [tilespmem:$0x210]  }
0x59: {  	v6 =	vld [tilespmem:$0x20]  }
0x5a: {  	v7 =	vld [tilespmem:$0x120]  }
0x5b: {  	v8 =	vld [tilespmem:$0x220]  }
0x5c: {  	v9 =	vld [tilespmem:$0x30]  }
0x5d: {  	v10 =	vld [tilespmem:$0x130]  }
0x5e: {  	v11 =	vld [tilespmem:$0x230]  }
0x5f: {  	v12 =	vld [tilespmem:$0x40]  }
0x60: {  	v15 =	vld [tilespmem:$0x50]  }
0x61: {  	v13 =	vld [tilespmem:$0x140]  }
0x62: {  	v55 =	vld [tilespmem:$0x60]  }
0x63: {  	v57 =	vld [tilespmem:$0x70];
	v0 =	vmul.u32 $0xE, v0  }
0x64: {  	v59 =	vld [tilespmem:$0x160];
	v3 =	vmul.u32 $0xE, v3;
	v6 =	vmul.u32 $0xE, v6;
	v58 =	vmul.u32 $0xE, v9  }
0x65: {  	v61 =	vld [tilespmem:$0x170];
	v60 =	vmul.u32 $0xE, v12;
	v63 =	vmul.u32 $0xE, v15;
	v0 =	vadd.s32 v1, v0  }
0x66: {  	v16 =	vld [tilespmem:$0x150];
	v54 =	vadd.s32 v4, v3;
	v56 =	vadd.s32 v7, v6;
	v0 =	vmul.u32 $0x46, v0  }
0x67: {  	v15 =	vld [tilespmem:$0x260];
	v7 =	vadd.s32 v10, v58;
	v3 =	vmul.u32 $0xE, v55;
	v1 =	vmul.u32 $0x46, v54  }
0x68: {  	v19 =	vld [tilespmem:$0x270];
	v6 =	vmul.u32 $0xE, v57;
	v4 =	vmul.u32 $0x46, v56;
	v0 =	vadd.s32 v2, v0  }
0x69: {  	v14 =	vld [tilespmem:$0x240];
	v12 =	vmul.u32 $0x46, v7;
	v3 =	vadd.s32 v59, v3;
	v1 =	vadd.s32 v5, v1;
	[tilespmem:$0x300] =	vst v0  }
0x6a: {  	v62 =	vld [tilespmem:$0x250];
	v22 =	vadd.s32 v61, v6;
	v4 =	vadd.s32 v8, v4;
	v21 =	vmul.u32 $0x46, v3;
	[tilespmem:$0x310] =	vst v1  }
0x6b: {  	v2 =	vadd.s32 v13, v60;
	v24 =	vmul.u32 $0x46, v22;
	[tilespmem:$0x320] =	vst v4;
	v0 =	vadd.s32 v11, v12  }
0x6c: {  	v18 =	vadd.s32 v16, v63;
	v17 =	vmul.u32 $0x46, v2;
	[tilespmem:$0x330] =	vst v0;
	v25 =	vadd.s32 v15, v21  }
0x6d: {  	v2 =	vmul.u32 $0x46, v18;
	v26 =	vadd.s32 v19, v24;
	[tilespmem:$0x360] =	vst v25  }
0x6e: {  	v20 =	vadd.s32 v14, v17;
	[tilespmem:$0x370] =	vst v26  }
0x6f: {  	v23 =	vadd.s32 v62, v2;
	[tilespmem:$0x340] =	vst v20  }
0x70: {  	[tilespmem:$0x350] =	vst v23  }
0x71: {  	[tilespmem:s30], [sflag:$0x3] =	stream.indirect.gather [spmem:s2], $0x80, s10, s6, $0xb8;
	[tilespmem:$0x14000] =	vst v63  }
0x72: {  	s24 =	rddreg [dreg:$0xf]  }
0x73: {  	[tilespmem:s4], [sflag:$0x1] =	stream.linear.gather [hbm4b:s24+s4], $0x80, $0x38;
	[tilespmem:$0x14000] =	vst v63  }
0x74: {  	s24 =	rddreg [dreg:$0x10]  }
0x75: {  	[tilespmem:s17], [sflag:$0x1] =	stream.linear.gather [hbm4b:s24+s4], $0x80, $0x38;
	[tilespmem:$0x14000] =	vst v63  }
0x76: {  	s24 =	rddreg [dreg:$0x11]  }
0x77: {  	[tilespmem:s18], [sflag:$0x1] =	stream.linear.gather [hbm4b:s24+s4], $0x80, $0x38;
	[tilespmem:$0x14000] =	vst v63  }
0x78: {  	_ =	swait.ge [sflag:s12], $0x80  }
0x79: {  	[sflag:s12] =	ssyncset.done $0x0  }
0x7a: {  	[sflag:s12] =	ssyncadd.s32 $0xFFFFFF80  }
0x7b: {  	_ =	swait.ge [sflag:s12], $0x80  }
0x7c: {  	[sflag:s12] =	ssyncset.done $0x0  }
0x7d: {  	[sflag:s12] =	ssyncadd.s32 $0xFFFFFF80  }
0x7e: {  	_ =	swait.ge [sflag:s12], $0x80  }
0x7f: {  	[sflag:s12] =	ssyncset.done $0x0  }
0x80: {  	[sflag:s12] =	ssyncadd.s32 $0xFFFFFF80  }
0x81: {  	v27 =	vld [tilespmem:$0x80]  }
0x82: {  	v28 =	vld [tilespmem:$0x180]  }
0x83: {  	v29 =	vld [tilespmem:$0x280]  }
0x84: {  	v30 =	vld [tilespmem:$0x90]  }
0x85: {  	v31 =	vld [tilespmem:$0x190]  }
0x86: {  	v32 =	vld [tilespmem:$0x290]  }
0x87: {  	v33 =	vld [tilespmem:$0xA0]  }
0x88: {  	v34 =	vld [tilespmem:$0x1A0]  }
0x89: {  	v35 =	vld [tilespmem:$0x2A0]  }
0x8a: {  	v36 =	vld [tilespmem:$0xB0]  }
0x8b: {  	v37 =	vld [tilespmem:$0x1B0]  }
0x8c: {  	v39 =	vld [tilespmem:$0xC0]  }
0x8d: {  	v40 =	vld [tilespmem:$0x1C0]  }
0x8e: {  	v42 =	vld [tilespmem:$0xD0]  }
0x8f: {  	v41 =	vld [tilespmem:$0x2C0]  }
0x90: {  	v43 =	vld [tilespmem:$0x1D0]  }
0x91: {  	v45 =	vld [tilespmem:$0xE0];
	v0 =	vmul.u32 $0xE, v27  }
0x92: {  	v47 =	vld [tilespmem:$0xF0];
	v3 =	vmul.u32 $0xE, v30;
	v6 =	vmul.u32 $0xE, v33;
	v48 =	vmul.u32 $0xE, v36  }
0x93: {  	v49 =	vld [tilespmem:$0x1E0];
	v50 =	vmul.u32 $0xE, v39;
	v53 =	vmul.u32 $0xE, v42;
	v0 =	vadd.s32 v28, v0  }
0x94: {  	v51 =	vld [tilespmem:$0x1F0];
	v44 =	vadd.s32 v31, v3;
	v46 =	vadd.s32 v34, v6;
	v0 =	vmul.u32 $0x46, v0  }
0x95: {  	v52 =	vld [tilespmem:$0x2D0];
	v7 =	vadd.s32 v37, v48;
	v2 =	vadd.s32 v40, v50;
	v1 =	vmul.u32 $0x46, v44  }
0x96: {  	v38 =	vld [tilespmem:$0x2B0];
	v3 =	vmul.u32 $0xE, v45;
	v4 =	vmul.u32 $0x46, v46;
	v0 =	vadd.s32 v29, v0  }
0x97: {  	v55 =	vld [tilespmem:$0x2E0];
	v57 =	vadd.s32 v43, v53;
	v56 =	vmul.u32 $0x46, v2;
	v1 =	vadd.s32 v32, v1;
	[tilespmem:$0x380] =	vst v0  }
0x98: {  	v58 =	vld [tilespmem:$0x2F0];
	v6 =	vmul.u32 $0xE, v47;
	v2 =	vmul.u32 $0x46, v57;
	v4 =	vadd.s32 v35, v4;
	[tilespmem:$0x390] =	vst v1  }
0x99: {  	v54 =	vmul.u32 $0x46, v7;
	v3 =	vadd.s32 v49, v3;
	v59 =	vadd.s32 v41, v56;
	[tilespmem:$0x3A0] =	vst v4  }
0x9a: {  	v60 =	vadd.s32 v51, v6;
	v3 =	vmul.u32 $0x46, v3;
	v61 =	vadd.s32 v52, v2;
	[tilespmem:$0x3C0] =	vst v59  }
0x9b: {  	v0 =	vadd.s32 v38, v54;
	v1 =	vmul.u32 $0x46, v60;
	[tilespmem:$0x3D0] =	vst v61  }
0x9c: {  	[tilespmem:$0x3B0] =	vst v0;
	v62 =	vadd.s32 v55, v3  }
0x9d: {  	[tilespmem:$0x3E0] =	vst v62;
	v63 =	vadd.s32 v58, v1  }
0x9e: {  	[tilespmem:$0x3F0] =	vst v63  }
0x9f: {  	[tilespmem:s0], [sflag:$0x4] =	stream.indirect.gather [spmem:s2], $0x80, s13, s6, $0xb8;
	[tilespmem:$0x14000] =	vst v63  }
0xa0: {  	_ = 	snop  }
0xa1: {  	[tilespmem:s6], [sflag:$0x2] =	stream.linear.gather [hbm4b:s26+s4], $0x80, $0x38;
	[tilespmem:$0x14000] =	vst v63  }
.Ltmp2:
0xa2: {  	_ = 	snop;
	(pc) =	sbr.rel .LBB2_2-.Ltmp2, $4  }
0xa3: {  	_ = 	snop  }
0xa4: {  	[tilespmem:s19], [sflag:$0x2] =	stream.linear.gather [hbm4b:s28+s4], $0x80, $0x38;
	[tilespmem:$0x14000] =	vst v63  }
0xa5: {  	s17 =	simm.s32 $0x0  }
0xa6: {  	[tilespmem:s20], [sflag:$0x2] =	stream.linear.gather [hbm4b:s29+s4], $0x80, $0x38;
	[tilespmem:$0x14000] =	vst v63  }
.LBB2_10:
0xa7: {  	s8 =	sadd.s32 @p1 s8, s23  }
0xa8: {  	s18 =	simm.s32 @p1 $0x0;
	s17 =	sadd.s32 $0x1, s17;
	s8 =	sshrl.u32 @p1 s8, $0x3  }
0xa9: {  	s19 =	simm.s32 @p1 $0x80;
	p0 =	sne.s32 s17, $0x190;
	s8 =	sadd.s32 @p1 s5, s8  }
0xaa: {  	[tilespmem:s19], [sflag:$0x2] =	stream.linear.gather @p1 [hbm4b:s8+s18], $0x80, $0x38;
	[tilespmem:$0x14000] =	vst v63  }
.Ltmp3:
0xab: {  	_ = 	snop;
	(pc) =	sbr.rel @!p0 .LBB2_11-.Ltmp3, $4  }
0xac: {  	s20 =	simm.s32 @p1 $0x180;
	s19 =	sadd.s32 @p1 $0x64000, s8  }
0xad: {  	[tilespmem:s20], [sflag:$0x2] =	stream.linear.gather @p1 [hbm4b:s19+s18], $0x80, $0x38;
	[tilespmem:$0x14000] =	vst v63  }
0xae: {  	s8 =	sadd.s32 @p1 $0xC8000, s8;
	s19 =	simm.s32 @p1 $0x280  }
0xaf: {  	[tilespmem:s19], [sflag:$0x2] =	stream.linear.gather @p1 [hbm4b:s8+s18], $0x80, $0x38;
	[tilespmem:$0x14000] =	vst v63  }
.LBB2_2:
0xb0: {  	_ =	swait.ge [sflag:s14], $0x4000  }
0xb1: {  	p0 =	seq.s32 s17, $0x0;
	[sflag:s14] =	ssyncset.done $0x0  }
0xb2: {  	s8 =	simm.s32 @!p0 $0x5;
	[sflag:s14] =	ssyncadd.s32 $0xFFFFC000  }
0xb3: {  	_ =	swait.ge @!p0 [sflag:s8], $0x2000  }
0xb4: {  	[sflag:s8] =	ssyncset.done @!p0 $0x0  }
0xb5: {  	s24 =	simm.s32 $0x0;
	[sflag:s8] =	ssyncadd.s32 @!p0 $0xFFFFE000  }
0xb6: {  	v0 =	vld [tilespmem:s24+$0x400];
	_ =	sdelay $0x3  }
0xb7: {  	s18 =	simm.s32 $0x8500  }
0xb8: {  	[tilespmem:s18+$0xFFFFFF00] =	vst v0  }
0xb9: {  	v0 =	vld [tilespmem:s24+$0x410];
	_ =	sdelay $0x4  }
0xba: {  	[tilespmem:s18+$0xFFFFFF10] =	vst v0  }
0xbb: {  	v0 =	vld [tilespmem:s24+$0x420];
	_ =	sdelay $0x4  }
0xbc: {  	[tilespmem:s18+$0xFFFFFF20] =	vst v0  }
0xbd: {  	v0 =	vld [tilespmem:s24+$0x430];
	_ =	sdelay $0x4  }
0xbe: {  	[tilespmem:s18+$0xFFFFFF30] =	vst v0  }
0xbf: {  	v0 =	vld [tilespmem:s24+$0x480];
	_ =	sdelay $0x4  }
0xc0: {  	[tilespmem:s18+$0xFFFFFF40] =	vst v0  }
0xc1: {  	v0 =	vld [tilespmem:s24+$0x490];
	_ =	sdelay $0x4  }
0xc2: {  	[tilespmem:s18+$0xFFFFFF50] =	vst v0  }
0xc3: {  	v0 =	vld [tilespmem:s24+$0x4A0];
	_ =	sdelay $0x4  }
0xc4: {  	[tilespmem:s18+$0xFFFFFF60] =	vst v0  }
0xc5: {  	v0 =	vld [tilespmem:s24+$0x4B0];
	_ =	sdelay $0x4  }
0xc6: {  	[tilespmem:s18+$0xFFFFFF70] =	vst v0  }
0xc7: {  	v0 =	vld [tilespmem:s24+$0x500];
	_ =	sdelay $0x4  }
0xc8: {  	[tilespmem:s18+$0xFFFFFF80] =	vst v0  }
0xc9: {  	v0 =	vld [tilespmem:s24+$0x510];
	_ =	sdelay $0x4  }
0xca: {  	[tilespmem:s18+$0xFFFFFF90] =	vst v0  }
0xcb: {  	v0 =	vld [tilespmem:s24+$0x520];
	_ =	sdelay $0x4  }
0xcc: {  	[tilespmem:s18+$0xFFFFFFA0] =	vst v0  }
0xcd: {  	v0 =	vld [tilespmem:s24+$0x530];
	_ =	sdelay $0x4  }
0xce: {  	[tilespmem:s18+$0xFFFFFFB0] =	vst v0  }
0xcf: {  	v0 =	vld [tilespmem:s24+$0x580];
	_ =	sdelay $0x4  }
0xd0: {  	[tilespmem:s18+$0xFFFFFFC0] =	vst v0  }
0xd1: {  	v0 =	vld [tilespmem:s24+$0x590];
	_ =	sdelay $0x4  }
0xd2: {  	[tilespmem:s18+$0xFFFFFFD0] =	vst v0  }
0xd3: {  	v0 =	vld [tilespmem:s24+$0x5A0];
	_ =	sdelay $0x4  }
0xd4: {  	[tilespmem:s18+$0xFFFFFFE0] =	vst v0  }
0xd5: {  	v0 =	vld [tilespmem:s24+$0x5B0];
	_ =	sdelay $0x4  }
0xd6: {  	[tilespmem:s18+$0xFFFFFFF0] =	vst v0  }
0xd7: {  	v0 =	vld [tilespmem:s24+$0x600];
	_ =	sdelay $0x4  }
0xd8: {  	[tilespmem:s18+$0x0] =	vst v0  }
0xd9: {  	v0 =	vld [tilespmem:s24+$0x610];
	_ =	sdelay $0x4  }
0xda: {  	[tilespmem:s18+$0x10] =	vst v0  }
0xdb: {  	v0 =	vld [tilespmem:s24+$0x620];
	_ =	sdelay $0x4  }
0xdc: {  	[tilespmem:s18+$0x20] =	vst v0  }
0xdd: {  	v0 =	vld [tilespmem:s24+$0x630];
	_ =	sdelay $0x4  }
0xde: {  	[tilespmem:s18+$0x30] =	vst v0  }
0xdf: {  	v0 =	vld [tilespmem:s24+$0x680];
	_ =	sdelay $0x4  }
0xe0: {  	[tilespmem:s18+$0x40] =	vst v0  }
0xe1: {  	v0 =	vld [tilespmem:s24+$0x690];
	_ =	sdelay $0x4  }
0xe2: {  	[tilespmem:s18+$0x50] =	vst v0  }
0xe3: {  	v0 =	vld [tilespmem:s24+$0x6A0];
	_ =	sdelay $0x4  }
0xe4: {  	[tilespmem:s18+$0x60] =	vst v0  }
0xe5: {  	v0 =	vld [tilespmem:s24+$0x6B0];
	_ =	sdelay $0x4  }
0xe6: {  	[tilespmem:s18+$0x70] =	vst v0  }
0xe7: {  	v0 =	vld [tilespmem:s24+$0x700];
	_ =	sdelay $0x4  }
0xe8: {  	[tilespmem:s18+$0x80] =	vst v0  }
0xe9: {  	v0 =	vld [tilespmem:s24+$0x710];
	_ =	sdelay $0x4  }
0xea: {  	[tilespmem:s18+$0x90] =	vst v0  }
0xeb: {  	v0 =	vld [tilespmem:s24+$0x720];
	_ =	sdelay $0x4  }
0xec: {  	[tilespmem:s18+$0xA0] =	vst v0  }
0xed: {  	v0 =	vld [tilespmem:s24+$0x730];
	_ =	sdelay $0x4  }
0xee: {  	[tilespmem:s18+$0xB0] =	vst v0  }
0xef: {  	v0 =	vld [tilespmem:s24+$0x780];
	_ =	sdelay $0x4  }
0xf0: {  	[tilespmem:s18+$0xC0] =	vst v0  }
0xf1: {  	v0 =	vld [tilespmem:s24+$0x790];
	_ =	sdelay $0x4  }
0xf2: {  	[tilespmem:s18+$0xD0] =	vst v0  }
0xf3: {  	v0 =	vld [tilespmem:s24+$0x7A0];
	_ =	sdelay $0x4  }
0xf4: {  	[tilespmem:s18+$0xE0] =	vst v0  }
0xf5: {  	v0 =	vld [tilespmem:s24+$0x7B0];
	_ =	sdelay $0x4  }
0xf6: {  	s19 =	simm.s32 $0x400;
	s20 =	simm.s32 $0x2000;
	s8 =	sshll.u32 s17, $0x8;
	[tilespmem:s18+$0xF0] =	vst v0  }
.LBB2_3:
0xf7: {  	p0 =	sne.s32 s20, $0xF000;
	v0 =	vld [tilespmem:s19+$0x400];
	_ =	sdelay $0x3  }
0xf8: {  	s18 =	sadd.s32 $0x200, s18  }
0xf9: {  	[tilespmem:s18+$0xFFFFFF00] =	vst v0  }
0xfa: {  	v0 =	vld [tilespmem:s19+$0x410];
	_ =	sdelay $0x4  }
0xfb: {  	[tilespmem:s18+$0xFFFFFF10] =	vst v0  }
0xfc: {  	v0 =	vld [tilespmem:s19+$0x420];
	_ =	sdelay $0x4  }
0xfd: {  	[tilespmem:s18+$0xFFFFFF20] =	vst v0  }
0xfe: {  	v0 =	vld [tilespmem:s19+$0x430];
	_ =	sdelay $0x4  }
0xff: {  	[tilespmem:s18+$0xFFFFFF30] =	vst v0  }
0x100: {  	v0 =	vld [tilespmem:s19+$0x480];
	_ =	sdelay $0x4  }
0x101: {  	[tilespmem:s18+$0xFFFFFF40] =	vst v0  }
0x102: {  	v0 =	vld [tilespmem:s19+$0x490];
	_ =	sdelay $0x4  }
0x103: {  	[tilespmem:s18+$0xFFFFFF50] =	vst v0  }
0x104: {  	v0 =	vld [tilespmem:s19+$0x4A0];
	_ =	sdelay $0x4  }
0x105: {  	[tilespmem:s18+$0xFFFFFF60] =	vst v0  }
0x106: {  	v0 =	vld [tilespmem:s19+$0x4B0];
	_ =	sdelay $0x4  }
0x107: {  	[tilespmem:s18+$0xFFFFFF70] =	vst v0  }
0x108: {  	v0 =	vld [tilespmem:s19+$0x500];
	_ =	sdelay $0x4  }
0x109: {  	[tilespmem:s18+$0xFFFFFF80] =	vst v0  }
0x10a: {  	v0 =	vld [tilespmem:s19+$0x510];
	_ =	sdelay $0x4  }
0x10b: {  	[tilespmem:s18+$0xFFFFFF90] =	vst v0  }
0x10c: {  	v0 =	vld [tilespmem:s19+$0x520];
	_ =	sdelay $0x4  }
0x10d: {  	[tilespmem:s18+$0xFFFFFFA0] =	vst v0  }
0x10e: {  	v0 =	vld [tilespmem:s19+$0x530];
	_ =	sdelay $0x4  }
0x10f: {  	[tilespmem:s18+$0xFFFFFFB0] =	vst v0  }
0x110: {  	v0 =	vld [tilespmem:s19+$0x580];
	_ =	sdelay $0x4  }
0x111: {  	[tilespmem:s18+$0xFFFFFFC0] =	vst v0  }
0x112: {  	v0 =	vld [tilespmem:s19+$0x590];
	_ =	sdelay $0x4  }
0x113: {  	[tilespmem:s18+$0xFFFFFFD0] =	vst v0  }
0x114: {  	v0 =	vld [tilespmem:s19+$0x5A0];
	_ =	sdelay $0x4  }
0x115: {  	[tilespmem:s18+$0xFFFFFFE0] =	vst v0  }
0x116: {  	v0 =	vld [tilespmem:s19+$0x5B0];
	_ =	sdelay $0x4  }
0x117: {  	[tilespmem:s18+$0xFFFFFFF0] =	vst v0  }
0x118: {  	v0 =	vld [tilespmem:s19+$0x600];
	_ =	sdelay $0x4  }
0x119: {  	[tilespmem:s18+$0x0] =	vst v0  }
0x11a: {  	v0 =	vld [tilespmem:s19+$0x610];
	_ =	sdelay $0x4  }
0x11b: {  	[tilespmem:s18+$0x10] =	vst v0  }
0x11c: {  	v0 =	vld [tilespmem:s19+$0x620];
	_ =	sdelay $0x4  }
0x11d: {  	[tilespmem:s18+$0x20] =	vst v0  }
0x11e: {  	v0 =	vld [tilespmem:s19+$0x630];
	_ =	sdelay $0x4  }
0x11f: {  	[tilespmem:s18+$0x30] =	vst v0  }
0x120: {  	v0 =	vld [tilespmem:s19+$0x680];
	_ =	sdelay $0x4  }
0x121: {  	[tilespmem:s18+$0x40] =	vst v0  }
0x122: {  	v0 =	vld [tilespmem:s19+$0x690];
	_ =	sdelay $0x4  }
0x123: {  	[tilespmem:s18+$0x50] =	vst v0  }
0x124: {  	v0 =	vld [tilespmem:s19+$0x6A0];
	_ =	sdelay $0x4  }
0x125: {  	[tilespmem:s18+$0x60] =	vst v0  }
0x126: {  	v0 =	vld [tilespmem:s19+$0x6B0];
	_ =	sdelay $0x4  }
0x127: {  	[tilespmem:s18+$0x70] =	vst v0  }
0x128: {  	v0 =	vld [tilespmem:s19+$0x700];
	_ =	sdelay $0x4  }
0x129: {  	[tilespmem:s18+$0x80] =	vst v0  }
0x12a: {  	v0 =	vld [tilespmem:s19+$0x710];
	_ =	sdelay $0x4  }
0x12b: {  	[tilespmem:s18+$0x90] =	vst v0  }
0x12c: {  	v0 =	vld [tilespmem:s19+$0x720];
	_ =	sdelay $0x4  }
0x12d: {  	[tilespmem:s18+$0xA0] =	vst v0  }
0x12e: {  	v0 =	vld [tilespmem:s19+$0x730];
	_ =	sdelay $0x4  }
0x12f: {  	[tilespmem:s18+$0xB0] =	vst v0  }
0x130: {  	v0 =	vld [tilespmem:s19+$0x780];
	_ =	sdelay $0x4  }
0x131: {  	[tilespmem:s18+$0xC0] =	vst v0  }
0x132: {  	v0 =	vld [tilespmem:s19+$0x790];
	_ =	sdelay $0x4  }
0x133: {  	[tilespmem:s18+$0xD0] =	vst v0  }
0x134: {  	v0 =	vld [tilespmem:s19+$0x7A0];
	_ =	sdelay $0x4  }
0x135: {  	[tilespmem:s18+$0xE0] =	vst v0  }
0x136: {  	v0 =	vld [tilespmem:s19+$0x7B0]  }
.Ltmp4:
0x137: {  	(pc) =	sbr.rel @p0 .LBB2_3-.Ltmp4, $2  }
0x138: {  	_ =	sdelay $0x2  }
0x139: {  	s19 =	sshra.s32 s20, $0x2;
	s20 =	sadd.s32 $0x1000, s20;
	[tilespmem:s18+$0xF0] =	vst v0  }
0x13a: {  	v0 =	vld [tilespmem:s19+$0x400];
	_ =	sdelay $0x3  }
0x13b: {  	s18 =	sadd.s32 $0x200, s18  }
0x13c: {  	[tilespmem:s18+$0xFFFFFF00] =	vst v0  }
0x13d: {  	v0 =	vld [tilespmem:s19+$0x410];
	_ =	sdelay $0x4  }
0x13e: {  	[tilespmem:s18+$0xFFFFFF10] =	vst v0  }
0x13f: {  	v0 =	vld [tilespmem:s19+$0x420];
	_ =	sdelay $0x4  }
0x140: {  	[tilespmem:s18+$0xFFFFFF20] =	vst v0  }
0x141: {  	v0 =	vld [tilespmem:s19+$0x430];
	_ =	sdelay $0x4  }
0x142: {  	[tilespmem:s18+$0xFFFFFF30] =	vst v0  }
0x143: {  	v0 =	vld [tilespmem:s19+$0x480];
	_ =	sdelay $0x4  }
0x144: {  	[tilespmem:s18+$0xFFFFFF40] =	vst v0  }
0x145: {  	v0 =	vld [tilespmem:s19+$0x490];
	_ =	sdelay $0x4  }
0x146: {  	[tilespmem:s18+$0xFFFFFF50] =	vst v0  }
0x147: {  	v0 =	vld [tilespmem:s19+$0x4A0];
	_ =	sdelay $0x4  }
0x148: {  	[tilespmem:s18+$0xFFFFFF60] =	vst v0  }
0x149: {  	v0 =	vld [tilespmem:s19+$0x4B0];
	_ =	sdelay $0x4  }
0x14a: {  	[tilespmem:s18+$0xFFFFFF70] =	vst v0  }
0x14b: {  	v0 =	vld [tilespmem:s19+$0x500];
	_ =	sdelay $0x4  }
0x14c: {  	[tilespmem:s18+$0xFFFFFF80] =	vst v0  }
0x14d: {  	v0 =	vld [tilespmem:s19+$0x510];
	_ =	sdelay $0x4  }
0x14e: {  	[tilespmem:s18+$0xFFFFFF90] =	vst v0  }
0x14f: {  	v0 =	vld [tilespmem:s19+$0x520];
	_ =	sdelay $0x4  }
0x150: {  	[tilespmem:s18+$0xFFFFFFA0] =	vst v0  }
0x151: {  	v0 =	vld [tilespmem:s19+$0x530];
	_ =	sdelay $0x4  }
0x152: {  	[tilespmem:s18+$0xFFFFFFB0] =	vst v0  }
0x153: {  	v0 =	vld [tilespmem:s19+$0x580];
	_ =	sdelay $0x4  }
0x154: {  	[tilespmem:s18+$0xFFFFFFC0] =	vst v0  }
0x155: {  	v0 =	vld [tilespmem:s19+$0x590];
	_ =	sdelay $0x4  }
0x156: {  	[tilespmem:s18+$0xFFFFFFD0] =	vst v0  }
0x157: {  	v0 =	vld [tilespmem:s19+$0x5A0];
	_ =	sdelay $0x4  }
0x158: {  	[tilespmem:s18+$0xFFFFFFE0] =	vst v0  }
0x159: {  	v0 =	vld [tilespmem:s19+$0x5B0];
	_ =	sdelay $0x4  }
0x15a: {  	[tilespmem:s18+$0xFFFFFFF0] =	vst v0  }
0x15b: {  	v0 =	vld [tilespmem:s19+$0x600];
	_ =	sdelay $0x4  }
0x15c: {  	[tilespmem:s18+$0x0] =	vst v0  }
0x15d: {  	v0 =	vld [tilespmem:s19+$0x610];
	_ =	sdelay $0x4  }
0x15e: {  	[tilespmem:s18+$0x10] =	vst v0  }
0x15f: {  	v0 =	vld [tilespmem:s19+$0x620];
	_ =	sdelay $0x4  }
0x160: {  	[tilespmem:s18+$0x20] =	vst v0  }
0x161: {  	v0 =	vld [tilespmem:s19+$0x630];
	_ =	sdelay $0x4  }
0x162: {  	[tilespmem:s18+$0x30] =	vst v0  }
0x163: {  	v0 =	vld [tilespmem:s19+$0x680];
	_ =	sdelay $0x4  }
0x164: {  	[tilespmem:s18+$0x40] =	vst v0  }
0x165: {  	v0 =	vld [tilespmem:s19+$0x690];
	_ =	sdelay $0x4  }
0x166: {  	[tilespmem:s18+$0x50] =	vst v0  }
0x167: {  	v0 =	vld [tilespmem:s19+$0x6A0];
	_ =	sdelay $0x4  }
0x168: {  	[tilespmem:s18+$0x60] =	vst v0  }
0x169: {  	v0 =	vld [tilespmem:s19+$0x6B0];
	_ =	sdelay $0x4  }
0x16a: {  	[tilespmem:s18+$0x70] =	vst v0  }
0x16b: {  	v0 =	vld [tilespmem:s19+$0x700];
	_ =	sdelay $0x4  }
0x16c: {  	[tilespmem:s18+$0x80] =	vst v0  }
0x16d: {  	v0 =	vld [tilespmem:s19+$0x710];
	_ =	sdelay $0x4  }
0x16e: {  	[tilespmem:s18+$0x90] =	vst v0  }
0x16f: {  	v0 =	vld [tilespmem:s19+$0x720];
	_ =	sdelay $0x4  }
0x170: {  	[tilespmem:s18+$0xA0] =	vst v0  }
0x171: {  	v0 =	vld [tilespmem:s19+$0x730];
	_ =	sdelay $0x4  }
0x172: {  	[tilespmem:s18+$0xB0] =	vst v0  }
0x173: {  	v0 =	vld [tilespmem:s19+$0x780];
	_ =	sdelay $0x4  }
0x174: {  	[tilespmem:s18+$0xC0] =	vst v0  }
0x175: {  	v0 =	vld [tilespmem:s19+$0x790];
	_ =	sdelay $0x4  }
0x176: {  	[tilespmem:s18+$0xD0] =	vst v0  }
0x177: {  	v0 =	vld [tilespmem:s19+$0x7A0];
	_ =	sdelay $0x4  }
0x178: {  	[tilespmem:s18+$0xE0] =	vst v0  }
0x179: {  	v0 =	vld [tilespmem:s19+$0x7B0]  }
0x17a: {  	p0 =	seq.s32 s17, $0x18F  }
.Ltmp5:
0x17b: {  	s20 =	sshll.u32 s17, $0xE;
	(pc) =	sbr.rel @p0 .LBB2_6-.Ltmp5, $4  }
0x17c: {  	s19 =	sadd.s32 s21, s20  }
0x17d: {  	s19 =	sshrl.u32 s19, $0x3  }
0x17e: {  	p1 =	por $0x0, $0x0;
	s24 =	sadd.s32 s1, s19;
	[tilespmem:s18+$0xF0] =	vst v0  }
0x17f: {  	[hbm4b:s24+s4] =	stream.linear.scatter [tilespmem:s3], [sflag:$0x5], $0x2000, $0x38;
	[tilespmem:$0x14000] =	vst v63  }
0x180: {  	_ =	swait.ge [sflag:s9], $0x80  }
0x181: {  	[sflag:s9] =	ssyncset.done $0x0  }
0x182: {  	[sflag:s9] =	ssyncadd.s32 $0xFFFFFF80  }
0x183: {  	_ =	swait.ge [sflag:s9], $0x80  }
0x184: {  	[sflag:s9] =	ssyncset.done $0x0  }
0x185: {  	[sflag:s9] =	ssyncadd.s32 $0xFFFFFF80  }
0x186: {  	_ =	swait.ge [sflag:s9], $0x80  }
0x187: {  	[sflag:s9] =	ssyncset.done $0x0  }
0x188: {  	[sflag:s9] =	ssyncadd.s32 $0xFFFFFF80  }
0x189: {  	v0 =	vld [tilespmem:$0x0]  }
0x18a: {  	v1 =	vld [tilespmem:$0x100]  }
0x18b: {  	v2 =	vld [tilespmem:$0x200]  }
0x18c: {  	v3 =	vld [tilespmem:$0x10]  }
0x18d: {  	v4 =	vld [tilespmem:$0x110]  }
0x18e: {  	v5 =	vld [tilespmem:$0x210]  }
0x18f: {  	v6 =	vld [tilespmem:$0x20]  }
0x190: {  	v7 =	vld [tilespmem:$0x120]  }
0x191: {  	v8 =	vld [tilespmem:$0x220]  }
0x192: {  	v9 =	vld [tilespmem:$0x30]  }
0x193: {  	v10 =	vld [tilespmem:$0x130]  }
0x194: {  	v11 =	vld [tilespmem:$0x230]  }
0x195: {  	v12 =	vld [tilespmem:$0x40]  }
0x196: {  	v15 =	vld [tilespmem:$0x50]  }
0x197: {  	v13 =	vld [tilespmem:$0x140]  }
0x198: {  	v45 =	vld [tilespmem:$0x60]  }
0x199: {  	v47 =	vld [tilespmem:$0x70];
	v0 =	vmul.u32 $0xE, v0  }
0x19a: {  	v49 =	vld [tilespmem:$0x160];
	v3 =	vmul.u32 $0xE, v3;
	v6 =	vmul.u32 $0xE, v6;
	v48 =	vmul.u32 $0xE, v9  }
0x19b: {  	v16 =	vld [tilespmem:$0x150];
	v50 =	vmul.u32 $0xE, v12;
	v53 =	vmul.u32 $0xE, v15;
	v0 =	vadd.s32 v1, v0  }
0x19c: {  	v51 =	vld [tilespmem:$0x170];
	v44 =	vadd.s32 v4, v3;
	v46 =	vadd.s32 v7, v6;
	v0 =	vmul.u32 $0x46, v0  }
0x19d: {  	v55 =	vld [tilespmem:$0x260];
	v7 =	vadd.s32 v10, v48;
	v3 =	vmul.u32 $0xE, v45;
	v1 =	vmul.u32 $0x46, v44  }
0x19e: {  	v14 =	vld [tilespmem:$0x240];
	v6 =	vmul.u32 $0xE, v47;
	v4 =	vmul.u32 $0x46, v46;
	v0 =	vadd.s32 v2, v0  }
0x19f: {  	v52 =	vld [tilespmem:$0x250];
	v54 =	vmul.u32 $0x46, v7;
	v3 =	vadd.s32 v49, v3;
	v1 =	vadd.s32 v5, v1;
	[tilespmem:$0x300] =	vst v0  }
0x1a0: {  	v58 =	vld [tilespmem:$0x270];
	v4 =	vadd.s32 v8, v4;
	v2 =	vadd.s32 v13, v50;
	v3 =	vmul.u32 $0x46, v3;
	[tilespmem:$0x310] =	vst v1  }
0x1a1: {  	v57 =	vadd.s32 v16, v53;
	v56 =	vmul.u32 $0x46, v2;
	[tilespmem:$0x320] =	vst v4;
	v0 =	vadd.s32 v11, v54  }
0x1a2: {  	v60 =	vadd.s32 v51, v6;
	v2 =	vmul.u32 $0x46, v57;
	[tilespmem:$0x330] =	vst v0;
	v62 =	vadd.s32 v55, v3  }
0x1a3: {  	v1 =	vmul.u32 $0x46, v60;
	v59 =	vadd.s32 v14, v56;
	[tilespmem:$0x360] =	vst v62  }
0x1a4: {  	p2 =	sgt.u32 s17, $0x18D;
	v61 =	vadd.s32 v52, v2;
	[tilespmem:$0x340] =	vst v59  }
0x1a5: {  	s18 =	sadd.s32 @!p2 s8, s22;
	v63 =	vadd.s32 v58, v1;
	[tilespmem:$0x350] =	vst v61  }
0x1a6: {  	s18 =	sshrl.u32 @!p2 s18, $0x3;
	[tilespmem:$0x370] =	vst v63  }
0x1a7: {  	[tilespmem:s30], [sflag:$0x3] =	stream.indirect.gather [spmem:s2], $0x80, s10, s6, $0xb8;
	[tilespmem:$0x14000] =	vst v63  }
0x1a8: {  	p1 =	por $0x0, $0x0;
	s19 =	simm.s32 @!p2 $0x0;
	s18 =	sadd.s32 @!p2 s5, s18  }
0x1a9: {  	[tilespmem:s19], [sflag:$0x1] =	stream.linear.gather @!p2 [hbm4b:s18+s19], $0x80, $0x38;
	[tilespmem:$0x14000] =	vst v63  }
0x1aa: {  	s24 =	simm.s32 @!p2 $0x100;
	p3 =	por @!p2 $0x1, $0x1;
	s20 =	sadd.s32 @!p2 $0x64000, s18  }
0x1ab: {  	[tilespmem:s24], [sflag:$0x1] =	stream.linear.gather @!p2 [hbm4b:s20+s19], $0x80, $0x38;
	[tilespmem:$0x14000] =	vst v63  }
0x1ac: {  	p1 =	por @!p2 p3, p3;
	s18 =	sadd.s32 @!p2 $0xC8000, s18;
	s20 =	simm.s32 @!p2 $0x200  }
0x1ad: {  	[tilespmem:s20], [sflag:$0x1] =	stream.linear.gather @!p2 [hbm4b:s18+s19], $0x80, $0x38;
	[tilespmem:$0x14000] =	vst v63  }
.LBB2_6:
0x1ae: {  	_ =	swait.ge [sflag:s15], $0x4000  }
0x1af: {  	[sflag:s15] =	ssyncset.done $0x0  }
0x1b0: {  	[sflag:s15] =	ssyncadd.s32 $0xFFFFC000  }
0x1b1: {  	_ =	swait.ge [sflag:s16], $0x2000  }
0x1b2: {  	[sflag:s16] =	ssyncset.done $0x0  }
0x1b3: {  	s19 =	simm.s32 $0x0;
	[sflag:s16] =	ssyncadd.s32 $0xFFFFE000  }
0x1b4: {  	v0 =	vld [tilespmem:s19+$0x4400];
	_ =	sdelay $0x3  }
0x1b5: {  	s18 =	simm.s32 $0x8500  }
0x1b6: {  	[tilespmem:s18+$0xFFFFFF00] =	vst v0  }
0x1b7: {  	v0 =	vld [tilespmem:s19+$0x4410];
	_ =	sdelay $0x4  }
0x1b8: {  	[tilespmem:s18+$0xFFFFFF10] =	vst v0  }
0x1b9: {  	v0 =	vld [tilespmem:s19+$0x4420];
	_ =	sdelay $0x4  }
0x1ba: {  	[tilespmem:s18+$0xFFFFFF20] =	vst v0  }
0x1bb: {  	v0 =	vld [tilespmem:s19+$0x4430];
	_ =	sdelay $0x4  }
0x1bc: {  	[tilespmem:s18+$0xFFFFFF30] =	vst v0  }
0x1bd: {  	v0 =	vld [tilespmem:s19+$0x4480];
	_ =	sdelay $0x4  }
0x1be: {  	[tilespmem:s18+$0xFFFFFF40] =	vst v0  }
0x1bf: {  	v0 =	vld [tilespmem:s19+$0x4490];
	_ =	sdelay $0x4  }
0x1c0: {  	[tilespmem:s18+$0xFFFFFF50] =	vst v0  }
0x1c1: {  	v0 =	vld [tilespmem:s19+$0x44A0];
	_ =	sdelay $0x4  }
0x1c2: {  	[tilespmem:s18+$0xFFFFFF60] =	vst v0  }
0x1c3: {  	v0 =	vld [tilespmem:s19+$0x44B0];
	_ =	sdelay $0x4  }
0x1c4: {  	[tilespmem:s18+$0xFFFFFF70] =	vst v0  }
0x1c5: {  	v0 =	vld [tilespmem:s19+$0x4500];
	_ =	sdelay $0x4  }
0x1c6: {  	[tilespmem:s18+$0xFFFFFF80] =	vst v0  }
0x1c7: {  	v0 =	vld [tilespmem:s19+$0x4510];
	_ =	sdelay $0x4  }
0x1c8: {  	[tilespmem:s18+$0xFFFFFF90] =	vst v0  }
0x1c9: {  	v0 =	vld [tilespmem:s19+$0x4520];
	_ =	sdelay $0x4  }
0x1ca: {  	[tilespmem:s18+$0xFFFFFFA0] =	vst v0  }
0x1cb: {  	v0 =	vld [tilespmem:s19+$0x4530];
	_ =	sdelay $0x4  }
0x1cc: {  	[tilespmem:s18+$0xFFFFFFB0] =	vst v0  }
0x1cd: {  	v0 =	vld [tilespmem:s19+$0x4580];
	_ =	sdelay $0x4  }
0x1ce: {  	[tilespmem:s18+$0xFFFFFFC0] =	vst v0  }
0x1cf: {  	v0 =	vld [tilespmem:s19+$0x4590];
	_ =	sdelay $0x4  }
0x1d0: {  	[tilespmem:s18+$0xFFFFFFD0] =	vst v0  }
0x1d1: {  	v0 =	vld [tilespmem:s19+$0x45A0];
	_ =	sdelay $0x4  }
0x1d2: {  	[tilespmem:s18+$0xFFFFFFE0] =	vst v0  }
0x1d3: {  	v0 =	vld [tilespmem:s19+$0x45B0];
	_ =	sdelay $0x4  }
0x1d4: {  	[tilespmem:s18+$0xFFFFFFF0] =	vst v0  }
0x1d5: {  	v0 =	vld [tilespmem:s19+$0x4600];
	_ =	sdelay $0x4  }
0x1d6: {  	[tilespmem:s18+$0x0] =	vst v0  }
0x1d7: {  	v0 =	vld [tilespmem:s19+$0x4610];
	_ =	sdelay $0x4  }
0x1d8: {  	[tilespmem:s18+$0x10] =	vst v0  }
0x1d9: {  	v0 =	vld [tilespmem:s19+$0x4620];
	_ =	sdelay $0x4  }
0x1da: {  	[tilespmem:s18+$0x20] =	vst v0  }
0x1db: {  	v0 =	vld [tilespmem:s19+$0x4630];
	_ =	sdelay $0x4  }
0x1dc: {  	[tilespmem:s18+$0x30] =	vst v0  }
0x1dd: {  	v0 =	vld [tilespmem:s19+$0x4680];
	_ =	sdelay $0x4  }
0x1de: {  	[tilespmem:s18+$0x40] =	vst v0  }
0x1df: {  	v0 =	vld [tilespmem:s19+$0x4690];
	_ =	sdelay $0x4  }
0x1e0: {  	[tilespmem:s18+$0x50] =	vst v0  }
0x1e1: {  	v0 =	vld [tilespmem:s19+$0x46A0];
	_ =	sdelay $0x4  }
0x1e2: {  	[tilespmem:s18+$0x60] =	vst v0  }
0x1e3: {  	v0 =	vld [tilespmem:s19+$0x46B0];
	_ =	sdelay $0x4  }
0x1e4: {  	[tilespmem:s18+$0x70] =	vst v0  }
0x1e5: {  	v0 =	vld [tilespmem:s19+$0x4700];
	_ =	sdelay $0x4  }
0x1e6: {  	[tilespmem:s18+$0x80] =	vst v0  }
0x1e7: {  	v0 =	vld [tilespmem:s19+$0x4710];
	_ =	sdelay $0x4  }
0x1e8: {  	[tilespmem:s18+$0x90] =	vst v0  }
0x1e9: {  	v0 =	vld [tilespmem:s19+$0x4720];
	_ =	sdelay $0x4  }
0x1ea: {  	[tilespmem:s18+$0xA0] =	vst v0  }
0x1eb: {  	v0 =	vld [tilespmem:s19+$0x4730];
	_ =	sdelay $0x4  }
0x1ec: {  	[tilespmem:s18+$0xB0] =	vst v0  }
0x1ed: {  	v0 =	vld [tilespmem:s19+$0x4780];
	_ =	sdelay $0x4  }
0x1ee: {  	[tilespmem:s18+$0xC0] =	vst v0  }
0x1ef: {  	v0 =	vld [tilespmem:s19+$0x4790];
	_ =	sdelay $0x4  }
0x1f0: {  	[tilespmem:s18+$0xD0] =	vst v0  }
0x1f1: {  	v0 =	vld [tilespmem:s19+$0x47A0];
	_ =	sdelay $0x4  }
0x1f2: {  	[tilespmem:s18+$0xE0] =	vst v0  }
0x1f3: {  	v0 =	vld [tilespmem:s19+$0x47B0];
	_ =	sdelay $0x4  }
0x1f4: {  	s20 =	simm.s32 $0x2000;
	s19 =	simm.s32 $0x400;
	[tilespmem:s18+$0xF0] =	vst v0  }
.LBB2_7:
0x1f5: {  	p2 =	sne.s32 s20, $0xF000;
	v0 =	vld [tilespmem:s19+$0x4400];
	_ =	sdelay $0x3  }
0x1f6: {  	s18 =	sadd.s32 $0x200, s18  }
0x1f7: {  	[tilespmem:s18+$0xFFFFFF00] =	vst v0  }
0x1f8: {  	v0 =	vld [tilespmem:s19+$0x4410];
	_ =	sdelay $0x4  }
0x1f9: {  	[tilespmem:s18+$0xFFFFFF10] =	vst v0  }
0x1fa: {  	v0 =	vld [tilespmem:s19+$0x4420];
	_ =	sdelay $0x4  }
0x1fb: {  	[tilespmem:s18+$0xFFFFFF20] =	vst v0  }
0x1fc: {  	v0 =	vld [tilespmem:s19+$0x4430];
	_ =	sdelay $0x4  }
0x1fd: {  	[tilespmem:s18+$0xFFFFFF30] =	vst v0  }
0x1fe: {  	v0 =	vld [tilespmem:s19+$0x4480];
	_ =	sdelay $0x4  }
0x1ff: {  	[tilespmem:s18+$0xFFFFFF40] =	vst v0  }
0x200: {  	v0 =	vld [tilespmem:s19+$0x4490];
	_ =	sdelay $0x4  }
0x201: {  	[tilespmem:s18+$0xFFFFFF50] =	vst v0  }
0x202: {  	v0 =	vld [tilespmem:s19+$0x44A0];
	_ =	sdelay $0x4  }
0x203: {  	[tilespmem:s18+$0xFFFFFF60] =	vst v0  }
0x204: {  	v0 =	vld [tilespmem:s19+$0x44B0];
	_ =	sdelay $0x4  }
0x205: {  	[tilespmem:s18+$0xFFFFFF70] =	vst v0  }
0x206: {  	v0 =	vld [tilespmem:s19+$0x4500];
	_ =	sdelay $0x4  }
0x207: {  	[tilespmem:s18+$0xFFFFFF80] =	vst v0  }
0x208: {  	v0 =	vld [tilespmem:s19+$0x4510];
	_ =	sdelay $0x4  }
0x209: {  	[tilespmem:s18+$0xFFFFFF90] =	vst v0  }
0x20a: {  	v0 =	vld [tilespmem:s19+$0x4520];
	_ =	sdelay $0x4  }
0x20b: {  	[tilespmem:s18+$0xFFFFFFA0] =	vst v0  }
0x20c: {  	v0 =	vld [tilespmem:s19+$0x4530];
	_ =	sdelay $0x4  }
0x20d: {  	[tilespmem:s18+$0xFFFFFFB0] =	vst v0  }
0x20e: {  	v0 =	vld [tilespmem:s19+$0x4580];
	_ =	sdelay $0x4  }
0x20f: {  	[tilespmem:s18+$0xFFFFFFC0] =	vst v0  }
0x210: {  	v0 =	vld [tilespmem:s19+$0x4590];
	_ =	sdelay $0x4  }
0x211: {  	[tilespmem:s18+$0xFFFFFFD0] =	vst v0  }
0x212: {  	v0 =	vld [tilespmem:s19+$0x45A0];
	_ =	sdelay $0x4  }
0x213: {  	[tilespmem:s18+$0xFFFFFFE0] =	vst v0  }
0x214: {  	v0 =	vld [tilespmem:s19+$0x45B0];
	_ =	sdelay $0x4  }
0x215: {  	[tilespmem:s18+$0xFFFFFFF0] =	vst v0  }
0x216: {  	v0 =	vld [tilespmem:s19+$0x4600];
	_ =	sdelay $0x4  }
0x217: {  	[tilespmem:s18+$0x0] =	vst v0  }
0x218: {  	v0 =	vld [tilespmem:s19+$0x4610];
	_ =	sdelay $0x4  }
0x219: {  	[tilespmem:s18+$0x10] =	vst v0  }
0x21a: {  	v0 =	vld [tilespmem:s19+$0x4620];
	_ =	sdelay $0x4  }
0x21b: {  	[tilespmem:s18+$0x20] =	vst v0  }
0x21c: {  	v0 =	vld [tilespmem:s19+$0x4630];
	_ =	sdelay $0x4  }
0x21d: {  	[tilespmem:s18+$0x30] =	vst v0  }
0x21e: {  	v0 =	vld [tilespmem:s19+$0x4680];
	_ =	sdelay $0x4  }
0x21f: {  	[tilespmem:s18+$0x40] =	vst v0  }
0x220: {  	v0 =	vld [tilespmem:s19+$0x4690];
	_ =	sdelay $0x4  }
0x221: {  	[tilespmem:s18+$0x50] =	vst v0  }
0x222: {  	v0 =	vld [tilespmem:s19+$0x46A0];
	_ =	sdelay $0x4  }
0x223: {  	[tilespmem:s18+$0x60] =	vst v0  }
0x224: {  	v0 =	vld [tilespmem:s19+$0x46B0];
	_ =	sdelay $0x4  }
0x225: {  	[tilespmem:s18+$0x70] =	vst v0  }
0x226: {  	v0 =	vld [tilespmem:s19+$0x4700];
	_ =	sdelay $0x4  }
0x227: {  	[tilespmem:s18+$0x80] =	vst v0  }
0x228: {  	v0 =	vld [tilespmem:s19+$0x4710];
	_ =	sdelay $0x4  }
0x229: {  	[tilespmem:s18+$0x90] =	vst v0  }
0x22a: {  	v0 =	vld [tilespmem:s19+$0x4720];
	_ =	sdelay $0x4  }
0x22b: {  	[tilespmem:s18+$0xA0] =	vst v0  }
0x22c: {  	v0 =	vld [tilespmem:s19+$0x4730];
	_ =	sdelay $0x4  }
0x22d: {  	[tilespmem:s18+$0xB0] =	vst v0  }
0x22e: {  	v0 =	vld [tilespmem:s19+$0x4780];
	_ =	sdelay $0x4  }
0x22f: {  	[tilespmem:s18+$0xC0] =	vst v0  }
0x230: {  	v0 =	vld [tilespmem:s19+$0x4790];
	_ =	sdelay $0x4  }
0x231: {  	[tilespmem:s18+$0xD0] =	vst v0  }
0x232: {  	v0 =	vld [tilespmem:s19+$0x47A0];
	_ =	sdelay $0x4  }
0x233: {  	[tilespmem:s18+$0xE0] =	vst v0  }
0x234: {  	v0 =	vld [tilespmem:s19+$0x47B0]  }
.Ltmp6:
0x235: {  	(pc) =	sbr.rel @p2 .LBB2_7-.Ltmp6, $2  }
0x236: {  	_ =	sdelay $0x2  }
0x237: {  	s19 =	sshra.s32 s20, $0x2;
	s20 =	sadd.s32 $0x1000, s20;
	[tilespmem:s18+$0xF0] =	vst v0  }
0x238: {  	v0 =	vld [tilespmem:s19+$0x4400];
	_ =	sdelay $0x3  }
0x239: {  	s18 =	sadd.s32 $0x200, s18  }
0x23a: {  	[tilespmem:s18+$0xFFFFFF00] =	vst v0  }
0x23b: {  	v0 =	vld [tilespmem:s19+$0x4410];
	_ =	sdelay $0x4  }
0x23c: {  	[tilespmem:s18+$0xFFFFFF10] =	vst v0  }
0x23d: {  	v0 =	vld [tilespmem:s19+$0x4420];
	_ =	sdelay $0x4  }
0x23e: {  	[tilespmem:s18+$0xFFFFFF20] =	vst v0  }
0x23f: {  	v0 =	vld [tilespmem:s19+$0x4430];
	_ =	sdelay $0x4  }
0x240: {  	[tilespmem:s18+$0xFFFFFF30] =	vst v0  }
0x241: {  	v0 =	vld [tilespmem:s19+$0x4480];
	_ =	sdelay $0x4  }
0x242: {  	[tilespmem:s18+$0xFFFFFF40] =	vst v0  }
0x243: {  	v0 =	vld [tilespmem:s19+$0x4490];
	_ =	sdelay $0x4  }
0x244: {  	[tilespmem:s18+$0xFFFFFF50] =	vst v0  }
0x245: {  	v0 =	vld [tilespmem:s19+$0x44A0];
	_ =	sdelay $0x4  }
0x246: {  	[tilespmem:s18+$0xFFFFFF60] =	vst v0  }
0x247: {  	v0 =	vld [tilespmem:s19+$0x44B0];
	_ =	sdelay $0x4  }
0x248: {  	[tilespmem:s18+$0xFFFFFF70] =	vst v0  }
0x249: {  	v0 =	vld [tilespmem:s19+$0x4500];
	_ =	sdelay $0x4  }
0x24a: {  	[tilespmem:s18+$0xFFFFFF80] =	vst v0  }
0x24b: {  	v0 =	vld [tilespmem:s19+$0x4510];
	_ =	sdelay $0x4  }
0x24c: {  	[tilespmem:s18+$0xFFFFFF90] =	vst v0  }
0x24d: {  	v0 =	vld [tilespmem:s19+$0x4520];
	_ =	sdelay $0x4  }
0x24e: {  	[tilespmem:s18+$0xFFFFFFA0] =	vst v0  }
0x24f: {  	v0 =	vld [tilespmem:s19+$0x4530];
	_ =	sdelay $0x4  }
0x250: {  	[tilespmem:s18+$0xFFFFFFB0] =	vst v0  }
0x251: {  	v0 =	vld [tilespmem:s19+$0x4580];
	_ =	sdelay $0x4  }
0x252: {  	[tilespmem:s18+$0xFFFFFFC0] =	vst v0  }
0x253: {  	v0 =	vld [tilespmem:s19+$0x4590];
	_ =	sdelay $0x4  }
0x254: {  	[tilespmem:s18+$0xFFFFFFD0] =	vst v0  }
0x255: {  	v0 =	vld [tilespmem:s19+$0x45A0];
	_ =	sdelay $0x4  }
0x256: {  	[tilespmem:s18+$0xFFFFFFE0] =	vst v0  }
0x257: {  	v0 =	vld [tilespmem:s19+$0x45B0];
	_ =	sdelay $0x4  }
0x258: {  	[tilespmem:s18+$0xFFFFFFF0] =	vst v0  }
0x259: {  	v0 =	vld [tilespmem:s19+$0x4600];
	_ =	sdelay $0x4  }
0x25a: {  	[tilespmem:s18+$0x0] =	vst v0  }
0x25b: {  	v0 =	vld [tilespmem:s19+$0x4610];
	_ =	sdelay $0x4  }
0x25c: {  	[tilespmem:s18+$0x10] =	vst v0  }
0x25d: {  	v0 =	vld [tilespmem:s19+$0x4620];
	_ =	sdelay $0x4  }
0x25e: {  	[tilespmem:s18+$0x20] =	vst v0  }
0x25f: {  	v0 =	vld [tilespmem:s19+$0x4630];
	_ =	sdelay $0x4  }
0x260: {  	[tilespmem:s18+$0x30] =	vst v0  }
0x261: {  	v0 =	vld [tilespmem:s19+$0x4680];
	_ =	sdelay $0x4  }
0x262: {  	[tilespmem:s18+$0x40] =	vst v0  }
0x263: {  	v0 =	vld [tilespmem:s19+$0x4690];
	_ =	sdelay $0x4  }
0x264: {  	[tilespmem:s18+$0x50] =	vst v0  }
0x265: {  	v0 =	vld [tilespmem:s19+$0x46A0];
	_ =	sdelay $0x4  }
0x266: {  	[tilespmem:s18+$0x60] =	vst v0  }
0x267: {  	v0 =	vld [tilespmem:s19+$0x46B0];
	_ =	sdelay $0x4  }
0x268: {  	[tilespmem:s18+$0x70] =	vst v0  }
0x269: {  	v0 =	vld [tilespmem:s19+$0x4700];
	_ =	sdelay $0x4  }
0x26a: {  	[tilespmem:s18+$0x80] =	vst v0  }
0x26b: {  	v0 =	vld [tilespmem:s19+$0x4710];
	_ =	sdelay $0x4  }
0x26c: {  	[tilespmem:s18+$0x90] =	vst v0  }
0x26d: {  	v0 =	vld [tilespmem:s19+$0x4720];
	_ =	sdelay $0x4  }
0x26e: {  	[tilespmem:s18+$0xA0] =	vst v0  }
0x26f: {  	v0 =	vld [tilespmem:s19+$0x4730];
	_ =	sdelay $0x4  }
0x270: {  	[tilespmem:s18+$0xB0] =	vst v0  }
0x271: {  	v0 =	vld [tilespmem:s19+$0x4780];
	_ =	sdelay $0x4  }
0x272: {  	[tilespmem:s18+$0xC0] =	vst v0  }
0x273: {  	v0 =	vld [tilespmem:s19+$0x4790];
	_ =	sdelay $0x4  }
0x274: {  	[tilespmem:s18+$0xD0] =	vst v0  }
0x275: {  	v0 =	vld [tilespmem:s19+$0x47A0];
	_ =	sdelay $0x4  }
0x276: {  	[tilespmem:s18+$0xE0] =	vst v0  }
0x277: {  	v0 =	vld [tilespmem:s19+$0x47B0];
	_ =	sdelay $0x1  }
.Ltmp7:
0x278: {  	_ = 	snop;
	(pc) =	sbr.rel @p0 .LBB2_10-.Ltmp7, $4  }
0x279: {  	_ = 	snop  }
0x27a: {  	s20 =	sshll.u32 s17, $0xB  }
0x27b: {  	s24 =	sadd.s32 s25, s20;
	[tilespmem:s18+$0xF0] =	vst v0  }
0x27c: {  	[hbm4b:s24+s4] =	stream.linear.scatter [tilespmem:s3], [sflag:$0x5], $0x2000, $0x38;
	[tilespmem:$0x14000] =	vst v63  }
0x27d: {  	_ =	swait.ge [sflag:s12], $0x80  }
0x27e: {  	[sflag:s12] =	ssyncset.done $0x0  }
0x27f: {  	[sflag:s12] =	ssyncadd.s32 $0xFFFFFF80  }
0x280: {  	_ =	swait.ge [sflag:s12], $0x80  }
0x281: {  	[sflag:s12] =	ssyncset.done $0x0  }
0x282: {  	[sflag:s12] =	ssyncadd.s32 $0xFFFFFF80  }
0x283: {  	_ =	swait.ge [sflag:s12], $0x80  }
0x284: {  	[sflag:s12] =	ssyncset.done $0x0  }
0x285: {  	[sflag:s12] =	ssyncadd.s32 $0xFFFFFF80  }
0x286: {  	v0 =	vld [tilespmem:$0x80]  }
0x287: {  	v1 =	vld [tilespmem:$0x180]  }
0x288: {  	v2 =	vld [tilespmem:$0x280]  }
0x289: {  	v3 =	vld [tilespmem:$0x90]  }
0x28a: {  	v4 =	vld [tilespmem:$0x190]  }
0x28b: {  	v5 =	vld [tilespmem:$0x290]  }
0x28c: {  	v6 =	vld [tilespmem:$0xA0]  }
0x28d: {  	v7 =	vld [tilespmem:$0x1A0]  }
0x28e: {  	v8 =	vld [tilespmem:$0x2A0]  }
0x28f: {  	v9 =	vld [tilespmem:$0xB0]  }
0x290: {  	v10 =	vld [tilespmem:$0x1B0]  }
0x291: {  	v11 =	vld [tilespmem:$0x2B0]  }
0x292: {  	v12 =	vld [tilespmem:$0xC0]  }
0x293: {  	v15 =	vld [tilespmem:$0xD0]  }
0x294: {  	v13 =	vld [tilespmem:$0x1C0]  }
0x295: {  	v45 =	vld [tilespmem:$0xE0]  }
0x296: {  	v47 =	vld [tilespmem:$0xF0];
	v0 =	vmul.u32 $0xE, v0  }
0x297: {  	v49 =	vld [tilespmem:$0x1E0];
	v3 =	vmul.u32 $0xE, v3;
	v6 =	vmul.u32 $0xE, v6;
	v48 =	vmul.u32 $0xE, v9  }
0x298: {  	v16 =	vld [tilespmem:$0x1D0];
	v50 =	vmul.u32 $0xE, v12;
	v53 =	vmul.u32 $0xE, v15;
	v0 =	vadd.s32 v1, v0  }
0x299: {  	v51 =	vld [tilespmem:$0x1F0];
	v44 =	vadd.s32 v4, v3;
	v46 =	vadd.s32 v7, v6;
	v0 =	vmul.u32 $0x46, v0  }
0x29a: {  	v55 =	vld [tilespmem:$0x2E0];
	v7 =	vadd.s32 v10, v48;
	v3 =	vmul.u32 $0xE, v45;
	v1 =	vmul.u32 $0x46, v44  }
0x29b: {  	v14 =	vld [tilespmem:$0x2C0];
	v6 =	vmul.u32 $0xE, v47;
	v4 =	vmul.u32 $0x46, v46;
	v0 =	vadd.s32 v2, v0  }
0x29c: {  	v52 =	vld [tilespmem:$0x2D0];
	v54 =	vmul.u32 $0x46, v7;
	v3 =	vadd.s32 v49, v3;
	v1 =	vadd.s32 v5, v1;
	[tilespmem:$0x380] =	vst v0  }
0x29d: {  	v58 =	vld [tilespmem:$0x2F0];
	v4 =	vadd.s32 v8, v4;
	v2 =	vadd.s32 v13, v50;
	v3 =	vmul.u32 $0x46, v3;
	[tilespmem:$0x390] =	vst v1  }
0x29e: {  	v57 =	vadd.s32 v16, v53;
	v56 =	vmul.u32 $0x46, v2;
	[tilespmem:$0x3A0] =	vst v4;
	v0 =	vadd.s32 v11, v54  }
0x29f: {  	v60 =	vadd.s32 v51, v6;
	v2 =	vmul.u32 $0x46, v57;
	[tilespmem:$0x3B0] =	vst v0;
	v62 =	vadd.s32 v55, v3  }
.Ltmp8:
0x2a0: {  	v1 =	vmul.u32 $0x46, v60;
	v59 =	vadd.s32 v14, v56;
	[tilespmem:$0x3E0] =	vst v62;
	(pc) =	sbr.rel .LBB2_10-.Ltmp8, $4  }
0x2a1: {  	v61 =	vadd.s32 v52, v2;
	[tilespmem:$0x3C0] =	vst v59  }
0x2a2: {  	v63 =	vadd.s32 v58, v1;
	[tilespmem:$0x3D0] =	vst v61  }
0x2a3: {  	[tilespmem:$0x3F0] =	vst v63  }
0x2a4: {  	[tilespmem:s0], [sflag:$0x4] =	stream.indirect.gather [spmem:s2], $0x80, s13, s6, $0xb8;
	[tilespmem:$0x14000] =	vst v63  }
.LBB2_12:
0x2a5: {  	_ =	sfence.sel $0x180000  }
0x2a6: {  	[bflag:$0x0] =	sbarrier.arrive $0xFFFF  }
0x2a7: {  	_ =	strace $0x90000047  }
0x2a8: {  	s0 =	stileid.u32;
	[bflag:$0x2] =	sbarrier.arrive $0xFFFF  }
0x2a9: {  	p0 =	sne.s32 s0, $0x0;
	s0 =	rddreg [dreg:$0x3]  }
0x2aa: {  	s0 =	sadd.s32 @!p0 $0x100000, s0  }
0x2ab: {  	[sflag:s0] =	ssyncadd.tile.s32 @!p0 $0x1;
	_ =	shalt  }
.Lfunc_end2:
_tile_overlayer_lowered:
.L_overlay_start_2:
0x2ac: {  	(tag) =	ssettag $0x2  }
0x2ad: {  	s0 =	rddreg [dreg:$0x0];
	s2 =	stileid.u32  }
0x2ae: {  	s1 =	rddreg [dreg:$0x1];
	p0 =	sne.s32 s2, $0x0  }
0x2af: {  	s3 =	rddreg [dreg:$0x2];
	[bflag:$0x3] =	sbarrier.arrive $0xFFFF;
	s2 =	simm.s32 @!p0 $0x1C06  }
0x2b0: {  	[timem:s3], [sflag:s2] =	dma.local @!p0 [hbm:s0], s1  }
0x2b1: {  	s0 =	simm.s32 @!p0 $0x6  }
0x2b2: {  	_ =	swait.ge @!p0 [sflag:s0], s1  }
0x2b3: {  	s1 =	ssub.s32 @!p0 $0x0, s1;
	[sflag:s0] =	ssyncset.done @!p0 $0x0  }
0x2b4: {  	[sflag:s0] =	ssyncadd.s32 @!p0 s1  }
0x2b5: {  	[bflag:$0x3] =	sbarrier.arrive $0xFFFF  }
0x2b6: {  	_ =	shalt  }

// kernel: sparse-core-data-format-call.cloned.1.call-start
scs
called_computation_lowered:
.L_overlay_start_0:
0x0: {  	s2 =	sld [smem:$0x3FD9]  }
0x1: {  	s3 =	sld [smem:$0x3FFE];
	_ =	sdelay $0x1  }
0x2: {  	s1 =	srdreg.scid  }
0x3: {  	s0 =	sand.u32 $0x1, s1  }
0x4: {  	s18 =	sshll.u32 s0, $0xA;
	s2 =	sadd.s32 s3, s2  }
0x5: {  	s2 =	sadd.s32 s2, s18  }
0x6: {  	[smem:$0x3FC2] =	sst s2  }
0x7: {  	_ = 	snop  }
0x8: {  	s2 =	sld [smem:$0x3FD0];
	(tm) =	ssettm $0x1  }
0x9: {  	s19 =	sld [smem:$0x3FFB];
	_ =	sdelay $0x3  }
0xa: {  	_ =	strace s19  }
0xb: {  	s3 =	sld [smem:$0x3FFC];
	_ =	sdelay $0x3  }
0xc: {  	_ =	strace s3  }
0xd: {  	s3 =	sld [smem:$0x3FFD];
	_ =	sdelay $0x3  }
0xe: {  	_ =	strace s3  }
0xf: {  	_ =	strace $0x8FFFFFFF  }
0x10: {  	s20 =	sld [smem:$0x3FDB];
	_ =	sdelay $0x1  }
0x11: {  	s4 =	simm.s32 $_scs_section_size  }
0x12: {  	s5 =	simm.s32 $_size__tile_overlayer_lowered;
	s6 =	simm.s32 $_tile_overlayer_lowered  }
0x13: {  	s23 =	simm.s32 $0x1BFF;
	s22 =	sshll.u32 s6, $0x1;
	s3 =	sadd.s32 s4, s20  }
0x14: {  	s7 =	simm.s32 $0x0;
	s21 =	sshll.u32 s5, $0x1;
	s5 =	sadd.s32 s22, s3  }
0x15: {  	[timem:s7], [sflag:s23] =	dma.local [hbm:s5], s21  }
0x16: {  	_ =	swait.ge [sflag:s23], s21  }
0x17: {  	s4 =	ssub.s32 $0x0, s21;
	[sflag:s23] =	ssyncset.done $0x0  }
0x18: {  	[sflag:s23] =	ssyncadd.s32 s4;
	_ =	sdelay $0x1  }
0x19: {  	s24 =	simm.s32 $0x1B8B  }
0x1a: {  	_ =	swait.ge [sflag:s24], $0x1  }
0x1b: {  	[sflag:s24] =	ssyncset.done $0x0  }
0x1c: {  	s26 =	simm.s32 $0x1B8E;
	s25 =	sld [smem:$0x3FFE];
	[sflag:s24] =	ssyncadd.s32 $0xFFFFFFFF  }
0x1d: {  	s27 =	simm.s32 $execute0_lowered;
	[smem:$0x3FD2] =	sst s26  }
0x1e: {  	s5 =	sshll.u32 s27, $0x1;
	_ =	strace $0x80000049;
	[dreg:$0x1] =	wrdreg $0xFFFFFFFF  }
0x1f: {  	s28 =	simm.s32 $_size_execute0_lowered;
	s3 =	sadd.s32 s3, s5;
	[dreg:$0x0] =	wrdreg $0x0  }
0x20: {  	s5 =	sshll.u32 s28, $0x1;
	[dreg:$0x2] =	wrdreg s3  }
0x21: {  	[dreg:$0x3] =	wrdreg s5  }
0x22: {  	[dreg:$0x4] =	wrdreg $0xC0  }
0x23: {  	_ =	task [dreg:s7], $0x5FFFF  }
0x24: {  	[dreg:$0x1] =	wrdreg $0xFFFFFFFF  }
0x25: {  	[dreg:$0x0] =	wrdreg $0x60  }
0x26: {  	[dreg:$0x2] =	wrdreg s25  }
0x27: {  	[dreg:$0x3] =	wrdreg s2  }
0x28: {  	[dreg:$0x4] =	wrdreg $0x9  }
0x29: {  	_ =	task.clear_ibuf [dreg:s7], $0x5FFFF;
	_ =	strace $0x90000049  }
0x2a: {  	s29 =	simm.s32 $0x9;
	_ =	strace $0x8000004B  }
0x2b: {  	_ =	swait.ge [sflag:s29], $0x1  }
0x2c: {  	[sflag:s29] =	ssyncadd.s32 $0xFFFFFFFF  }
0x2d: {  	_ =	strace $0x9000004B  }
0x2e: {  	_ =	sfence  }
0x2f: {  	s30 =	sld [smem:$0x0];
	_ =	sdelay $0x2  }
0x30: {  	s31 =	sshll.u32 s1, $0xD;
	s1 =	sshrl.u32 s1, $0x2  }
0x31: {  	s3 =	sand.u32 $0x4000, s31;
	s1 =	sadd.s32 s1, s30  }
0x32: {  	s0 =	sor.u32 s3, s0;
	s1 =	sshll.u32 s1, $0x11  }
0x33: {  	s0 =	sor.u32 s1, s0  }
0x34: {  	s0 =	sadd.s32 $0x8F2B, s0  }
0x35: {  	[sflag:s0] =	ssyncadd.remote.s32 $0x1  }
0x36: {  	_ =	sfence.sel $0xFFFF  }
0x37: {  	[dreg:$0x0] =	wrdreg $0xFFFFFFFF;
	(pc) =	sbr.abs _section_cstart, $3  }
0x38: {  	[dreg:$0x1] =	wrdreg $0xFFFFFFFF  }
0x39: {  	_ =	task.clear_ibuf [dreg:s7], $0x2FFFF;
	_ =	strace $0x9FFFFFFF  }
0x3a: {  	(tm) =	ssettm $0x7FFFFFFF  }
0x3b: {  	_ =	shalt  }
tec
execute0_lowered:
.L_overlay_start_1:
0x0: {  	(tag) =	ssettag $0x1  }
0x1: {  	s0 =	srdreg.scid  }
0x2: {  	s1 =	sshll.u32 s0, $0x4  }
0x3: {  	s0 =	stileid.u32;
	s1 =	sand.u32 $0x10, s1  }
0x4: {  	s1 =	sor.u32 s0, s1  }
0x5: {  	s6 =	rddreg [dreg:$0x0];
	s4 =	simm.s32 $0x1;
	s2 =	sshll.u32 s1, $0x7  }
0x6: {  	s7 =	simm.s32 $0x2;
	s12 =	simm.s32 $0x0;
	s1 =	ssub.s32 $0x4000, s2  }
0x7: {  	s8 =	simm.s32 $0x20000;
	s13 =	simm.s32 $0x0;
	s3 =	sand.u32 $0xF80, s1  }
0x8: {  	s9 =	simm.s32 $0x0;
	s5 =	sshrl.u32 s1, $0xC;
	p0 =	sne.s32 s3, $0x0  }
.Ltmp0:
0x9: {  	s1 =	rddreg [dreg:$0x2];
	s4 =	simm.s32 @!p0 $0x0;
	(pc) =	sbr.rel .LBB1_1-.Ltmp0, $4  }
0xa: {  	s11 =	simm.s32 $0x0;
	s3 =	rddreg [dreg:$0x1];
	s5 =	sadd.s32 s4, s5  }
0xb: {  	_ =	strace $0x8000004A;
	s4 =	simm.s32 $0x1;
	s5 =	smul.u32 $0xC8, s5  }
0xc: {  	s6 =	sadd.s32 $0x800, s6;
	s10 =	smov.u32 s2;
	[sflag:s4] =	ssyncpa.u1 $0x0  }
0xd: {  	p0 =	por $0x0, $0x0;
	[sflag:s7] =	ssyncpa.u1 $0x0;
	s7 =	sor.u32 $0x1, s5  }
.LBB1_4:
0xe: {  	s16 =	sshll.u32 s13, $0x3;
	s17 =	sand.u32 $0x78, s13  }
0xf: {  	s30 =	sand.u32 $0x1F800, s13;
	s12 =	sshll.u32 s12, $0x11;
	s16 =	sand.u32 $0x3C00, s16  }
0x10: {  	[tilespmem:s15+$0x810 ss:$0x81] =	vst.msk $0xffff, v2;
	s31 =	sand.u32 $0x7, s13;
	s16 =	sor.u32 s17, s16;
	s17 =	sadd.s32 s3, s30  }
0x11: {  	[tilespmem:s15+$0x1020 ss:$0x81] =	vst.msk $0xffff, v0;
	s13 =	sshll.u32 s31, $0x12;
	s12 =	sadd.s32 s12, s17;
	s16 =	sshrl.u32 s16, $0x3  }
0x12: {  	[tilespmem:s15+$0x0 ss:$0x81] =	vst.msk $0xffff, v1;
	s13 =	sor.u32 $0x400, s13;
	s12 =	sadd.s32 s16, s12  }
0x13: {  	[hbm4b:s12+s13] =	stream.strided.scatter [tilespmem:s14], [sflag:$0x2], $0x2000, s8, s13, $0x20;
	[tilespmem:$0x8080] =	vst v63  }
.LBB1_5:
0x14: {  	s14 =	sadd.s32 $0x1, s9  }
0x15: {  	s12 =	sadd.s32 $0x1000, s10;
	s16 =	smov.u32 s10;
	p2 =	sgt.s32 s14, $0xC7  }
0x16: {  	s16 =	smov.u32 @p2 s12  }
0x17: {  	s14 =	simm.s32 @p2 $0x0;
	p2 =	sgt.s32 s16, $0x3FFF  }
0x18: {  	s16 =	smov.u32 @p2 s2;
	p2 =	sne.s32 s11, s7  }
.Ltmp1:
0x19: {  	p1 =	slt.u32 s11, $0x2;
	(pc) =	sbr.rel @!p2 .LBB1_6-.Ltmp1, $4  }
0x1a: {  	s15 =	simm.s32 @!p1 $0x2  }
0x1b: {  	s13 =	smov.u32 s10;
	p0 =	por !p0, !p0;
	_ =	swait.ge @!p1 [sflag:s15], $0x2000  }
0x1c: {  	s12 =	smov.u32 s9;
	[sflag:s15] =	ssyncset.done @!p1 $0x0;
	s9 =	smov.u32 s14  }
0x1d: {  	s11 =	sadd.s32 $0x1, s11;
	[sflag:s15] =	ssyncadd.s32 @!p1 $0xFFFFE000;
	s10 =	smov.u32 s16  }
.LBB1_1:
0x1e: {  	p1 =	sge.u32 s11, s5  }
0x1f: {  	s14 =	sand.u32 @!p1 $0x1FFFFFF, s9  }
0x20: {  	s15 =	smulhi.u32 @!p1 $0x147AE15, s14;
	_ =	sdelay $0x1  }
0x21: {  	s15 =	smul.u32 @!p1 $0xC8, s15  }
0x22: {  	s16 =	sxor.u32 @!p1 $0xFFFFFFFF, s11;
	s17 =	smul.u32 @!p1 $0xC80, s10  }
0x23: {  	s31 =	sadd.s32 $0xFFFFFFFF, s11;
	s16 =	sshll.u32 @!p1 s16, $0xD;
	s14 =	ssub.s32 @!p1 s14, s15  }
0x24: {  	s15 =	sand.u32 @!p1 $0x2000, s16;
	s16 =	sadd.s32 @!p1 s6, s17;
	s14 =	sshll.u32 @!p1 s14, $0x4  }
0x25: {  	s17 =	simm.s32 @!p1 $0x6400;
	s14 =	sadd.s32 @!p1 s14, s16;
	s16 =	simm.s32 @!p1 $0x40  }
0x26: {  	[tilespmem:s15], [sflag:$0x1] =	stream.strided.gather @!p1 [hbm4b:s14+s16], $0x2000, s17, s16, $0x38;
	[tilespmem:$0x8080] =	vst v63  }
0x27: {  	p1 =	sge.u32 s31, s5  }
.Ltmp2:
0x28: {  	_ = 	snop;
	(pc) =	sbr.rel @p1 .LBB1_5-.Ltmp2, $1  }
0x29: {  	_ =	sdelay $0x3  }
0x2a: {  	s14 =	simm.s32 $0x1  }
0x2b: {  	_ =	swait.ge [sflag:s4], $0x2000;
	s14 =	simm.s32 @!p0 $0x0  }
0x2c: {  	[sflag:s4] =	ssyncset.done $0x0;
	s15 =	sshll.u32 s14, $0xD  }
0x2d: {  	[sflag:s4] =	ssyncadd.s32 $0xFFFFE000;
	s18 =	sor.u32 $0x20, s15  }
0x2e: {  	s14 =	smul.u32 $0x8100, s14;
	v3 =	vld [tilespmem:s18+$0x10]  }
0x2f: {  	s30 =	sand.u32 $0x1, s11;
	v2 =	vld [tilespmem:s18+$0xFFFFFFF0]  }
0x30: {  	s15 =	smul.u32 $0x8100, s30;
	s14 =	sshrl.u32 s14, $0x2;
	v0 =	vld [tilespmem:s18+$0x0]  }
0x31: {  	v1 =	vld [tilespmem:s18+$0xFFFFFFE0];
	s16 =	sor.u32 $0x4000, s14  }
0x32: {  	s31 =	sshrl.u32 s15, $0x2;
	s15 =	sadd.s32 $0x0, s16  }
0x33: {  	s17 =	simm.s32 $0x4;
	s18 =	sadd.s32 $0x40, s18;
	s14 =	sor.u32 $0x4000, s31;
	[tilespmem:s15+$0x1830 ss:$0x81] =	vst.msk $0xffff, v3  }
.LBB1_3:
0x34: {  	v3 =	vld [tilespmem:s18+$0x10];
	p1 =	sne.s32 s17, $0x1FC;
	[tilespmem:s15+$0x810 ss:$0x81] =	vst.msk $0xffff, v2;
	s19 =	smov.u32 s17;
	s17 =	sadd.s32 $0x4, s17  }
.Ltmp3:
0x35: {  	v2 =	vld [tilespmem:s18+$0xFFFFFFF0];
	[tilespmem:s15+$0x1020 ss:$0x81] =	vst.msk $0xffff, v0;
	(pc) =	sbr.rel @p1 .LBB1_3-.Ltmp3, $4  }
0x36: {  	v0 =	vld [tilespmem:s18+$0x0];
	[tilespmem:s15+$0x0 ss:$0x81] =	vst.msk $0xffff, v1  }
0x37: {  	s15 =	sshra.s32 s19, $0x2;
	v1 =	vld [tilespmem:s18+$0xFFFFFFE0]  }
0x38: {  	s15 =	sadd.s32 s15, s16  }
0x39: {  	s18 =	sadd.s32 $0x40, s18;
	[tilespmem:s15+$0x1830 ss:$0x81] =	vst.msk $0xffff, v3  }
.Ltmp4:
0x3a: {  	_ = 	snop;
	(pc) =	sbr.rel .LBB1_4-.Ltmp4, $1  }
0x3b: {  	_ =	sdelay $0x3  }
.LBB1_6:
0x3c: {  	_ =	sfence.sel $0x180000  }
0x3d: {  	s2 =	simm.s32 $0x1;
	[bflag:$0x0] =	sbarrier.arrive $0xFFFF  }
0x3e: {  	s31 =	simm.s32 $0x2;
	[sflag:s2] =	ssyncpa.u1 $0x1  }
0x3f: {  	[sflag:s31] =	ssyncpa.u1 $0x1  }
0x40: {  	p0 =	sne.s32 s0, $0x0;
	_ =	strace $0x9000004A  }
0x41: {  	s0 =	sadd.s32 @!p0 $0x100000, s1;
	[bflag:$0x2] =	sbarrier.arrive $0xFFFF  }
0x42: {  	[sflag:s0] =	ssyncadd.tile.s32 @!p0 $0x1;
	_ =	shalt  }
.Lfunc_end1:
_tile_overlayer_lowered:
.L_overlay_start_2:
0x43: {  	(tag) =	ssettag $0x2  }
0x44: {  	s0 =	rddreg [dreg:$0x0];
	s2 =	stileid.u32  }
0x45: {  	s1 =	rddreg [dreg:$0x1];
	p0 =	sne.s32 s2, $0x0  }
0x46: {  	s3 =	rddreg [dreg:$0x2];
	[bflag:$0x3] =	sbarrier.arrive $0xFFFF;
	s2 =	simm.s32 @!p0 $0x1C01  }
0x47: {  	[timem:s3], [sflag:s2] =	dma.local @!p0 [hbm:s0], s1  }
0x48: {  	s0 =	simm.s32 @!p0 $0x1  }
0x49: {  	_ =	swait.ge @!p0 [sflag:s0], s1  }
0x4a: {  	s1 =	ssub.s32 @!p0 $0x0, s1;
	[sflag:s0] =	ssyncset.done @!p0 $0x0  }
0x4b: {  	[sflag:s0] =	ssyncadd.s32 @!p0 s1  }
0x4c: {  	[bflag:$0x3] =	sbarrier.arrive $0xFFFF  }
0x4d: {  	_ =	shalt  }

</sc_bundles>
